<compile_context>
chip_gen: v7x
topology: tpu7x:2x2x1
jax: 0.10.2.dev20260603
libtpu: 0.0.44.dev20260713+nightly
codegen_flags: <defaults>
</compile_context>

<pallas_src>
import functools

import jax
import jax.numpy as jnp
from jax import lax
from jax.experimental import pallas as pl
from jax.experimental.pallas import tpu as pltpu
from jax.experimental.pallas import tpu_sc as plsc


def _pack_bf16(a):
    u = lax.bitcast_convert_type(a.astype(jnp.bfloat16), jnp.uint16)
    m = u.shape[1] // 2
    lo = u[:, :m].astype(jnp.int32)
    hi = u[:, m:].astype(jnp.int32)
    return lo | (hi << 16)


def _unpack_bf16(p):
    lo = (p & 0xFFFF).astype(jnp.uint16)
    hi = lax.shift_right_logical(p, 16).astype(jnp.uint16)
    return jnp.concatenate([lax.bitcast_convert_type(lo, jnp.bfloat16),
                            lax.bitcast_convert_type(hi, jnp.bfloat16)],
                           axis=1)


D_MODEL = 1024
D_EXPERT = 512
NUM_EXPERTS = 8
TOPK = 2
T = 8192
NH = 1
TH = T // NH
PH = TH * TOPK
BT = 512
BC = 512
NBLK = PH // BC + NUM_EXPERTS
BUF = NBLK * BC
NW = 32
PW = PH // NW
CH = 64
HB = TH // BT


def _router_block(x_ref, wg_ref, e0_ref, e1_ref, r0_ref, r1_ref,
                  w0_ref, w1_ref, cnt_ref, xb16_ref, crun_ref):
    i = pl.program_id(0)

    @pl.when(lax.rem(i, HB) == 0)
    def _():
        crun_ref[...] = jnp.zeros((8, NUM_EXPERTS), jnp.float32)

    xb = x_ref[...]
    logits = lax.dot_general(xb, wg_ref[...], (((1,), (1,)), ((), ())),
                             preferred_element_type=jnp.float32)
    m = jnp.max(logits, axis=-1, keepdims=True)
    ex = jnp.exp(logits - m)
    probs = ex / jnp.sum(ex, axis=-1, keepdims=True)

    e0 = jnp.argmax(probs, axis=-1)
    w0 = jnp.max(probs, axis=-1)
    iota = lax.broadcasted_iota(jnp.int32, probs.shape, 1)
    probs2 = jnp.where(iota == e0[:, None], -jnp.inf, probs)
    e1 = jnp.argmax(probs2, axis=-1)
    w1 = jnp.max(probs2, axis=-1)
    s = w0 + w1

    oh0 = (iota == e0[:, None]).astype(jnp.float32)
    oh1 = (iota == e1[:, None]).astype(jnp.float32)
    ri = lax.broadcasted_iota(jnp.int32, (BT, BT), 0)
    ci = lax.broadcasted_iota(jnp.int32, (BT, BT), 1)
    tri = (ri > ci).astype(jnp.float32)
    ex0 = lax.dot_general(tri, oh0, (((1,), (0,)), ((), ())),
                          preferred_element_type=jnp.float32)
    ex1 = lax.dot_general(tri, oh1, (((1,), (0,)), ((), ())),
                          preferred_element_type=jnp.float32)
    cnt0 = jnp.sum(oh0, axis=0)
    cnt1 = jnp.sum(oh1, axis=0)
    crun = crun_ref[0:1, :]
    r0 = jnp.sum(oh0 * (crun + ex0), axis=1)
    r1 = jnp.sum(oh1 * (crun + cnt0[None, :] + ex1), axis=1)
    new = crun[0] + cnt0 + cnt1
    crun_ref[...] = jnp.broadcast_to(new[None, :], (8, NUM_EXPERTS))
    cnt_ref[...] = jnp.broadcast_to(new[None, :], (8, NUM_EXPERTS))

    e0_ref[...] = e0[:, None]
    e1_ref[...] = e1[:, None]
    r0_ref[...] = r0.astype(jnp.int32)[:, None]
    r1_ref[...] = r1.astype(jnp.int32)[:, None]
    w0_ref[...] = (w0 / s)[:, None]
    w1_ref[...] = (w1 / s)[:, None]
    xb16_ref[...] = _pack_bf16(xb)


def _router(xf, Wg):
    shapes = [
        jax.ShapeDtypeStruct((T, 1), jnp.int32),
        jax.ShapeDtypeStruct((T, 1), jnp.int32),
        jax.ShapeDtypeStruct((T, 1), jnp.int32),
        jax.ShapeDtypeStruct((T, 1), jnp.int32),
        jax.ShapeDtypeStruct((T, 1), jnp.float32),
        jax.ShapeDtypeStruct((T, 1), jnp.float32),
        jax.ShapeDtypeStruct((8 * NH, NUM_EXPERTS), jnp.float32),
        jax.ShapeDtypeStruct((T, D_MODEL // 2), jnp.int32),
    ]
    tspec = pl.BlockSpec((BT, 1), lambda i: (i, 0))
    return pl.pallas_call(
        _router_block,
        grid=(T // BT,),
        in_specs=[
            pl.BlockSpec((BT, D_MODEL), lambda i: (i, 0)),
            pl.BlockSpec((NUM_EXPERTS, D_MODEL), lambda i: (0, 0)),
        ],
        out_specs=[tspec, tspec, tspec, tspec, tspec, tspec,
                   pl.BlockSpec((8, NUM_EXPERTS), lambda i: (i // HB, 0)),
                   pl.BlockSpec((BT, D_MODEL // 2), lambda i: (i, 0))],
        out_shape=shapes,
        scratch_shapes=[pltpu.VMEM((8, NUM_EXPERTS), jnp.float32)],
    )(xf, Wg)


def _sc_scatter(xp, p, h):
    mesh = plsc.VectorSubcoreMesh(core_axis_name="c", subcore_axis_name="s")

    nchunks = PW // CH

    @functools.partial(
        pl.kernel, mesh=mesh,
        out_type=jax.ShapeDtypeStruct((BUF, D_MODEL // 2), jnp.int32),
        scratch_types=[pltpu.VMEM((CH,), jnp.int32),
                       pltpu.VMEM((CH,), jnp.int32),
                       pltpu.VMEM((CH, D_MODEL // 2), jnp.int32),
                       pltpu.VMEM((CH, D_MODEL // 2), jnp.int32),
                       pltpu.SemaphoreType.DMA,
                       pltpu.SemaphoreType.DMA,
                       pltpu.SemaphoreType.DMA,
                       pltpu.SemaphoreType.DMA,
                       pltpu.SemaphoreType.DMA,
                       pltpu.SemaphoreType.DMA],
    )
    def k(x_hbm, p_hbm, buf_hbm, i0, i1, d0, d1,
          si0, si1, sd0, sd1, so0, so1):
        wid = lax.axis_index("s") * 2 + lax.axis_index("c")
        base = wid * PW
        trow = h * TH + lax.rem(base, TH)
        idx = (i0, i1)
        dat = (d0, d1)
        sis = (si0, si1)
        sds = (sd0, sd1)
        sos = (so0, so1)

        def load(c):
            b = c & 1
            hi = pltpu.async_copy(p_hbm.at[pl.ds(base + c * CH, CH)],
                                  idx[b], sis[b])
            hd = pltpu.async_copy(x_hbm.at[pl.ds(trow + c * CH, CH)],
                                  dat[b], sds[b])
            return hi, hd

        hin = [None] * nchunks
        hout = [None] * nchunks
        hin[0] = load(0)
        for c in range(nchunks):
            b = c & 1
            hin[c][0].wait()
            hin[c][1].wait()
            hout[c] = pltpu.async_copy(dat[b], buf_hbm.at[idx[b]], sos[b])
            if c + 1 < nchunks:
                if c >= 1:
                    hout[c - 1].wait()
                hin[c + 1] = load(c + 1)
        hout[nchunks - 1].wait()
        if nchunks >= 2:
            hout[nchunks - 2].wait()

    return k(xp, p)


def _sc_gather(y, p):
    mesh = plsc.VectorSubcoreMesh(core_axis_name="c", subcore_axis_name="s")

    nchunks = PW // CH

    @functools.partial(
        pl.kernel, mesh=mesh,
        out_type=jax.ShapeDtypeStruct((PH, D_MODEL // 2), jnp.int32),
        scratch_types=[pltpu.VMEM((CH,), jnp.int32),
                       pltpu.VMEM((CH,), jnp.int32),
                       pltpu.VMEM((CH, D_MODEL // 2), jnp.int32),
                       pltpu.VMEM((CH, D_MODEL // 2), jnp.int32),
                       pltpu.SemaphoreType.DMA,
                       pltpu.SemaphoreType.DMA,
                       pltpu.SemaphoreType.DMA,
                       pltpu.SemaphoreType.DMA,
                       pltpu.SemaphoreType.DMA,
                       pltpu.SemaphoreType.DMA],
    )
    def k(y_hbm, p_hbm, g_hbm, i0, i1, r0, r1,
          si0, si1, sg0, sg1, ss0, ss1):
        wid = lax.axis_index("s") * 2 + lax.axis_index("c")
        base = wid * PW
        idx = (i0, i1)
        rows = (r0, r1)
        sis = (si0, si1)
        sgs = (sg0, sg1)
        sss = (ss0, ss1)

        def load_idx(c):
            b = c & 1
            return pltpu.async_copy(p_hbm.at[pl.ds(base + c * CH, CH)],
                                    idx[b], sis[b])

        hidx = [None] * nchunks
        hg = [None] * nchunks
        hs = [None] * nchunks
        hidx[0] = load_idx(0)
        for c in range(nchunks):
            b = c & 1
            hidx[c].wait()
            if c >= 2:
                hs[c - 2].wait()
            hg[c] = pltpu.async_copy(y_hbm.at[idx[b]], rows[b], sgs[b])
            if c + 1 < nchunks:
                hidx[c + 1] = load_idx(c + 1)
            hg[c].wait()
            hs[c] = pltpu.async_copy(rows[b],
                                     g_hbm.at[pl.ds(base + c * CH, CH)],
                                     sss[b])
        hs[nchunks - 1].wait()
        if nchunks >= 2:
            hs[nchunks - 2].wait()

    return k(y, p)


def _ffn_block(be_ref, buf_ref, w1_ref, b1_ref, w2_ref, b2_ref, y_ref):
    xb = _unpack_bf16(buf_ref[...])
    h = lax.dot_general(xb, w1_ref[0].astype(jnp.bfloat16),
                        (((1,), (1,)), ((), ())),
                        preferred_element_type=jnp.float32) + b1_ref[0]
    h = jnp.maximum(h, 0.0).astype(jnp.bfloat16)
    y = lax.dot_general(h, w2_ref[0].astype(jnp.bfloat16),
                        (((1,), (1,)), ((), ())),
                        preferred_element_type=jnp.float32) + b2_ref[0]
    y_ref[...] = _pack_bf16(y)


def _grouped_ffn(be, buf, W1, b1, W2, b2):
    grid_spec = pltpu.PrefetchScalarGridSpec(
        num_scalar_prefetch=1,
        grid=(NBLK,),
        in_specs=[
            pl.BlockSpec((BC, D_MODEL // 2), lambda i, be: (i, 0)),
            pl.BlockSpec((1, D_EXPERT, D_MODEL), lambda i, be: (be[i], 0, 0)),
            pl.BlockSpec((1, 1, D_EXPERT), lambda i, be: (be[i], 0, 0)),
            pl.BlockSpec((1, D_MODEL, D_EXPERT), lambda i, be: (be[i], 0, 0)),
            pl.BlockSpec((1, 1, D_MODEL), lambda i, be: (be[i], 0, 0)),
        ],
        out_specs=pl.BlockSpec((BC, D_MODEL // 2), lambda i, be: (i, 0)),
    )
    return pl.pallas_call(
        _ffn_block,
        grid_spec=grid_spec,
        out_shape=jax.ShapeDtypeStruct((BUF, D_MODEL // 2), jnp.int32),
    )(be, buf, W1, b1.reshape(NUM_EXPERTS, 1, D_EXPERT),
      W2, b2.reshape(NUM_EXPERTS, 1, D_MODEL))


def _combine_block(ya_ref, yb_ref, w0_ref, w1_ref, out_ref):
    ya = _unpack_bf16(ya_ref[...]).astype(jnp.float32)
    yb = _unpack_bf16(yb_ref[...]).astype(jnp.float32)
    out_ref[...] = ya * w0_ref[...] + yb * w1_ref[...]


def _combine(g, w0, w1, h):
    nb = TH // BT
    return pl.pallas_call(
        _combine_block,
        grid=(nb,),
        in_specs=[
            pl.BlockSpec((BT, D_MODEL // 2), lambda i: (i, 0)),
            pl.BlockSpec((BT, D_MODEL // 2), lambda i: (i + nb, 0)),
            pl.BlockSpec((BT, 1), lambda i: (i + h * nb, 0)),
            pl.BlockSpec((BT, 1), lambda i: (i + h * nb, 0)),
        ],
        out_specs=pl.BlockSpec((BT, D_MODEL), lambda i: (i, 0)),
        out_shape=jax.ShapeDtypeStruct((TH, D_MODEL), jnp.float32),
    )(g, g, w0, w1)


def _half_plumbing(counts, e0, e1, r0, r1, h):
    cnt = counts[8 * h].astype(jnp.int32)
    padded = ((cnt + BC - 1) // BC) * BC
    ends = jnp.cumsum(padded)
    off = ends - padded
    sl = slice(h * TH, (h + 1) * TH)
    p0 = jnp.take(off, e0[sl, 0]) + r0[sl, 0]
    p1 = jnp.take(off, e1[sl, 0]) + r1[sl, 0]
    p = jnp.concatenate([p0, p1])
    starts = jnp.arange(NBLK, dtype=jnp.int32) * BC
    be = jnp.minimum(
        jnp.searchsorted(ends, starts, side="right").astype(jnp.int32),
        NUM_EXPERTS - 1)
    return p, be


@jax.jit
def kernel(x, Wg, W1, b1, W2, b2):
    B, S, D = x.shape
    xf = x.reshape(T, D)

    e0, e1, r0, r1, w0, w1, counts, xp = _router(xf, Wg)
    outs = []
    for h in range(NH):
        ph, beh = _half_plumbing(counts, e0, e1, r0, r1, h)
        buf = _sc_scatter(xp, ph, h)
        y = _grouped_ffn(beh, buf, W1, b1, W2, b2)
        g = _sc_gather(y, ph)
        outs.append(_combine(g, w0, w1, h))
    out = outs[0] if NH == 1 else jnp.concatenate(outs)
    return out.reshape(B, S, D)

# --- scband reference (transcript-rebuilt; emitter-appended) ---
"""Pipeline reference for scband-mo-effn-81647328297468 (READ-ONLY COPY).

The authoritative reference and input builder live on the scoring server;
editing this copy changes nothing except your own understanding.
"""

import jax, jax.numpy as jnp
import numpy as np

D_MODEL = 1024
D_EXPERT = 512
NUM_EXPERTS = 8
TOP_K = 2

def setup_inputs(seed: int = 0) -> dict:
    key = jax.random.key(seed)
    k_x, k_g, k_w1, k_w2 = jax.random.split(key, 4)
    x = jax.random.normal(k_x, (2, 4096, D_MODEL), dtype=jnp.float32)
    Wg = jax.random.normal(k_g, (NUM_EXPERTS, D_MODEL), dtype=jnp.float32) * 0.02
    W1 = jax.random.normal(k_w1, (NUM_EXPERTS, D_EXPERT, D_MODEL), dtype=jnp.float32) * 0.02
    b1 = jnp.zeros((NUM_EXPERTS, D_EXPERT), dtype=jnp.float32)
    W2 = jax.random.normal(k_w2, (NUM_EXPERTS, D_MODEL, D_EXPERT), dtype=jnp.float32) * 0.02
    b2 = jnp.zeros((NUM_EXPERTS, D_MODEL), dtype=jnp.float32)
    return {"x": x, "Wg": Wg, "W1": W1, "b1": b1, "W2": W2, "b2": b2}

def reference(x, Wg, W1, b1, W2, b2):
    B, S, D = x.shape
    E = Wg.shape[0]
    xf = x.reshape(-1, D)
    # Gate: router logits -> softmax -> top-k -> renormalize
    router_logits = xf @ Wg.T
    routing_probs = jax.nn.softmax(router_logits.astype(jnp.float32), axis=-1)
    routing_weights, selected_experts = jax.lax.top_k(routing_probs, TOP_K)
    routing_weights = routing_weights / jnp.sum(routing_weights, axis=-1, keepdims=True)
    # Per-token per-expert combine weight (0 for unselected experts);
    # mathematically identical to the torch gather/index_add_ dispatch.
    onehot = jax.nn.one_hot(selected_experts, E, dtype=routing_weights.dtype)  # [T, k, E]
    combine_w = jnp.sum(routing_weights[..., None] * onehot, axis=1)  # [T, E]
    final = jnp.zeros_like(xf)
    for e in range(E):
        h = jax.nn.relu(xf @ W1[e].T + b1[e])
        h = h @ W2[e].T + b2[e]
        final = final + h * combine_w[:, e][:, None]
    return final.reshape(B, S, D)

if __name__ == "__main__":
    import jax
    _d = setup_inputs()
    print(jax.jit(kernel)(*tuple(_d.values())))

</pallas_src>

<mosaic_0001>
#map = affine_map<(d0, d1) -> (0, 0)>
#map1 = affine_map<(d0, d1) -> (0)>
module attributes {stable_mosaic.version = 14 : i64} {
  func.func @k(%arg0: i32, %arg1: i32, %arg2: memref<20480x512xi32, #tpu.memory_space<hbm>>, %arg3: memref<16384xi32, #tpu.memory_space<hbm>>, %arg4: memref<16384x512xi32, #tpu.memory_space<hbm>>, %arg5: memref<64xi32, #tpu.memory_space<vmem>>, %arg6: memref<64xi32, #tpu.memory_space<vmem>>, %arg7: memref<64x512xi32, #tpu.memory_space<vmem>>, %arg8: memref<64x512xi32, #tpu.memory_space<vmem>>, %arg9: memref<!tpu.dma_semaphore, #tpu.memory_space<semaphore_mem>>, %arg10: memref<!tpu.dma_semaphore, #tpu.memory_space<semaphore_mem>>, %arg11: memref<!tpu.dma_semaphore, #tpu.memory_space<semaphore_mem>>, %arg12: memref<!tpu.dma_semaphore, #tpu.memory_space<semaphore_mem>>, %arg13: memref<!tpu.dma_semaphore, #tpu.memory_space<semaphore_mem>>, %arg14: memref<!tpu.dma_semaphore, #tpu.memory_space<semaphore_mem>>) attributes {dimension_semantics = [#tpu.dimension_semantics<core_parallel>, #tpu.dimension_semantics<subcore_parallel>], iteration_bounds = array<i64: 2, 16>, scalar_prefetch = 0 : i64, scratch_operands = 10 : i64, tpu.core_type = #tpu.core_type<sc_vector_subcore>, window_params = [{transform_indices = #map}, {transform_indices = #map1}, {transform_indices = #map}]} {
    %mul3A = arith.constant 2 : i32
    %mul3A_0 = arith.muli %arg1, %mul3A : i32
    %add3A = arith.addi %mul3A_0, %arg0 : i32
    %mul3A_1 = arith.constant 512 : i32
    %mul3A_2 = arith.muli %add3A, %mul3A_1 : i32
    %add3A_3 = arith.constant 0 : i32
    %add3A_4 = arith.addi %mul3A_2, %add3A_3 : i32
    %dma_start3A = tpu.memref_slice %arg3[%add3A_4] : memref<16384xi32, #tpu.memory_space<hbm>> -> memref<64xi32, #tpu.memory_space<hbm>>
    %dma_start3A_5 = tpu.memref_slice %arg3[%add3A_4] : memref<16384xi32, #tpu.memory_space<hbm>> -> memref<64xi32, #tpu.memory_space<hbm>>
    tpu.enqueue_dma source(%dma_start3A_5 : memref<64xi32, #tpu.memory_space<hbm>>) target(%arg5 : memref<64xi32, #tpu.memory_space<vmem>>) target_semaphore(%arg9 : memref<!tpu.dma_semaphore, #tpu.memory_space<semaphore_mem>>)
    %dma_wait3A = tpu.memref_slice %arg3[%add3A_4] : memref<16384xi32, #tpu.memory_space<hbm>> -> memref<64xi32, #tpu.memory_space<hbm>>
    %dma_wait3A_6 = tpu.memref_slice %arg3[%add3A_4] : memref<16384xi32, #tpu.memory_space<hbm>> -> memref<64xi32, #tpu.memory_space<hbm>>
    tpu.wait_dma2 semaphore(%arg9 : memref<!tpu.dma_semaphore, #tpu.memory_space<semaphore_mem>>) src(%dma_wait3A_6 : memref<64xi32, #tpu.memory_space<hbm>>) dst(%arg5 : memref<64xi32, #tpu.memory_space<vmem>>)
    %dma_start3A_7 = arith.constant 0 : i32
    %dma_start3A_8 = arith.constant 0 : i32
    %dma_start3A_9 = tpu.memref_slice %arg2[%dma_start3A_7, %dma_start3A_8] : memref<20480x512xi32, #tpu.memory_space<hbm>> -> memref<20480x512xi32, #tpu.memory_space<hbm>>
    tpu.enqueue_indirect_dma source(%dma_start3A_9 : memref<20480x512xi32, #tpu.memory_space<hbm>>) target(%arg7 : memref<64x512xi32, #tpu.memory_space<vmem>>) offsets(%arg5 : memref<64xi32, #tpu.memory_space<vmem>>) semaphore(%arg11 : memref<!tpu.dma_semaphore, #tpu.memory_space<semaphore_mem>>)
    %add3A_10 = arith.constant 64 : i32
    %add3A_11 = arith.addi %mul3A_2, %add3A_10 : i32
    %dma_start3A_12 = tpu.memref_slice %arg3[%add3A_11] : memref<16384xi32, #tpu.memory_space<hbm>> -> memref<64xi32, #tpu.memory_space<hbm>>
    %dma_start3A_13 = tpu.memref_slice %arg3[%add3A_11] : memref<16384xi32, #tpu.memory_space<hbm>> -> memref<64xi32, #tpu.memory_space<hbm>>
    tpu.enqueue_dma source(%dma_start3A_13 : memref<64xi32, #tpu.memory_space<hbm>>) target(%arg6 : memref<64xi32, #tpu.memory_space<vmem>>) target_semaphore(%arg10 : memref<!tpu.dma_semaphore, #tpu.memory_space<semaphore_mem>>)
    %dma_wait3A_14 = arith.constant 0 : i32
    %dma_wait3A_15 = arith.constant 0 : i32
    %dma_wait3A_16 = tpu.memref_slice %arg2[%dma_wait3A_14, %dma_wait3A_15] : memref<20480x512xi32, #tpu.memory_space<hbm>> -> memref<20480x512xi32, #tpu.memory_space<hbm>>
    tpu.wait_indirect_dma semaphore(%arg11 : memref<!tpu.dma_semaphore, #tpu.memory_space<semaphore_mem>>) src(%dma_wait3A_16 : memref<20480x512xi32, #tpu.memory_space<hbm>>) dst(%arg7 : memref<64x512xi32, #tpu.memory_space<vmem>>)
    %add3A_17 = arith.constant 0 : i32
    %add3A_18 = arith.addi %mul3A_2, %add3A_17 : i32
    %dma_start3A_19 = arith.constant 0 : i32
    %dma_start3A_20 = tpu.memref_slice %arg4[%add3A_18, %dma_start3A_19] : memref<16384x512xi32, #tpu.memory_space<hbm>> -> memref<64x512xi32, #tpu.memory_space<hbm>>
    %dma_start3A_21 = arith.constant 0 : i32
    %dma_start3A_22 = tpu.memref_slice %arg4[%add3A_18, %dma_start3A_21] : memref<16384x512xi32, #tpu.memory_space<hbm>> -> memref<64x512xi32, #tpu.memory_space<hbm>>
    tpu.enqueue_dma source(%arg7 : memref<64x512xi32, #tpu.memory_space<vmem>>) target(%dma_start3A_22 : memref<64x512xi32, #tpu.memory_space<hbm>>) target_semaphore(%arg13 : memref<!tpu.dma_semaphore, #tpu.memory_space<semaphore_mem>>)
    %dma_wait3A_23 = tpu.memref_slice %arg3[%add3A_11] : memref<16384xi32, #tpu.memory_space<hbm>> -> memref<64xi32, #tpu.memory_space<hbm>>
    %dma_wait3A_24 = tpu.memref_slice %arg3[%add3A_11] : memref<16384xi32, #tpu.memory_space<hbm>> -> memref<64xi32, #tpu.memory_space<hbm>>
    tpu.wait_dma2 semaphore(%arg10 : memref<!tpu.dma_semaphore, #tpu.memory_space<semaphore_mem>>) src(%dma_wait3A_24 : memref<64xi32, #tpu.memory_space<hbm>>) dst(%arg6 : memref<64xi32, #tpu.memory_space<vmem>>)
    %dma_start3A_25 = arith.constant 0 : i32
    %dma_start3A_26 = arith.constant 0 : i32
    %dma_start3A_27 = tpu.memref_slice %arg2[%dma_start3A_25, %dma_start3A_26] : memref<20480x512xi32, #tpu.memory_space<hbm>> -> memref<20480x512xi32, #tpu.memory_space<hbm>>
    tpu.enqueue_indirect_dma source(%dma_start3A_27 : memref<20480x512xi32, #tpu.memory_space<hbm>>) target(%arg8 : memref<64x512xi32, #tpu.memory_space<vmem>>) offsets(%arg6 : memref<64xi32, #tpu.memory_space<vmem>>) semaphore(%arg12 : memref<!tpu.dma_semaphore, #tpu.memory_space<semaphore_mem>>)
    %add3A_28 = arith.constant 128 : i32
    %add3A_29 = arith.addi %mul3A_2, %add3A_28 : i32
    %dma_start3A_30 = tpu.memref_slice %arg3[%add3A_29] : memref<16384xi32, #tpu.memory_space<hbm>> -> memref<64xi32, #tpu.memory_space<hbm>>
    %dma_start3A_31 = tpu.memref_slice %arg3[%add3A_29] : memref<16384xi32, #tpu.memory_space<hbm>> -> memref<64xi32, #tpu.memory_space<hbm>>
    tpu.enqueue_dma source(%dma_start3A_31 : memref<64xi32, #tpu.memory_space<hbm>>) target(%arg5 : memref<64xi32, #tpu.memory_space<vmem>>) target_semaphore(%arg9 : memref<!tpu.dma_semaphore, #tpu.memory_space<semaphore_mem>>)
    %dma_wait3A_32 = arith.constant 0 : i32
    %dma_wait3A_33 = arith.constant 0 : i32
    %dma_wait3A_34 = tpu.memref_slice %arg2[%dma_wait3A_32, %dma_wait3A_33] : memref<20480x512xi32, #tpu.memory_space<hbm>> -> memref<20480x512xi32, #tpu.memory_space<hbm>>
    tpu.wait_indirect_dma semaphore(%arg12 : memref<!tpu.dma_semaphore, #tpu.memory_space<semaphore_mem>>) src(%dma_wait3A_34 : memref<20480x512xi32, #tpu.memory_space<hbm>>) dst(%arg8 : memref<64x512xi32, #tpu.memory_space<vmem>>)
    %add3A_35 = arith.constant 64 : i32
    %add3A_36 = arith.addi %mul3A_2, %add3A_35 : i32
    %dma_start3A_37 = arith.constant 0 : i32
    %dma_start3A_38 = tpu.memref_slice %arg4[%add3A_36, %dma_start3A_37] : memref<16384x512xi32, #tpu.memory_space<hbm>> -> memref<64x512xi32, #tpu.memory_space<hbm>>
    %dma_start3A_39 = arith.constant 0 : i32
    %dma_start3A_40 = tpu.memref_slice %arg4[%add3A_36, %dma_start3A_39] : memref<16384x512xi32, #tpu.memory_space<hbm>> -> memref<64x512xi32, #tpu.memory_space<hbm>>
    tpu.enqueue_dma source(%arg8 : memref<64x512xi32, #tpu.memory_space<vmem>>) target(%dma_start3A_40 : memref<64x512xi32, #tpu.memory_space<hbm>>) target_semaphore(%arg14 : memref<!tpu.dma_semaphore, #tpu.memory_space<semaphore_mem>>)
    %dma_wait3A_41 = tpu.memref_slice %arg3[%add3A_29] : memref<16384xi32, #tpu.memory_space<hbm>> -> memref<64xi32, #tpu.memory_space<hbm>>
    %dma_wait3A_42 = tpu.memref_slice %arg3[%add3A_29] : memref<16384xi32, #tpu.memory_space<hbm>> -> memref<64xi32, #tpu.memory_space<hbm>>
    tpu.wait_dma2 semaphore(%arg9 : memref<!tpu.dma_semaphore, #tpu.memory_space<semaphore_mem>>) src(%dma_wait3A_42 : memref<64xi32, #tpu.memory_space<hbm>>) dst(%arg5 : memref<64xi32, #tpu.memory_space<vmem>>)
    %dma_wait3A_43 = arith.constant 0 : i32
    %dma_wait3A_44 = tpu.memref_slice %arg4[%add3A_18, %dma_wait3A_43] : memref<16384x512xi32, #tpu.memory_space<hbm>> -> memref<64x512xi32, #tpu.memory_space<hbm>>
    %dma_wait3A_45 = arith.constant 0 : i32
    %dma_wait3A_46 = tpu.memref_slice %arg4[%add3A_18, %dma_wait3A_45] : memref<16384x512xi32, #tpu.memory_space<hbm>> -> memref<64x512xi32, #tpu.memory_space<hbm>>
    tpu.wait_dma2 semaphore(%arg13 : memref<!tpu.dma_semaphore, #tpu.memory_space<semaphore_mem>>) src(%arg7 : memref<64x512xi32, #tpu.memory_space<vmem>>) dst(%dma_wait3A_46 : memref<64x512xi32, #tpu.memory_space<hbm>>)
    %dma_start3A_47 = arith.constant 0 : i32
    %dma_start3A_48 = arith.constant 0 : i32
    %dma_start3A_49 = tpu.memref_slice %arg2[%dma_start3A_47, %dma_start3A_48] : memref<20480x512xi32, #tpu.memory_space<hbm>> -> memref<20480x512xi32, #tpu.memory_space<hbm>>
    tpu.enqueue_indirect_dma source(%dma_start3A_49 : memref<20480x512xi32, #tpu.memory_space<hbm>>) target(%arg7 : memref<64x512xi32, #tpu.memory_space<vmem>>) offsets(%arg5 : memref<64xi32, #tpu.memory_space<vmem>>) semaphore(%arg11 : memref<!tpu.dma_semaphore, #tpu.memory_space<semaphore_mem>>)
    %add3A_50 = arith.constant 192 : i32
    %add3A_51 = arith.addi %mul3A_2, %add3A_50 : i32
    %dma_start3A_52 = tpu.memref_slice %arg3[%add3A_51] : memref<16384xi32, #tpu.memory_space<hbm>> -> memref<64xi32, #tpu.memory_space<hbm>>
    %dma_start3A_53 = tpu.memref_slice %arg3[%add3A_51] : memref<16384xi32, #tpu.memory_space<hbm>> -> memref<64xi32, #tpu.memory_space<hbm>>
    tpu.enqueue_dma source(%dma_start3A_53 : memref<64xi32, #tpu.memory_space<hbm>>) target(%arg6 : memref<64xi32, #tpu.memory_space<vmem>>) target_semaphore(%arg10 : memref<!tpu.dma_semaphore, #tpu.memory_space<semaphore_mem>>)
    %dma_wait3A_54 = arith.constant 0 : i32
    %dma_wait3A_55 = arith.constant 0 : i32
    %dma_wait3A_56 = tpu.memref_slice %arg2[%dma_wait3A_54, %dma_wait3A_55] : memref<20480x512xi32, #tpu.memory_space<hbm>> -> memref<20480x512xi32, #tpu.memory_space<hbm>>
    tpu.wait_indirect_dma semaphore(%arg11 : memref<!tpu.dma_semaphore, #tpu.memory_space<semaphore_mem>>) src(%dma_wait3A_56 : memref<20480x512xi32, #tpu.memory_space<hbm>>) dst(%arg7 : memref<64x512xi32, #tpu.memory_space<vmem>>)
    %add3A_57 = arith.constant 128 : i32
    %add3A_58 = arith.addi %mul3A_2, %add3A_57 : i32
    %dma_start3A_59 = arith.constant 0 : i32
    %dma_start3A_60 = tpu.memref_slice %arg4[%add3A_58, %dma_start3A_59] : memref<16384x512xi32, #tpu.memory_space<hbm>> -> memref<64x512xi32, #tpu.memory_space<hbm>>
    %dma_start3A_61 = arith.constant 0 : i32
    %dma_start3A_62 = tpu.memref_slice %arg4[%add3A_58, %dma_start3A_61] : memref<16384x512xi32, #tpu.memory_space<hbm>> -> memref<64x512xi32, #tpu.memory_space<hbm>>
    tpu.enqueue_dma source(%arg7 : memref<64x512xi32, #tpu.memory_space<vmem>>) target(%dma_start3A_62 : memref<64x512xi32, #tpu.memory_space<hbm>>) target_semaphore(%arg13 : memref<!tpu.dma_semaphore, #tpu.memory_space<semaphore_mem>>)
    %dma_wait3A_63 = tpu.memref_slice %arg3[%add3A_51] : memref<16384xi32, #tpu.memory_space<hbm>> -> memref<64xi32, #tpu.memory_space<hbm>>
    %dma_wait3A_64 = tpu.memref_slice %arg3[%add3A_51] : memref<16384xi32, #tpu.memory_space<hbm>> -> memref<64xi32, #tpu.memory_space<hbm>>
    tpu.wait_dma2 semaphore(%arg10 : memref<!tpu.dma_semaphore, #tpu.memory_space<semaphore_mem>>) src(%dma_wait3A_64 : memref<64xi32, #tpu.memory_space<hbm>>) dst(%arg6 : memref<64xi32, #tpu.memory_space<vmem>>)
    %dma_wait3A_65 = arith.constant 0 : i32
    %dma_wait3A_66 = tpu.memref_slice %arg4[%add3A_36, %dma_wait3A_65] : memref<16384x512xi32, #tpu.memory_space<hbm>> -> memref<64x512xi32, #tpu.memory_space<hbm>>
    %dma_wait3A_67 = arith.constant 0 : i32
    %dma_wait3A_68 = tpu.memref_slice %arg4[%add3A_36, %dma_wait3A_67] : memref<16384x512xi32, #tpu.memory_space<hbm>> -> memref<64x512xi32, #tpu.memory_space<hbm>>
    tpu.wait_dma2 semaphore(%arg14 : memref<!tpu.dma_semaphore, #tpu.memory_space<semaphore_mem>>) src(%arg8 : memref<64x512xi32, #tpu.memory_space<vmem>>) dst(%dma_wait3A_68 : memref<64x512xi32, #tpu.memory_space<hbm>>)
    %dma_start3A_69 = arith.constant 0 : i32
    %dma_start3A_70 = arith.constant 0 : i32
    %dma_start3A_71 = tpu.memref_slice %arg2[%dma_start3A_69, %dma_start3A_70] : memref<20480x512xi32, #tpu.memory_space<hbm>> -> memref<20480x512xi32, #tpu.memory_space<hbm>>
    tpu.enqueue_indirect_dma source(%dma_start3A_71 : memref<20480x512xi32, #tpu.memory_space<hbm>>) target(%arg8 : memref<64x512xi32, #tpu.memory_space<vmem>>) offsets(%arg6 : memref<64xi32, #tpu.memory_space<vmem>>) semaphore(%arg12 : memref<!tpu.dma_semaphore, #tpu.memory_space<semaphore_mem>>)
    %add3A_72 = arith.constant 256 : i32
    %add3A_73 = arith.addi %mul3A_2, %add3A_72 : i32
    %dma_start3A_74 = tpu.memref_slice %arg3[%add3A_73] : memref<16384xi32, #tpu.memory_space<hbm>> -> memref<64xi32, #tpu.memory_space<hbm>>
    %dma_start3A_75 = tpu.memref_slice %arg3[%add3A_73] : memref<16384xi32, #tpu.memory_space<hbm>> -> memref<64xi32, #tpu.memory_space<hbm>>
    tpu.enqueue_dma source(%dma_start3A_75 : memref<64xi32, #tpu.memory_space<hbm>>) target(%arg5 : memref<64xi32, #tpu.memory_space<vmem>>) target_semaphore(%arg9 : memref<!tpu.dma_semaphore, #tpu.memory_space<semaphore_mem>>)
    %dma_wait3A_76 = arith.constant 0 : i32
    %dma_wait3A_77 = arith.constant 0 : i32
    %dma_wait3A_78 = tpu.memref_slice %arg2[%dma_wait3A_76, %dma_wait3A_77] : memref<20480x512xi32, #tpu.memory_space<hbm>> -> memref<20480x512xi32, #tpu.memory_space<hbm>>
    tpu.wait_indirect_dma semaphore(%arg12 : memref<!tpu.dma_semaphore, #tpu.memory_space<semaphore_mem>>) src(%dma_wait3A_78 : memref<20480x512xi32, #tpu.memory_space<hbm>>) dst(%arg8 : memref<64x512xi32, #tpu.memory_space<vmem>>)
    %add3A_79 = arith.constant 192 : i32
    %add3A_80 = arith.addi %mul3A_2, %add3A_79 : i32
    %dma_start3A_81 = arith.constant 0 : i32
    %dma_start3A_82 = tpu.memref_slice %arg4[%add3A_80, %dma_start3A_81] : memref<16384x512xi32, #tpu.memory_space<hbm>> -> memref<64x512xi32, #tpu.memory_space<hbm>>
    %dma_start3A_83 = arith.constant 0 : i32
    %dma_start3A_84 = tpu.memref_slice %arg4[%add3A_80, %dma_start3A_83] : memref<16384x512xi32, #tpu.memory_space<hbm>> -> memref<64x512xi32, #tpu.memory_space<hbm>>
    tpu.enqueue_dma source(%arg8 : memref<64x512xi32, #tpu.memory_space<vmem>>) target(%dma_start3A_84 : memref<64x512xi32, #tpu.memory_space<hbm>>) target_semaphore(%arg14 : memref<!tpu.dma_semaphore, #tpu.memory_space<semaphore_mem>>)
    %dma_wait3A_85 = tpu.memref_slice %arg3[%add3A_73] : memref<16384xi32, #tpu.memory_space<hbm>> -> memref<64xi32, #tpu.memory_space<hbm>>
    %dma_wait3A_86 = tpu.memref_slice %arg3[%add3A_73] : memref<16384xi32, #tpu.memory_space<hbm>> -> memref<64xi32, #tpu.memory_space<hbm>>
    tpu.wait_dma2 semaphore(%arg9 : memref<!tpu.dma_semaphore, #tpu.memory_space<semaphore_mem>>) src(%dma_wait3A_86 : memref<64xi32, #tpu.memory_space<hbm>>) dst(%arg5 : memref<64xi32, #tpu.memory_space<vmem>>)
    %dma_wait3A_87 = arith.constant 0 : i32
    %dma_wait3A_88 = tpu.memref_slice %arg4[%add3A_58, %dma_wait3A_87] : memref<16384x512xi32, #tpu.memory_space<hbm>> -> memref<64x512xi32, #tpu.memory_space<hbm>>
    %dma_wait3A_89 = arith.constant 0 : i32
    %dma_wait3A_90 = tpu.memref_slice %arg4[%add3A_58, %dma_wait3A_89] : memref<16384x512xi32, #tpu.memory_space<hbm>> -> memref<64x512xi32, #tpu.memory_space<hbm>>
    tpu.wait_dma2 semaphore(%arg13 : memref<!tpu.dma_semaphore, #tpu.memory_space<semaphore_mem>>) src(%arg7 : memref<64x512xi32, #tpu.memory_space<vmem>>) dst(%dma_wait3A_90 : memref<64x512xi32, #tpu.memory_space<hbm>>)
    %dma_start3A_91 = arith.constant 0 : i32
    %dma_start3A_92 = arith.constant 0 : i32
    %dma_start3A_93 = tpu.memref_slice %arg2[%dma_start3A_91, %dma_start3A_92] : memref<20480x512xi32, #tpu.memory_space<hbm>> -> memref<20480x512xi32, #tpu.memory_space<hbm>>
    tpu.enqueue_indirect_dma source(%dma_start3A_93 : memref<20480x512xi32, #tpu.memory_space<hbm>>) target(%arg7 : memref<64x512xi32, #tpu.memory_space<vmem>>) offsets(%arg5 : memref<64xi32, #tpu.memory_space<vmem>>) semaphore(%arg11 : memref<!tpu.dma_semaphore, #tpu.memory_space<semaphore_mem>>)
    %add3A_94 = arith.constant 320 : i32
    %add3A_95 = arith.addi %mul3A_2, %add3A_94 : i32
    %dma_start3A_96 = tpu.memref_slice %arg3[%add3A_95] : memref<16384xi32, #tpu.memory_space<hbm>> -> memref<64xi32, #tpu.memory_space<hbm>>
    %dma_start3A_97 = tpu.memref_slice %arg3[%add3A_95] : memref<16384xi32, #tpu.memory_space<hbm>> -> memref<64xi32, #tpu.memory_space<hbm>>
    tpu.enqueue_dma source(%dma_start3A_97 : memref<64xi32, #tpu.memory_space<hbm>>) target(%arg6 : memref<64xi32, #tpu.memory_space<vmem>>) target_semaphore(%arg10 : memref<!tpu.dma_semaphore, #tpu.memory_space<semaphore_mem>>)
    %dma_wait3A_98 = arith.constant 0 : i32
    %dma_wait3A_99 = arith.constant 0 : i32
    %dma_wait3A_100 = tpu.memref_slice %arg2[%dma_wait3A_98, %dma_wait3A_99] : memref<20480x512xi32, #tpu.memory_space<hbm>> -> memref<20480x512xi32, #tpu.memory_space<hbm>>
    tpu.wait_indirect_dma semaphore(%arg11 : memref<!tpu.dma_semaphore, #tpu.memory_space<semaphore_mem>>) src(%dma_wait3A_100 : memref<20480x512xi32, #tpu.memory_space<hbm>>) dst(%arg7 : memref<64x512xi32, #tpu.memory_space<vmem>>)
    %add3A_101 = arith.constant 256 : i32
    %add3A_102 = arith.addi %mul3A_2, %add3A_101 : i32
    %dma_start3A_103 = arith.constant 0 : i32
    %dma_start3A_104 = tpu.memref_slice %arg4[%add3A_102, %dma_start3A_103] : memref<16384x512xi32, #tpu.memory_space<hbm>> -> memref<64x512xi32, #tpu.memory_space<hbm>>
    %dma_start3A_105 = arith.constant 0 : i32
    %dma_start3A_106 = tpu.memref_slice %arg4[%add3A_102, %dma_start3A_105] : memref<16384x512xi32, #tpu.memory_space<hbm>> -> memref<64x512xi32, #tpu.memory_space<hbm>>
    tpu.enqueue_dma source(%arg7 : memref<64x512xi32, #tpu.memory_space<vmem>>) target(%dma_start3A_106 : memref<64x512xi32, #tpu.memory_space<hbm>>) target_semaphore(%arg13 : memref<!tpu.dma_semaphore, #tpu.memory_space<semaphore_mem>>)
    %dma_wait3A_107 = tpu.memref_slice %arg3[%add3A_95] : memref<16384xi32, #tpu.memory_space<hbm>> -> memref<64xi32, #tpu.memory_space<hbm>>
    %dma_wait3A_108 = tpu.memref_slice %arg3[%add3A_95] : memref<16384xi32, #tpu.memory_space<hbm>> -> memref<64xi32, #tpu.memory_space<hbm>>
    tpu.wait_dma2 semaphore(%arg10 : memref<!tpu.dma_semaphore, #tpu.memory_space<semaphore_mem>>) src(%dma_wait3A_108 : memref<64xi32, #tpu.memory_space<hbm>>) dst(%arg6 : memref<64xi32, #tpu.memory_space<vmem>>)
    %dma_wait3A_109 = arith.constant 0 : i32
    %dma_wait3A_110 = tpu.memref_slice %arg4[%add3A_80, %dma_wait3A_109] : memref<16384x512xi32, #tpu.memory_space<hbm>> -> memref<64x512xi32, #tpu.memory_space<hbm>>
    %dma_wait3A_111 = arith.constant 0 : i32
    %dma_wait3A_112 = tpu.memref_slice %arg4[%add3A_80, %dma_wait3A_111] : memref<16384x512xi32, #tpu.memory_space<hbm>> -> memref<64x512xi32, #tpu.memory_space<hbm>>
    tpu.wait_dma2 semaphore(%arg14 : memref<!tpu.dma_semaphore, #tpu.memory_space<semaphore_mem>>) src(%arg8 : memref<64x512xi32, #tpu.memory_space<vmem>>) dst(%dma_wait3A_112 : memref<64x512xi32, #tpu.memory_space<hbm>>)
    %dma_start3A_113 = arith.constant 0 : i32
    %dma_start3A_114 = arith.constant 0 : i32
    %dma_start3A_115 = tpu.memref_slice %arg2[%dma_start3A_113, %dma_start3A_114] : memref<20480x512xi32, #tpu.memory_space<hbm>> -> memref<20480x512xi32, #tpu.memory_space<hbm>>
    tpu.enqueue_indirect_dma source(%dma_start3A_115 : memref<20480x512xi32, #tpu.memory_space<hbm>>) target(%arg8 : memref<64x512xi32, #tpu.memory_space<vmem>>) offsets(%arg6 : memref<64xi32, #tpu.memory_space<vmem>>) semaphore(%arg12 : memref<!tpu.dma_semaphore, #tpu.memory_space<semaphore_mem>>)
    %add3A_116 = arith.constant 384 : i32
    %add3A_117 = arith.addi %mul3A_2, %add3A_116 : i32
    %dma_start3A_118 = tpu.memref_slice %arg3[%add3A_117] : memref<16384xi32, #tpu.memory_space<hbm>> -> memref<64xi32, #tpu.memory_space<hbm>>
    %dma_start3A_119 = tpu.memref_slice %arg3[%add3A_117] : memref<16384xi32, #tpu.memory_space<hbm>> -> memref<64xi32, #tpu.memory_space<hbm>>
    tpu.enqueue_dma source(%dma_start3A_119 : memref<64xi32, #tpu.memory_space<hbm>>) target(%arg5 : memref<64xi32, #tpu.memory_space<vmem>>) target_semaphore(%arg9 : memref<!tpu.dma_semaphore, #tpu.memory_space<semaphore_mem>>)
    %dma_wait3A_120 = arith.constant 0 : i32
    %dma_wait3A_121 = arith.constant 0 : i32
    %dma_wait3A_122 = tpu.memref_slice %arg2[%dma_wait3A_120, %dma_wait3A_121] : memref<20480x512xi32, #tpu.memory_space<hbm>> -> memref<20480x512xi32, #tpu.memory_space<hbm>>
    tpu.wait_indirect_dma semaphore(%arg12 : memref<!tpu.dma_semaphore, #tpu.memory_space<semaphore_mem>>) src(%dma_wait3A_122 : memref<20480x512xi32, #tpu.memory_space<hbm>>) dst(%arg8 : memref<64x512xi32, #tpu.memory_space<vmem>>)
    %add3A_123 = arith.constant 320 : i32
    %add3A_124 = arith.addi %mul3A_2, %add3A_123 : i32
    %dma_start3A_125 = arith.constant 0 : i32
    %dma_start3A_126 = tpu.memref_slice %arg4[%add3A_124, %dma_start3A_125] : memref<16384x512xi32, #tpu.memory_space<hbm>> -> memref<64x512xi32, #tpu.memory_space<hbm>>
    %dma_start3A_127 = arith.constant 0 : i32
    %dma_start3A_128 = tpu.memref_slice %arg4[%add3A_124, %dma_start3A_127] : memref<16384x512xi32, #tpu.memory_space<hbm>> -> memref<64x512xi32, #tpu.memory_space<hbm>>
    tpu.enqueue_dma source(%arg8 : memref<64x512xi32, #tpu.memory_space<vmem>>) target(%dma_start3A_128 : memref<64x512xi32, #tpu.memory_space<hbm>>) target_semaphore(%arg14 : memref<!tpu.dma_semaphore, #tpu.memory_space<semaphore_mem>>)
    %dma_wait3A_129 = tpu.memref_slice %arg3[%add3A_117] : memref<16384xi32, #tpu.memory_space<hbm>> -> memref<64xi32, #tpu.memory_space<hbm>>
    %dma_wait3A_130 = tpu.memref_slice %arg3[%add3A_117] : memref<16384xi32, #tpu.memory_space<hbm>> -> memref<64xi32, #tpu.memory_space<hbm>>
    tpu.wait_dma2 semaphore(%arg9 : memref<!tpu.dma_semaphore, #tpu.memory_space<semaphore_mem>>) src(%dma_wait3A_130 : memref<64xi32, #tpu.memory_space<hbm>>) dst(%arg5 : memref<64xi32, #tpu.memory_space<vmem>>)
    %dma_wait3A_131 = arith.constant 0 : i32
    %dma_wait3A_132 = tpu.memref_slice %arg4[%add3A_102, %dma_wait3A_131] : memref<16384x512xi32, #tpu.memory_space<hbm>> -> memref<64x512xi32, #tpu.memory_space<hbm>>
    %dma_wait3A_133 = arith.constant 0 : i32
    %dma_wait3A_134 = tpu.memref_slice %arg4[%add3A_102, %dma_wait3A_133] : memref<16384x512xi32, #tpu.memory_space<hbm>> -> memref<64x512xi32, #tpu.memory_space<hbm>>
    tpu.wait_dma2 semaphore(%arg13 : memref<!tpu.dma_semaphore, #tpu.memory_space<semaphore_mem>>) src(%arg7 : memref<64x512xi32, #tpu.memory_space<vmem>>) dst(%dma_wait3A_134 : memref<64x512xi32, #tpu.memory_space<hbm>>)
    %dma_start3A_135 = arith.constant 0 : i32
    %dma_start3A_136 = arith.constant 0 : i32
    %dma_start3A_137 = tpu.memref_slice %arg2[%dma_start3A_135, %dma_start3A_136] : memref<20480x512xi32, #tpu.memory_space<hbm>> -> memref<20480x512xi32, #tpu.memory_space<hbm>>
    tpu.enqueue_indirect_dma source(%dma_start3A_137 : memref<20480x512xi32, #tpu.memory_space<hbm>>) target(%arg7 : memref<64x512xi32, #tpu.memory_space<vmem>>) offsets(%arg5 : memref<64xi32, #tpu.memory_space<vmem>>) semaphore(%arg11 : memref<!tpu.dma_semaphore, #tpu.memory_space<semaphore_mem>>)
    %add3A_138 = arith.constant 448 : i32
    %add3A_139 = arith.addi %mul3A_2, %add3A_138 : i32
    %dma_start3A_140 = tpu.memref_slice %arg3[%add3A_139] : memref<16384xi32, #tpu.memory_space<hbm>> -> memref<64xi32, #tpu.memory_space<hbm>>
    %dma_start3A_141 = tpu.memref_slice %arg3[%add3A_139] : memref<16384xi32, #tpu.memory_space<hbm>> -> memref<64xi32, #tpu.memory_space<hbm>>
    tpu.enqueue_dma source(%dma_start3A_141 : memref<64xi32, #tpu.memory_space<hbm>>) target(%arg6 : memref<64xi32, #tpu.memory_space<vmem>>) target_semaphore(%arg10 : memref<!tpu.dma_semaphore, #tpu.memory_space<semaphore_mem>>)
    %dma_wait3A_142 = arith.constant 0 : i32
    %dma_wait3A_143 = arith.constant 0 : i32
    %dma_wait3A_144 = tpu.memref_slice %arg2[%dma_wait3A_142, %dma_wait3A_143] : memref<20480x512xi32, #tpu.memory_space<hbm>> -> memref<20480x512xi32, #tpu.memory_space<hbm>>
    tpu.wait_indirect_dma semaphore(%arg11 : memref<!tpu.dma_semaphore, #tpu.memory_space<semaphore_mem>>) src(%dma_wait3A_144 : memref<20480x512xi32, #tpu.memory_space<hbm>>) dst(%arg7 : memref<64x512xi32, #tpu.memory_space<vmem>>)
    %add3A_145 = arith.constant 384 : i32
    %add3A_146 = arith.addi %mul3A_2, %add3A_145 : i32
    %dma_start3A_147 = arith.constant 0 : i32
    %dma_start3A_148 = tpu.memref_slice %arg4[%add3A_146, %dma_start3A_147] : memref<16384x512xi32, #tpu.memory_space<hbm>> -> memref<64x512xi32, #tpu.memory_space<hbm>>
    %dma_start3A_149 = arith.constant 0 : i32
    %dma_start3A_150 = tpu.memref_slice %arg4[%add3A_146, %dma_start3A_149] : memref<16384x512xi32, #tpu.memory_space<hbm>> -> memref<64x512xi32, #tpu.memory_space<hbm>>
    tpu.enqueue_dma source(%arg7 : memref<64x512xi32, #tpu.memory_space<vmem>>) target(%dma_start3A_150 : memref<64x512xi32, #tpu.memory_space<hbm>>) target_semaphore(%arg13 : memref<!tpu.dma_semaphore, #tpu.memory_space<semaphore_mem>>)
    %dma_wait3A_151 = tpu.memref_slice %arg3[%add3A_139] : memref<16384xi32, #tpu.memory_space<hbm>> -> memref<64xi32, #tpu.memory_space<hbm>>
    %dma_wait3A_152 = tpu.memref_slice %arg3[%add3A_139] : memref<16384xi32, #tpu.memory_space<hbm>> -> memref<64xi32, #tpu.memory_space<hbm>>
    tpu.wait_dma2 semaphore(%arg10 : memref<!tpu.dma_semaphore, #tpu.memory_space<semaphore_mem>>) src(%dma_wait3A_152 : memref<64xi32, #tpu.memory_space<hbm>>) dst(%arg6 : memref<64xi32, #tpu.memory_space<vmem>>)
    %dma_wait3A_153 = arith.constant 0 : i32
    %dma_wait3A_154 = tpu.memref_slice %arg4[%add3A_124, %dma_wait3A_153] : memref<16384x512xi32, #tpu.memory_space<hbm>> -> memref<64x512xi32, #tpu.memory_space<hbm>>
    %dma_wait3A_155 = arith.constant 0 : i32
    %dma_wait3A_156 = tpu.memref_slice %arg4[%add3A_124, %dma_wait3A_155] : memref<16384x512xi32, #tpu.memory_space<hbm>> -> memref<64x512xi32, #tpu.memory_space<hbm>>
    tpu.wait_dma2 semaphore(%arg14 : memref<!tpu.dma_semaphore, #tpu.memory_space<semaphore_mem>>) src(%arg8 : memref<64x512xi32, #tpu.memory_space<vmem>>) dst(%dma_wait3A_156 : memref<64x512xi32, #tpu.memory_space<hbm>>)
    %dma_start3A_157 = arith.constant 0 : i32
    %dma_start3A_158 = arith.constant 0 : i32
    %dma_start3A_159 = tpu.memref_slice %arg2[%dma_start3A_157, %dma_start3A_158] : memref<20480x512xi32, #tpu.memory_space<hbm>> -> memref<20480x512xi32, #tpu.memory_space<hbm>>
    tpu.enqueue_indirect_dma source(%dma_start3A_159 : memref<20480x512xi32, #tpu.memory_space<hbm>>) target(%arg8 : memref<64x512xi32, #tpu.memory_space<vmem>>) offsets(%arg6 : memref<64xi32, #tpu.memory_space<vmem>>) semaphore(%arg12 : memref<!tpu.dma_semaphore, #tpu.memory_space<semaphore_mem>>)
    %dma_wait3A_160 = arith.constant 0 : i32
    %dma_wait3A_161 = arith.constant 0 : i32
    %dma_wait3A_162 = tpu.memref_slice %arg2[%dma_wait3A_160, %dma_wait3A_161] : memref<20480x512xi32, #tpu.memory_space<hbm>> -> memref<20480x512xi32, #tpu.memory_space<hbm>>
    tpu.wait_indirect_dma semaphore(%arg12 : memref<!tpu.dma_semaphore, #tpu.memory_space<semaphore_mem>>) src(%dma_wait3A_162 : memref<20480x512xi32, #tpu.memory_space<hbm>>) dst(%arg8 : memref<64x512xi32, #tpu.memory_space<vmem>>)
    %add3A_163 = arith.constant 448 : i32
    %add3A_164 = arith.addi %mul3A_2, %add3A_163 : i32
    %dma_start3A_165 = arith.constant 0 : i32
    %dma_start3A_166 = tpu.memref_slice %arg4[%add3A_164, %dma_start3A_165] : memref<16384x512xi32, #tpu.memory_space<hbm>> -> memref<64x512xi32, #tpu.memory_space<hbm>>
    %dma_start3A_167 = arith.constant 0 : i32
    %dma_start3A_168 = tpu.memref_slice %arg4[%add3A_164, %dma_start3A_167] : memref<16384x512xi32, #tpu.memory_space<hbm>> -> memref<64x512xi32, #tpu.memory_space<hbm>>
    tpu.enqueue_dma source(%arg8 : memref<64x512xi32, #tpu.memory_space<vmem>>) target(%dma_start3A_168 : memref<64x512xi32, #tpu.memory_space<hbm>>) target_semaphore(%arg14 : memref<!tpu.dma_semaphore, #tpu.memory_space<semaphore_mem>>)
    %dma_wait3A_169 = arith.constant 0 : i32
    %dma_wait3A_170 = tpu.memref_slice %arg4[%add3A_164, %dma_wait3A_169] : memref<16384x512xi32, #tpu.memory_space<hbm>> -> memref<64x512xi32, #tpu.memory_space<hbm>>
    %dma_wait3A_171 = arith.constant 0 : i32
    %dma_wait3A_172 = tpu.memref_slice %arg4[%add3A_164, %dma_wait3A_171] : memref<16384x512xi32, #tpu.memory_space<hbm>> -> memref<64x512xi32, #tpu.memory_space<hbm>>
    tpu.wait_dma2 semaphore(%arg14 : memref<!tpu.dma_semaphore, #tpu.memory_space<semaphore_mem>>) src(%arg8 : memref<64x512xi32, #tpu.memory_space<vmem>>) dst(%dma_wait3A_172 : memref<64x512xi32, #tpu.memory_space<hbm>>)
    %dma_wait3A_173 = arith.constant 0 : i32
    %dma_wait3A_174 = tpu.memref_slice %arg4[%add3A_146, %dma_wait3A_173] : memref<16384x512xi32, #tpu.memory_space<hbm>> -> memref<64x512xi32, #tpu.memory_space<hbm>>
    %dma_wait3A_175 = arith.constant 0 : i32
    %dma_wait3A_176 = tpu.memref_slice %arg4[%add3A_146, %dma_wait3A_175] : memref<16384x512xi32, #tpu.memory_space<hbm>> -> memref<64x512xi32, #tpu.memory_space<hbm>>
    tpu.wait_dma2 semaphore(%arg13 : memref<!tpu.dma_semaphore, #tpu.memory_space<semaphore_mem>>) src(%arg7 : memref<64x512xi32, #tpu.memory_space<vmem>>) dst(%dma_wait3A_176 : memref<64x512xi32, #tpu.memory_space<hbm>>)
    return
  }
}

#map = affine_map<(d0, d1) -> (0, 0)>
#map1 = affine_map<(d0, d1) -> (0)>
module attributes {stable_mosaic.version = 14 : i64} {
  func.func @k(%arg0: i32, %arg1: i32, %arg2: memref<8192x512xi32, #tpu.memory_space<hbm>>, %arg3: memref<16384xi32, #tpu.memory_space<hbm>>, %arg4: memref<20480x512xi32, #tpu.memory_space<hbm>>, %arg5: memref<64xi32, #tpu.memory_space<vmem>>, %arg6: memref<64xi32, #tpu.memory_space<vmem>>, %arg7: memref<64x512xi32, #tpu.memory_space<vmem>>, %arg8: memref<64x512xi32, #tpu.memory_space<vmem>>, %arg9: memref<!tpu.dma_semaphore, #tpu.memory_space<semaphore_mem>>, %arg10: memref<!tpu.dma_semaphore, #tpu.memory_space<semaphore_mem>>, %arg11: memref<!tpu.dma_semaphore, #tpu.memory_space<semaphore_mem>>, %arg12: memref<!tpu.dma_semaphore, #tpu.memory_space<semaphore_mem>>, %arg13: memref<!tpu.dma_semaphore, #tpu.memory_space<semaphore_mem>>, %arg14: memref<!tpu.dma_semaphore, #tpu.memory_space<semaphore_mem>>) attributes {dimension_semantics = [#tpu.dimension_semantics<core_parallel>, #tpu.dimension_semantics<subcore_parallel>], iteration_bounds = array<i64: 2, 16>, scalar_prefetch = 0 : i64, scratch_operands = 10 : i64, tpu.core_type = #tpu.core_type<sc_vector_subcore>, window_params = [{transform_indices = #map}, {transform_indices = #map1}, {transform_indices = #map}]} {
    %mul3A = arith.constant 2 : i32
    %mul3A_0 = arith.muli %arg1, %mul3A : i32
    %add3A = arith.addi %mul3A_0, %arg0 : i32
    %mul3A_1 = arith.constant 512 : i32
    %mul3A_2 = arith.muli %add3A, %mul3A_1 : i32
    %rem3A = arith.constant 8192 : i32
    %rem3A_3 = arith.remsi %mul3A_2, %rem3A : i32
    %add3A_4 = arith.constant 0 : i32
    %add3A_5 = arith.addi %add3A_4, %rem3A_3 : i32
    %add3A_6 = arith.constant 0 : i32
    %add3A_7 = arith.addi %mul3A_2, %add3A_6 : i32
    %dma_start3A = tpu.memref_slice %arg3[%add3A_7] : memref<16384xi32, #tpu.memory_space<hbm>> -> memref<64xi32, #tpu.memory_space<hbm>>
    %dma_start3A_8 = tpu.memref_slice %arg3[%add3A_7] : memref<16384xi32, #tpu.memory_space<hbm>> -> memref<64xi32, #tpu.memory_space<hbm>>
    tpu.enqueue_dma source(%dma_start3A_8 : memref<64xi32, #tpu.memory_space<hbm>>) target(%arg5 : memref<64xi32, #tpu.memory_space<vmem>>) target_semaphore(%arg9 : memref<!tpu.dma_semaphore, #tpu.memory_space<semaphore_mem>>)
    %add3A_9 = arith.constant 0 : i32
    %add3A_10 = arith.addi %add3A_5, %add3A_9 : i32
    %dma_start3A_11 = arith.constant 0 : i32
    %dma_start3A_12 = tpu.memref_slice %arg2[%add3A_10, %dma_start3A_11] : memref<8192x512xi32, #tpu.memory_space<hbm>> -> memref<64x512xi32, #tpu.memory_space<hbm>>
    %dma_start3A_13 = arith.constant 0 : i32
    %dma_start3A_14 = tpu.memref_slice %arg2[%add3A_10, %dma_start3A_13] : memref<8192x512xi32, #tpu.memory_space<hbm>> -> memref<64x512xi32, #tpu.memory_space<hbm>>
    tpu.enqueue_dma source(%dma_start3A_14 : memref<64x512xi32, #tpu.memory_space<hbm>>) target(%arg7 : memref<64x512xi32, #tpu.memory_space<vmem>>) target_semaphore(%arg11 : memref<!tpu.dma_semaphore, #tpu.memory_space<semaphore_mem>>)
    %dma_wait3A = tpu.memref_slice %arg3[%add3A_7] : memref<16384xi32, #tpu.memory_space<hbm>> -> memref<64xi32, #tpu.memory_space<hbm>>
    %dma_wait3A_15 = tpu.memref_slice %arg3[%add3A_7] : memref<16384xi32, #tpu.memory_space<hbm>> -> memref<64xi32, #tpu.memory_space<hbm>>
    tpu.wait_dma2 semaphore(%arg9 : memref<!tpu.dma_semaphore, #tpu.memory_space<semaphore_mem>>) src(%dma_wait3A_15 : memref<64xi32, #tpu.memory_space<hbm>>) dst(%arg5 : memref<64xi32, #tpu.memory_space<vmem>>)
    %dma_wait3A_16 = arith.constant 0 : i32
    %dma_wait3A_17 = tpu.memref_slice %arg2[%add3A_10, %dma_wait3A_16] : memref<8192x512xi32, #tpu.memory_space<hbm>> -> memref<64x512xi32, #tpu.memory_space<hbm>>
    %dma_wait3A_18 = arith.constant 0 : i32
    %dma_wait3A_19 = tpu.memref_slice %arg2[%add3A_10, %dma_wait3A_18] : memref<8192x512xi32, #tpu.memory_space<hbm>> -> memref<64x512xi32, #tpu.memory_space<hbm>>
    tpu.wait_dma2 semaphore(%arg11 : memref<!tpu.dma_semaphore, #tpu.memory_space<semaphore_mem>>) src(%dma_wait3A_19 : memref<64x512xi32, #tpu.memory_space<hbm>>) dst(%arg7 : memref<64x512xi32, #tpu.memory_space<vmem>>)
    %dma_start3A_20 = arith.constant 0 : i32
    %dma_start3A_21 = arith.constant 0 : i32
    %dma_start3A_22 = tpu.memref_slice %arg4[%dma_start3A_20, %dma_start3A_21] : memref<20480x512xi32, #tpu.memory_space<hbm>> -> memref<20480x512xi32, #tpu.memory_space<hbm>>
    tpu.enqueue_indirect_dma source(%arg7 : memref<64x512xi32, #tpu.memory_space<vmem>>) target(%dma_start3A_22 : memref<20480x512xi32, #tpu.memory_space<hbm>>) offsets(%arg5 : memref<64xi32, #tpu.memory_space<vmem>>) semaphore(%arg13 : memref<!tpu.dma_semaphore, #tpu.memory_space<semaphore_mem>>)
    %add3A_23 = arith.constant 64 : i32
    %add3A_24 = arith.addi %mul3A_2, %add3A_23 : i32
    %dma_start3A_25 = tpu.memref_slice %arg3[%add3A_24] : memref<16384xi32, #tpu.memory_space<hbm>> -> memref<64xi32, #tpu.memory_space<hbm>>
    %dma_start3A_26 = tpu.memref_slice %arg3[%add3A_24] : memref<16384xi32, #tpu.memory_space<hbm>> -> memref<64xi32, #tpu.memory_space<hbm>>
    tpu.enqueue_dma source(%dma_start3A_26 : memref<64xi32, #tpu.memory_space<hbm>>) target(%arg6 : memref<64xi32, #tpu.memory_space<vmem>>) target_semaphore(%arg10 : memref<!tpu.dma_semaphore, #tpu.memory_space<semaphore_mem>>)
    %add3A_27 = arith.constant 64 : i32
    %add3A_28 = arith.addi %add3A_5, %add3A_27 : i32
    %dma_start3A_29 = arith.constant 0 : i32
    %dma_start3A_30 = tpu.memref_slice %arg2[%add3A_28, %dma_start3A_29] : memref<8192x512xi32, #tpu.memory_space<hbm>> -> memref<64x512xi32, #tpu.memory_space<hbm>>
    %dma_start3A_31 = arith.constant 0 : i32
    %dma_start3A_32 = tpu.memref_slice %arg2[%add3A_28, %dma_start3A_31] : memref<8192x512xi32, #tpu.memory_space<hbm>> -> memref<64x512xi32, #tpu.memory_space<hbm>>
    tpu.enqueue_dma source(%dma_start3A_32 : memref<64x512xi32, #tpu.memory_space<hbm>>) target(%arg8 : memref<64x512xi32, #tpu.memory_space<vmem>>) target_semaphore(%arg12 : memref<!tpu.dma_semaphore, #tpu.memory_space<semaphore_mem>>)
    %dma_wait3A_33 = tpu.memref_slice %arg3[%add3A_24] : memref<16384xi32, #tpu.memory_space<hbm>> -> memref<64xi32, #tpu.memory_space<hbm>>
    %dma_wait3A_34 = tpu.memref_slice %arg3[%add3A_24] : memref<16384xi32, #tpu.memory_space<hbm>> -> memref<64xi32, #tpu.memory_space<hbm>>
    tpu.wait_dma2 semaphore(%arg10 : memref<!tpu.dma_semaphore, #tpu.memory_space<semaphore_mem>>) src(%dma_wait3A_34 : memref<64xi32, #tpu.memory_space<hbm>>) dst(%arg6 : memref<64xi32, #tpu.memory_space<vmem>>)
    %dma_wait3A_35 = arith.constant 0 : i32
    %dma_wait3A_36 = tpu.memref_slice %arg2[%add3A_28, %dma_wait3A_35] : memref<8192x512xi32, #tpu.memory_space<hbm>> -> memref<64x512xi32, #tpu.memory_space<hbm>>
    %dma_wait3A_37 = arith.constant 0 : i32
    %dma_wait3A_38 = tpu.memref_slice %arg2[%add3A_28, %dma_wait3A_37] : memref<8192x512xi32, #tpu.memory_space<hbm>> -> memref<64x512xi32, #tpu.memory_space<hbm>>
    tpu.wait_dma2 semaphore(%arg12 : memref<!tpu.dma_semaphore, #tpu.memory_space<semaphore_mem>>) src(%dma_wait3A_38 : memref<64x512xi32, #tpu.memory_space<hbm>>) dst(%arg8 : memref<64x512xi32, #tpu.memory_space<vmem>>)
    %dma_start3A_39 = arith.constant 0 : i32
    %dma_start3A_40 = arith.constant 0 : i32
    %dma_start3A_41 = tpu.memref_slice %arg4[%dma_start3A_39, %dma_start3A_40] : memref<20480x512xi32, #tpu.memory_space<hbm>> -> memref<20480x512xi32, #tpu.memory_space<hbm>>
    tpu.enqueue_indirect_dma source(%arg8 : memref<64x512xi32, #tpu.memory_space<vmem>>) target(%dma_start3A_41 : memref<20480x512xi32, #tpu.memory_space<hbm>>) offsets(%arg6 : memref<64xi32, #tpu.memory_space<vmem>>) semaphore(%arg14 : memref<!tpu.dma_semaphore, #tpu.memory_space<semaphore_mem>>)
    %dma_wait3A_42 = arith.constant 0 : i32
    %dma_wait3A_43 = arith.constant 0 : i32
    %dma_wait3A_44 = tpu.memref_slice %arg4[%dma_wait3A_42, %dma_wait3A_43] : memref<20480x512xi32, #tpu.memory_space<hbm>> -> memref<20480x512xi32, #tpu.memory_space<hbm>>
    tpu.wait_indirect_dma semaphore(%arg13 : memref<!tpu.dma_semaphore, #tpu.memory_space<semaphore_mem>>) src(%arg7 : memref<64x512xi32, #tpu.memory_space<vmem>>) dst(%dma_wait3A_44 : memref<20480x512xi32, #tpu.memory_space<hbm>>)
    %add3A_45 = arith.constant 128 : i32
    %add3A_46 = arith.addi %mul3A_2, %add3A_45 : i32
    %dma_start3A_47 = tpu.memref_slice %arg3[%add3A_46] : memref<16384xi32, #tpu.memory_space<hbm>> -> memref<64xi32, #tpu.memory_space<hbm>>
    %dma_start3A_48 = tpu.memref_slice %arg3[%add3A_46] : memref<16384xi32, #tpu.memory_space<hbm>> -> memref<64xi32, #tpu.memory_space<hbm>>
    tpu.enqueue_dma source(%dma_start3A_48 : memref<64xi32, #tpu.memory_space<hbm>>) target(%arg5 : memref<64xi32, #tpu.memory_space<vmem>>) target_semaphore(%arg9 : memref<!tpu.dma_semaphore, #tpu.memory_space<semaphore_mem>>)
    %add3A_49 = arith.constant 128 : i32
    %add3A_50 = arith.addi %add3A_5, %add3A_49 : i32
    %dma_start3A_51 = arith.constant 0 : i32
    %dma_start3A_52 = tpu.memref_slice %arg2[%add3A_50, %dma_start3A_51] : memref<8192x512xi32, #tpu.memory_space<hbm>> -> memref<64x512xi32, #tpu.memory_space<hbm>>
    %dma_start3A_53 = arith.constant 0 : i32
    %dma_start3A_54 = tpu.memref_slice %arg2[%add3A_50, %dma_start3A_53] : memref<8192x512xi32, #tpu.memory_space<hbm>> -> memref<64x512xi32, #tpu.memory_space<hbm>>
    tpu.enqueue_dma source(%dma_start3A_54 : memref<64x512xi32, #tpu.memory_space<hbm>>) target(%arg7 : memref<64x512xi32, #tpu.memory_space<vmem>>) target_semaphore(%arg11 : memref<!tpu.dma_semaphore, #tpu.memory_space<semaphore_mem>>)
    %dma_wait3A_55 = tpu.memref_slice %arg3[%add3A_46] : memref<16384xi32, #tpu.memory_space<hbm>> -> memref<64xi32, #tpu.memory_space<hbm>>
    %dma_wait3A_56 = tpu.memref_slice %arg3[%add3A_46] : memref<16384xi32, #tpu.memory_space<hbm>> -> memref<64xi32, #tpu.memory_space<hbm>>
    tpu.wait_dma2 semaphore(%arg9 : memref<!tpu.dma_semaphore, #tpu.memory_space<semaphore_mem>>) src(%dma_wait3A_56 : memref<64xi32, #tpu.memory_space<hbm>>) dst(%arg5 : memref<64xi32, #tpu.memory_space<vmem>>)
    %dma_wait3A_57 = arith.constant 0 : i32
    %dma_wait3A_58 = tpu.memref_slice %arg2[%add3A_50, %dma_wait3A_57] : memref<8192x512xi32, #tpu.memory_space<hbm>> -> memref<64x512xi32, #tpu.memory_space<hbm>>
    %dma_wait3A_59 = arith.constant 0 : i32
    %dma_wait3A_60 = tpu.memref_slice %arg2[%add3A_50, %dma_wait3A_59] : memref<8192x512xi32, #tpu.memory_space<hbm>> -> memref<64x512xi32, #tpu.memory_space<hbm>>
    tpu.wait_dma2 semaphore(%arg11 : memref<!tpu.dma_semaphore, #tpu.memory_space<semaphore_mem>>) src(%dma_wait3A_60 : memref<64x512xi32, #tpu.memory_space<hbm>>) dst(%arg7 : memref<64x512xi32, #tpu.memory_space<vmem>>)
    %dma_start3A_61 = arith.constant 0 : i32
    %dma_start3A_62 = arith.constant 0 : i32
    %dma_start3A_63 = tpu.memref_slice %arg4[%dma_start3A_61, %dma_start3A_62] : memref<20480x512xi32, #tpu.memory_space<hbm>> -> memref<20480x512xi32, #tpu.memory_space<hbm>>
    tpu.enqueue_indirect_dma source(%arg7 : memref<64x512xi32, #tpu.memory_space<vmem>>) target(%dma_start3A_63 : memref<20480x512xi32, #tpu.memory_space<hbm>>) offsets(%arg5 : memref<64xi32, #tpu.memory_space<vmem>>) semaphore(%arg13 : memref<!tpu.dma_semaphore, #tpu.memory_space<semaphore_mem>>)
    %dma_wait3A_64 = arith.constant 0 : i32
    %dma_wait3A_65 = arith.constant 0 : i32
    %dma_wait3A_66 = tpu.memref_slice %arg4[%dma_wait3A_64, %dma_wait3A_65] : memref<20480x512xi32, #tpu.memory_space<hbm>> -> memref<20480x512xi32, #tpu.memory_space<hbm>>
    tpu.wait_indirect_dma semaphore(%arg14 : memref<!tpu.dma_semaphore, #tpu.memory_space<semaphore_mem>>) src(%arg8 : memref<64x512xi32, #tpu.memory_space<vmem>>) dst(%dma_wait3A_66 : memref<20480x512xi32, #tpu.memory_space<hbm>>)
    %add3A_67 = arith.constant 192 : i32
    %add3A_68 = arith.addi %mul3A_2, %add3A_67 : i32
    %dma_start3A_69 = tpu.memref_slice %arg3[%add3A_68] : memref<16384xi32, #tpu.memory_space<hbm>> -> memref<64xi32, #tpu.memory_space<hbm>>
    %dma_start3A_70 = tpu.memref_slice %arg3[%add3A_68] : memref<16384xi32, #tpu.memory_space<hbm>> -> memref<64xi32, #tpu.memory_space<hbm>>
    tpu.enqueue_dma source(%dma_start3A_70 : memref<64xi32, #tpu.memory_space<hbm>>) target(%arg6 : memref<64xi32, #tpu.memory_space<vmem>>) target_semaphore(%arg10 : memref<!tpu.dma_semaphore, #tpu.memory_space<semaphore_mem>>)
    %add3A_71 = arith.constant 192 : i32
    %add3A_72 = arith.addi %add3A_5, %add3A_71 : i32
    %dma_start3A_73 = arith.constant 0 : i32
    %dma_start3A_74 = tpu.memref_slice %arg2[%add3A_72, %dma_start3A_73] : memref<8192x512xi32, #tpu.memory_space<hbm>> -> memref<64x512xi32, #tpu.memory_space<hbm>>
    %dma_start3A_75 = arith.constant 0 : i32
    %dma_start3A_76 = tpu.memref_slice %arg2[%add3A_72, %dma_start3A_75] : memref<8192x512xi32, #tpu.memory_space<hbm>> -> memref<64x512xi32, #tpu.memory_space<hbm>>
    tpu.enqueue_dma source(%dma_start3A_76 : memref<64x512xi32, #tpu.memory_space<hbm>>) target(%arg8 : memref<64x512xi32, #tpu.memory_space<vmem>>) target_semaphore(%arg12 : memref<!tpu.dma_semaphore, #tpu.memory_space<semaphore_mem>>)
    %dma_wait3A_77 = tpu.memref_slice %arg3[%add3A_68] : memref<16384xi32, #tpu.memory_space<hbm>> -> memref<64xi32, #tpu.memory_space<hbm>>
    %dma_wait3A_78 = tpu.memref_slice %arg3[%add3A_68] : memref<16384xi32, #tpu.memory_space<hbm>> -> memref<64xi32, #tpu.memory_space<hbm>>
    tpu.wait_dma2 semaphore(%arg10 : memref<!tpu.dma_semaphore, #tpu.memory_space<semaphore_mem>>) src(%dma_wait3A_78 : memref<64xi32, #tpu.memory_space<hbm>>) dst(%arg6 : memref<64xi32, #tpu.memory_space<vmem>>)
    %dma_wait3A_79 = arith.constant 0 : i32
    %dma_wait3A_80 = tpu.memref_slice %arg2[%add3A_72, %dma_wait3A_79] : memref<8192x512xi32, #tpu.memory_space<hbm>> -> memref<64x512xi32, #tpu.memory_space<hbm>>
    %dma_wait3A_81 = arith.constant 0 : i32
    %dma_wait3A_82 = tpu.memref_slice %arg2[%add3A_72, %dma_wait3A_81] : memref<8192x512xi32, #tpu.memory_space<hbm>> -> memref<64x512xi32, #tpu.memory_space<hbm>>
    tpu.wait_dma2 semaphore(%arg12 : memref<!tpu.dma_semaphore, #tpu.memory_space<semaphore_mem>>) src(%dma_wait3A_82 : memref<64x512xi32, #tpu.memory_space<hbm>>) dst(%arg8 : memref<64x512xi32, #tpu.memory_space<vmem>>)
    %dma_start3A_83 = arith.constant 0 : i32
    %dma_start3A_84 = arith.constant 0 : i32
    %dma_start3A_85 = tpu.memref_slice %arg4[%dma_start3A_83, %dma_start3A_84] : memref<20480x512xi32, #tpu.memory_space<hbm>> -> memref<20480x512xi32, #tpu.memory_space<hbm>>
    tpu.enqueue_indirect_dma source(%arg8 : memref<64x512xi32, #tpu.memory_space<vmem>>) target(%dma_start3A_85 : memref<20480x512xi32, #tpu.memory_space<hbm>>) offsets(%arg6 : memref<64xi32, #tpu.memory_space<vmem>>) semaphore(%arg14 : memref<!tpu.dma_semaphore, #tpu.memory_space<semaphore_mem>>)
    %dma_wait3A_86 = arith.constant 0 : i32
    %dma_wait3A_87 = arith.constant 0 : i32
    %dma_wait3A_88 = tpu.memref_slice %arg4[%dma_wait3A_86, %dma_wait3A_87] : memref<20480x512xi32, #tpu.memory_space<hbm>> -> memref<20480x512xi32, #tpu.memory_space<hbm>>
    tpu.wait_indirect_dma semaphore(%arg13 : memref<!tpu.dma_semaphore, #tpu.memory_space<semaphore_mem>>) src(%arg7 : memref<64x512xi32, #tpu.memory_space<vmem>>) dst(%dma_wait3A_88 : memref<20480x512xi32, #tpu.memory_space<hbm>>)
    %add3A_89 = arith.constant 256 : i32
    %add3A_90 = arith.addi %mul3A_2, %add3A_89 : i32
    %dma_start3A_91 = tpu.memref_slice %arg3[%add3A_90] : memref<16384xi32, #tpu.memory_space<hbm>> -> memref<64xi32, #tpu.memory_space<hbm>>
    %dma_start3A_92 = tpu.memref_slice %arg3[%add3A_90] : memref<16384xi32, #tpu.memory_space<hbm>> -> memref<64xi32, #tpu.memory_space<hbm>>
    tpu.enqueue_dma source(%dma_start3A_92 : memref<64xi32, #tpu.memory_space<hbm>>) target(%arg5 : memref<64xi32, #tpu.memory_space<vmem>>) target_semaphore(%arg9 : memref<!tpu.dma_semaphore, #tpu.memory_space<semaphore_mem>>)
    %add3A_93 = arith.constant 256 : i32
    %add3A_94 = arith.addi %add3A_5, %add3A_93 : i32
    %dma_start3A_95 = arith.constant 0 : i32
    %dma_start3A_96 = tpu.memref_slice %arg2[%add3A_94, %dma_start3A_95] : memref<8192x512xi32, #tpu.memory_space<hbm>> -> memref<64x512xi32, #tpu.memory_space<hbm>>
    %dma_start3A_97 = arith.constant 0 : i32
    %dma_start3A_98 = tpu.memref_slice %arg2[%add3A_94, %dma_start3A_97] : memref<8192x512xi32, #tpu.memory_space<hbm>> -> memref<64x512xi32, #tpu.memory_space<hbm>>
    tpu.enqueue_dma source(%dma_start3A_98 : memref<64x512xi32, #tpu.memory_space<hbm>>) target(%arg7 : memref<64x512xi32, #tpu.memory_space<vmem>>) target_semaphore(%arg11 : memref<!tpu.dma_semaphore, #tpu.memory_space<semaphore_mem>>)
    %dma_wait3A_99 = tpu.memref_slice %arg3[%add3A_90] : memref<16384xi32, #tpu.memory_space<hbm>> -> memref<64xi32, #tpu.memory_space<hbm>>
    %dma_wait3A_100 = tpu.memref_slice %arg3[%add3A_90] : memref<16384xi32, #tpu.memory_space<hbm>> -> memref<64xi32, #tpu.memory_space<hbm>>
    tpu.wait_dma2 semaphore(%arg9 : memref<!tpu.dma_semaphore, #tpu.memory_space<semaphore_mem>>) src(%dma_wait3A_100 : memref<64xi32, #tpu.memory_space<hbm>>) dst(%arg5 : memref<64xi32, #tpu.memory_space<vmem>>)
    %dma_wait3A_101 = arith.constant 0 : i32
    %dma_wait3A_102 = tpu.memref_slice %arg2[%add3A_94, %dma_wait3A_101] : memref<8192x512xi32, #tpu.memory_space<hbm>> -> memref<64x512xi32, #tpu.memory_space<hbm>>
    %dma_wait3A_103 = arith.constant 0 : i32
    %dma_wait3A_104 = tpu.memref_slice %arg2[%add3A_94, %dma_wait3A_103] : memref<8192x512xi32, #tpu.memory_space<hbm>> -> memref<64x512xi32, #tpu.memory_space<hbm>>
    tpu.wait_dma2 semaphore(%arg11 : memref<!tpu.dma_semaphore, #tpu.memory_space<semaphore_mem>>) src(%dma_wait3A_104 : memref<64x512xi32, #tpu.memory_space<hbm>>) dst(%arg7 : memref<64x512xi32, #tpu.memory_space<vmem>>)
    %dma_start3A_105 = arith.constant 0 : i32
    %dma_start3A_106 = arith.constant 0 : i32
    %dma_start3A_107 = tpu.memref_slice %arg4[%dma_start3A_105, %dma_start3A_106] : memref<20480x512xi32, #tpu.memory_space<hbm>> -> memref<20480x512xi32, #tpu.memory_space<hbm>>
    tpu.enqueue_indirect_dma source(%arg7 : memref<64x512xi32, #tpu.memory_space<vmem>>) target(%dma_start3A_107 : memref<20480x512xi32, #tpu.memory_space<hbm>>) offsets(%arg5 : memref<64xi32, #tpu.memory_space<vmem>>) semaphore(%arg13 : memref<!tpu.dma_semaphore, #tpu.memory_space<semaphore_mem>>)
    %dma_wait3A_108 = arith.constant 0 : i32
    %dma_wait3A_109 = arith.constant 0 : i32
    %dma_wait3A_110 = tpu.memref_slice %arg4[%dma_wait3A_108, %dma_wait3A_109] : memref<20480x512xi32, #tpu.memory_space<hbm>> -> memref<20480x512xi32, #tpu.memory_space<hbm>>
    tpu.wait_indirect_dma semaphore(%arg14 : memref<!tpu.dma_semaphore, #tpu.memory_space<semaphore_mem>>) src(%arg8 : memref<64x512xi32, #tpu.memory_space<vmem>>) dst(%dma_wait3A_110 : memref<20480x512xi32, #tpu.memory_space<hbm>>)
    %add3A_111 = arith.constant 320 : i32
    %add3A_112 = arith.addi %mul3A_2, %add3A_111 : i32
    %dma_start3A_113 = tpu.memref_slice %arg3[%add3A_112] : memref<16384xi32, #tpu.memory_space<hbm>> -> memref<64xi32, #tpu.memory_space<hbm>>
    %dma_start3A_114 = tpu.memref_slice %arg3[%add3A_112] : memref<16384xi32, #tpu.memory_space<hbm>> -> memref<64xi32, #tpu.memory_space<hbm>>
    tpu.enqueue_dma source(%dma_start3A_114 : memref<64xi32, #tpu.memory_space<hbm>>) target(%arg6 : memref<64xi32, #tpu.memory_space<vmem>>) target_semaphore(%arg10 : memref<!tpu.dma_semaphore, #tpu.memory_space<semaphore_mem>>)
    %add3A_115 = arith.constant 320 : i32
    %add3A_116 = arith.addi %add3A_5, %add3A_115 : i32
    %dma_start3A_117 = arith.constant 0 : i32
    %dma_start3A_118 = tpu.memref_slice %arg2[%add3A_116, %dma_start3A_117] : memref<8192x512xi32, #tpu.memory_space<hbm>> -> memref<64x512xi32, #tpu.memory_space<hbm>>
    %dma_start3A_119 = arith.constant 0 : i32
    %dma_start3A_120 = tpu.memref_slice %arg2[%add3A_116, %dma_start3A_119] : memref<8192x512xi32, #tpu.memory_space<hbm>> -> memref<64x512xi32, #tpu.memory_space<hbm>>
    tpu.enqueue_dma source(%dma_start3A_120 : memref<64x512xi32, #tpu.memory_space<hbm>>) target(%arg8 : memref<64x512xi32, #tpu.memory_space<vmem>>) target_semaphore(%arg12 : memref<!tpu.dma_semaphore, #tpu.memory_space<semaphore_mem>>)
    %dma_wait3A_121 = tpu.memref_slice %arg3[%add3A_112] : memref<16384xi32, #tpu.memory_space<hbm>> -> memref<64xi32, #tpu.memory_space<hbm>>
    %dma_wait3A_122 = tpu.memref_slice %arg3[%add3A_112] : memref<16384xi32, #tpu.memory_space<hbm>> -> memref<64xi32, #tpu.memory_space<hbm>>
    tpu.wait_dma2 semaphore(%arg10 : memref<!tpu.dma_semaphore, #tpu.memory_space<semaphore_mem>>) src(%dma_wait3A_122 : memref<64xi32, #tpu.memory_space<hbm>>) dst(%arg6 : memref<64xi32, #tpu.memory_space<vmem>>)
    %dma_wait3A_123 = arith.constant 0 : i32
    %dma_wait3A_124 = tpu.memref_slice %arg2[%add3A_116, %dma_wait3A_123] : memref<8192x512xi32, #tpu.memory_space<hbm>> -> memref<64x512xi32, #tpu.memory_space<hbm>>
    %dma_wait3A_125 = arith.constant 0 : i32
    %dma_wait3A_126 = tpu.memref_slice %arg2[%add3A_116, %dma_wait3A_125] : memref<8192x512xi32, #tpu.memory_space<hbm>> -> memref<64x512xi32, #tpu.memory_space<hbm>>
    tpu.wait_dma2 semaphore(%arg12 : memref<!tpu.dma_semaphore, #tpu.memory_space<semaphore_mem>>) src(%dma_wait3A_126 : memref<64x512xi32, #tpu.memory_space<hbm>>) dst(%arg8 : memref<64x512xi32, #tpu.memory_space<vmem>>)
    %dma_start3A_127 = arith.constant 0 : i32
    %dma_start3A_128 = arith.constant 0 : i32
    %dma_start3A_129 = tpu.memref_slice %arg4[%dma_start3A_127, %dma_start3A_128] : memref<20480x512xi32, #tpu.memory_space<hbm>> -> memref<20480x512xi32, #tpu.memory_space<hbm>>
    tpu.enqueue_indirect_dma source(%arg8 : memref<64x512xi32, #tpu.memory_space<vmem>>) target(%dma_start3A_129 : memref<20480x512xi32, #tpu.memory_space<hbm>>) offsets(%arg6 : memref<64xi32, #tpu.memory_space<vmem>>) semaphore(%arg14 : memref<!tpu.dma_semaphore, #tpu.memory_space<semaphore_mem>>)
    %dma_wait3A_130 = arith.constant 0 : i32
    %dma_wait3A_131 = arith.constant 0 : i32
    %dma_wait3A_132 = tpu.memref_slice %arg4[%dma_wait3A_130, %dma_wait3A_131] : memref<20480x512xi32, #tpu.memory_space<hbm>> -> memref<20480x512xi32, #tpu.memory_space<hbm>>
    tpu.wait_indirect_dma semaphore(%arg13 : memref<!tpu.dma_semaphore, #tpu.memory_space<semaphore_mem>>) src(%arg7 : memref<64x512xi32, #tpu.memory_space<vmem>>) dst(%dma_wait3A_132 : memref<20480x512xi32, #tpu.memory_space<hbm>>)
    %add3A_133 = arith.constant 384 : i32
    %add3A_134 = arith.addi %mul3A_2, %add3A_133 : i32
    %dma_start3A_135 = tpu.memref_slice %arg3[%add3A_134] : memref<16384xi32, #tpu.memory_space<hbm>> -> memref<64xi32, #tpu.memory_space<hbm>>
    %dma_start3A_136 = tpu.memref_slice %arg3[%add3A_134] : memref<16384xi32, #tpu.memory_space<hbm>> -> memref<64xi32, #tpu.memory_space<hbm>>
    tpu.enqueue_dma source(%dma_start3A_136 : memref<64xi32, #tpu.memory_space<hbm>>) target(%arg5 : memref<64xi32, #tpu.memory_space<vmem>>) target_semaphore(%arg9 : memref<!tpu.dma_semaphore, #tpu.memory_space<semaphore_mem>>)
    %add3A_137 = arith.constant 384 : i32
    %add3A_138 = arith.addi %add3A_5, %add3A_137 : i32
    %dma_start3A_139 = arith.constant 0 : i32
    %dma_start3A_140 = tpu.memref_slice %arg2[%add3A_138, %dma_start3A_139] : memref<8192x512xi32, #tpu.memory_space<hbm>> -> memref<64x512xi32, #tpu.memory_space<hbm>>
    %dma_start3A_141 = arith.constant 0 : i32
    %dma_start3A_142 = tpu.memref_slice %arg2[%add3A_138, %dma_start3A_141] : memref<8192x512xi32, #tpu.memory_space<hbm>> -> memref<64x512xi32, #tpu.memory_space<hbm>>
    tpu.enqueue_dma source(%dma_start3A_142 : memref<64x512xi32, #tpu.memory_space<hbm>>) target(%arg7 : memref<64x512xi32, #tpu.memory_space<vmem>>) target_semaphore(%arg11 : memref<!tpu.dma_semaphore, #tpu.memory_space<semaphore_mem>>)
    %dma_wait3A_143 = tpu.memref_slice %arg3[%add3A_134] : memref<16384xi32, #tpu.memory_space<hbm>> -> memref<64xi32, #tpu.memory_space<hbm>>
    %dma_wait3A_144 = tpu.memref_slice %arg3[%add3A_134] : memref<16384xi32, #tpu.memory_space<hbm>> -> memref<64xi32, #tpu.memory_space<hbm>>
    tpu.wait_dma2 semaphore(%arg9 : memref<!tpu.dma_semaphore, #tpu.memory_space<semaphore_mem>>) src(%dma_wait3A_144 : memref<64xi32, #tpu.memory_space<hbm>>) dst(%arg5 : memref<64xi32, #tpu.memory_space<vmem>>)
    %dma_wait3A_145 = arith.constant 0 : i32
    %dma_wait3A_146 = tpu.memref_slice %arg2[%add3A_138, %dma_wait3A_145] : memref<8192x512xi32, #tpu.memory_space<hbm>> -> memref<64x512xi32, #tpu.memory_space<hbm>>
    %dma_wait3A_147 = arith.constant 0 : i32
    %dma_wait3A_148 = tpu.memref_slice %arg2[%add3A_138, %dma_wait3A_147] : memref<8192x512xi32, #tpu.memory_space<hbm>> -> memref<64x512xi32, #tpu.memory_space<hbm>>
    tpu.wait_dma2 semaphore(%arg11 : memref<!tpu.dma_semaphore, #tpu.memory_space<semaphore_mem>>) src(%dma_wait3A_148 : memref<64x512xi32, #tpu.memory_space<hbm>>) dst(%arg7 : memref<64x512xi32, #tpu.memory_space<vmem>>)
    %dma_start3A_149 = arith.constant 0 : i32
    %dma_start3A_150 = arith.constant 0 : i32
    %dma_start3A_151 = tpu.memref_slice %arg4[%dma_start3A_149, %dma_start3A_150] : memref<20480x512xi32, #tpu.memory_space<hbm>> -> memref<20480x512xi32, #tpu.memory_space<hbm>>
    tpu.enqueue_indirect_dma source(%arg7 : memref<64x512xi32, #tpu.memory_space<vmem>>) target(%dma_start3A_151 : memref<20480x512xi32, #tpu.memory_space<hbm>>) offsets(%arg5 : memref<64xi32, #tpu.memory_space<vmem>>) semaphore(%arg13 : memref<!tpu.dma_semaphore, #tpu.memory_space<semaphore_mem>>)
    %dma_wait3A_152 = arith.constant 0 : i32
    %dma_wait3A_153 = arith.constant 0 : i32
    %dma_wait3A_154 = tpu.memref_slice %arg4[%dma_wait3A_152, %dma_wait3A_153] : memref<20480x512xi32, #tpu.memory_space<hbm>> -> memref<20480x512xi32, #tpu.memory_space<hbm>>
    tpu.wait_indirect_dma semaphore(%arg14 : memref<!tpu.dma_semaphore, #tpu.memory_space<semaphore_mem>>) src(%arg8 : memref<64x512xi32, #tpu.memory_space<vmem>>) dst(%dma_wait3A_154 : memref<20480x512xi32, #tpu.memory_space<hbm>>)
    %add3A_155 = arith.constant 448 : i32
    %add3A_156 = arith.addi %mul3A_2, %add3A_155 : i32
    %dma_start3A_157 = tpu.memref_slice %arg3[%add3A_156] : memref<16384xi32, #tpu.memory_space<hbm>> -> memref<64xi32, #tpu.memory_space<hbm>>
    %dma_start3A_158 = tpu.memref_slice %arg3[%add3A_156] : memref<16384xi32, #tpu.memory_space<hbm>> -> memref<64xi32, #tpu.memory_space<hbm>>
    tpu.enqueue_dma source(%dma_start3A_158 : memref<64xi32, #tpu.memory_space<hbm>>) target(%arg6 : memref<64xi32, #tpu.memory_space<vmem>>) target_semaphore(%arg10 : memref<!tpu.dma_semaphore, #tpu.memory_space<semaphore_mem>>)
    %add3A_159 = arith.constant 448 : i32
    %add3A_160 = arith.addi %add3A_5, %add3A_159 : i32
    %dma_start3A_161 = arith.constant 0 : i32
    %dma_start3A_162 = tpu.memref_slice %arg2[%add3A_160, %dma_start3A_161] : memref<8192x512xi32, #tpu.memory_space<hbm>> -> memref<64x512xi32, #tpu.memory_space<hbm>>
    %dma_start3A_163 = arith.constant 0 : i32
    %dma_start3A_164 = tpu.memref_slice %arg2[%add3A_160, %dma_start3A_163] : memref<8192x512xi32, #tpu.memory_space<hbm>> -> memref<64x512xi32, #tpu.memory_space<hbm>>
    tpu.enqueue_dma source(%dma_start3A_164 : memref<64x512xi32, #tpu.memory_space<hbm>>) target(%arg8 : memref<64x512xi32, #tpu.memory_space<vmem>>) target_semaphore(%arg12 : memref<!tpu.dma_semaphore, #tpu.memory_space<semaphore_mem>>)
    %dma_wait3A_165 = tpu.memref_slice %arg3[%add3A_156] : memref<16384xi32, #tpu.memory_space<hbm>> -> memref<64xi32, #tpu.memory_space<hbm>>
    %dma_wait3A_166 = tpu.memref_slice %arg3[%add3A_156] : memref<16384xi32, #tpu.memory_space<hbm>> -> memref<64xi32, #tpu.memory_space<hbm>>
    tpu.wait_dma2 semaphore(%arg10 : memref<!tpu.dma_semaphore, #tpu.memory_space<semaphore_mem>>) src(%dma_wait3A_166 : memref<64xi32, #tpu.memory_space<hbm>>) dst(%arg6 : memref<64xi32, #tpu.memory_space<vmem>>)
    %dma_wait3A_167 = arith.constant 0 : i32
    %dma_wait3A_168 = tpu.memref_slice %arg2[%add3A_160, %dma_wait3A_167] : memref<8192x512xi32, #tpu.memory_space<hbm>> -> memref<64x512xi32, #tpu.memory_space<hbm>>
    %dma_wait3A_169 = arith.constant 0 : i32
    %dma_wait3A_170 = tpu.memref_slice %arg2[%add3A_160, %dma_wait3A_169] : memref<8192x512xi32, #tpu.memory_space<hbm>> -> memref<64x512xi32, #tpu.memory_space<hbm>>
    tpu.wait_dma2 semaphore(%arg12 : memref<!tpu.dma_semaphore, #tpu.memory_space<semaphore_mem>>) src(%dma_wait3A_170 : memref<64x512xi32, #tpu.memory_space<hbm>>) dst(%arg8 : memref<64x512xi32, #tpu.memory_space<vmem>>)
    %dma_start3A_171 = arith.constant 0 : i32
    %dma_start3A_172 = arith.constant 0 : i32
    %dma_start3A_173 = tpu.memref_slice %arg4[%dma_start3A_171, %dma_start3A_172] : memref<20480x512xi32, #tpu.memory_space<hbm>> -> memref<20480x512xi32, #tpu.memory_space<hbm>>
    tpu.enqueue_indirect_dma source(%arg8 : memref<64x512xi32, #tpu.memory_space<vmem>>) target(%dma_start3A_173 : memref<20480x512xi32, #tpu.memory_space<hbm>>) offsets(%arg6 : memref<64xi32, #tpu.memory_space<vmem>>) semaphore(%arg14 : memref<!tpu.dma_semaphore, #tpu.memory_space<semaphore_mem>>)
    %dma_wait3A_174 = arith.constant 0 : i32
    %dma_wait3A_175 = arith.constant 0 : i32
    %dma_wait3A_176 = tpu.memref_slice %arg4[%dma_wait3A_174, %dma_wait3A_175] : memref<20480x512xi32, #tpu.memory_space<hbm>> -> memref<20480x512xi32, #tpu.memory_space<hbm>>
    tpu.wait_indirect_dma semaphore(%arg14 : memref<!tpu.dma_semaphore, #tpu.memory_space<semaphore_mem>>) src(%arg8 : memref<64x512xi32, #tpu.memory_space<vmem>>) dst(%dma_wait3A_176 : memref<20480x512xi32, #tpu.memory_space<hbm>>)
    %dma_wait3A_177 = arith.constant 0 : i32
    %dma_wait3A_178 = arith.constant 0 : i32
    %dma_wait3A_179 = tpu.memref_slice %arg4[%dma_wait3A_177, %dma_wait3A_178] : memref<20480x512xi32, #tpu.memory_space<hbm>> -> memref<20480x512xi32, #tpu.memory_space<hbm>>
    tpu.wait_indirect_dma semaphore(%arg13 : memref<!tpu.dma_semaphore, #tpu.memory_space<semaphore_mem>>) src(%arg7 : memref<64x512xi32, #tpu.memory_space<vmem>>) dst(%dma_wait3A_179 : memref<20480x512xi32, #tpu.memory_space<hbm>>)
    return
  }
}

module attributes {stable_mosaic.version = 14 : i64} {
  func.func @_router_block(%arg0: i32, %arg1: memref<512x1024xf32, #tpu.memory_space<vmem>>, %arg2: memref<8x1024xf32, #tpu.memory_space<vmem>>, %arg3: memref<512x1xi32, #tpu.memory_space<vmem>>, %arg4: memref<512x1xi32, #tpu.memory_space<vmem>>, %arg5: memref<512x1xi32, #tpu.memory_space<vmem>>, %arg6: memref<512x1xi32, #tpu.memory_space<vmem>>, %arg7: memref<512x1xf32, #tpu.memory_space<vmem>>, %arg8: memref<512x1xf32, #tpu.memory_space<vmem>>, %arg9: memref<8x8xf32, #tpu.memory_space<vmem>>, %arg10: memref<512x512xi32, #tpu.memory_space<vmem>>, %arg11: memref<8x8xf32, #tpu.memory_space<vmem>>) attributes {dimension_semantics = [#tpu.dimension_semantics<arbitrary>], iteration_bounds = array<i64: 16>, scalar_prefetch = 0 : i64, scratch_operands = 1 : i64, tpu.core_type = #tpu.core_type<tc>, window_params = [{transform_indices = @transform_0, window_bounds = array<i64: 512, 1024>}, {pipeline_mode = #tpu.pipeline_mode<synchronous>, transform_indices = @transform_1, window_bounds = array<i64: 8, 1024>}, {transform_indices = @transform_2, window_bounds = array<i64: 512, 1>}, {transform_indices = @transform_3, window_bounds = array<i64: 512, 1>}, {transform_indices = @transform_4, window_bounds = array<i64: 512, 1>}, {transform_indices = @transform_5, window_bounds = array<i64: 512, 1>}, {transform_indices = @transform_6, window_bounds = array<i64: 512, 1>}, {transform_indices = @transform_7, window_bounds = array<i64: 512, 1>}, {transform_indices = @transform_8, window_bounds = array<i64: 8, 8>}, {transform_indices = @transform_9, window_bounds = array<i64: 512, 512>}]} {
    %rem3A = arith.constant 16 : i32
    %rem3A_0 = arith.remsi %arg0, %rem3A : i32
    %eq3A = arith.constant 0 : i32
    %eq3A_1 = arith.cmpi eq, %rem3A_0, %eq3A : i32
    %convert_element_type3A = arith.extui %eq3A_1 : i1 to i32
    %cond3A = arith.constant 0 : i32
    %cond3A_2 = arith.cmpi ne, %convert_element_type3A, %cond3A : i32
    scf.if %cond3A_2 {
      %broadcast_in_dim3A_109 = arith.constant 0.000000e+00 : f32
      %broadcast_in_dim3A_110 = vector.broadcast %broadcast_in_dim3A_109 : f32 to vector<8x8xf32>
      %swap3A_111 = arith.constant 0 : index
      %swap3A_112 = arith.constant 0 : index
      %swap3A_113 = vector.load %arg11[%swap3A_111, %swap3A_112] : memref<8x8xf32, #tpu.memory_space<vmem>>, vector<8x8xf32>
      tpu.vector_store %arg11[%swap3A_111, %swap3A_112], %broadcast_in_dim3A_110 {strides = array<i32>} : memref<8x8xf32, #tpu.memory_space<vmem>>, vector<8x8xf32>,
    } else {
    }
    %get3A = arith.constant 0 : index
    %get3A_3 = arith.constant 0 : index
    %get3A_4 = vector.load %arg1[%get3A, %get3A_3] : memref<512x1024xf32, #tpu.memory_space<vmem>>, vector<512x1024xf32>
    %get3A_5 = arith.constant 0 : index
    %get3A_6 = arith.constant 0 : index
    %get3A_7 = vector.load %arg2[%get3A_5, %get3A_6] : memref<8x1024xf32, #tpu.memory_space<vmem>>, vector<8x1024xf32>
    %dot_general3A = arith.constant dense<0.000000e+00> : vector<512x8xf32>
    %dot_general3A_8 = tpu.matmul %get3A_4, %get3A_7, %dot_general3A {dimension_numbers = #tpu.dot_dimension_numbers<[1], [1], [0], [0], [0, 0, 1, 0], [], []>, transpose_lhs_hint = false} : vector<512x1024xf32>, vector<8x1024xf32>, vector<512x8xf32> -> vector<512x8xf32>
    %reduce_max3A = arith.constant dense<0xFF800000> : vector<512xf32>
    %reduce_max3A_9 = vector.multi_reduction <maximumf>, %dot_general3A_8, %reduce_max3A [1] : vector<512x8xf32> to vector<512xf32>
    %broadcast_in_dim3A = vector.shape_cast %reduce_max3A_9 : vector<512xf32> to vector<512x1xf32>
    %sub3A = vector.broadcast %broadcast_in_dim3A : vector<512x1xf32> to vector<512x8xf32>
    %sub3A_10 = arith.subf %dot_general3A_8, %sub3A : vector<512x8xf32>
    %exp3A = math.exp %sub3A_10 : vector<512x8xf32>
    %reduce_sum3A = arith.constant dense<0.000000e+00> : vector<512xf32>
    %reduce_sum3A_11 = vector.multi_reduction <add>, %exp3A, %reduce_sum3A [1] : vector<512x8xf32> to vector<512xf32>
    %broadcast_in_dim3A_12 = vector.shape_cast %reduce_sum3A_11 : vector<512xf32> to vector<512x1xf32>
    %div3A = vector.broadcast %broadcast_in_dim3A_12 : vector<512x1xf32> to vector<512x8xf32>
    %div3A_13 = arith.divf %exp3A, %div3A : vector<512x8xf32>
    %argmax3A = tpu.reduce_index %div3A_13 {axis = 1 : i32, kind = #tpu.reduction_kind<arg_max>} : vector<512x8xf32> -> vector<512xi32>
    %reduce_max3A_14 = arith.constant dense<0xFF800000> : vector<512xf32>
    %reduce_max3A_15 = vector.multi_reduction <maximumf>, %div3A_13, %reduce_max3A_14 [1] : vector<512x8xf32> to vector<512xf32>
    %iota3A = tpu.iota {dimensions = array<i32: 1>} : vector<512x8xi32>
    %broadcast_in_dim3A_16 = vector.shape_cast %argmax3A : vector<512xi32> to vector<512x1xi32>
    %eq3A_17 = vector.broadcast %broadcast_in_dim3A_16 : vector<512x1xi32> to vector<512x8xi32>
    %eq3A_18 = arith.cmpi eq, %iota3A, %eq3A_17 : vector<512x8xi32>
    %jit3A = arith.constant 0xFF800000 : f32
    %broadcast_in_dim3A_19 = vector.broadcast %jit3A : f32 to vector<512x8xf32>
    %select_n3A = arith.select %eq3A_18, %broadcast_in_dim3A_19, %div3A_13 : vector<512x8xi1>, vector<512x8xf32>
    %argmax3A_20 = tpu.reduce_index %select_n3A {axis = 1 : i32, kind = #tpu.reduction_kind<arg_max>} : vector<512x8xf32> -> vector<512xi32>
    %reduce_max3A_21 = arith.constant dense<0xFF800000> : vector<512xf32>
    %reduce_max3A_22 = vector.multi_reduction <maximumf>, %select_n3A, %reduce_max3A_21 [1] : vector<512x8xf32> to vector<512xf32>
    %add3A = arith.addf %reduce_max3A_15, %reduce_max3A_22 : vector<512xf32>
    %broadcast_in_dim3A_23 = vector.shape_cast %argmax3A : vector<512xi32> to vector<512x1xi32>
    %eq3A_24 = vector.broadcast %broadcast_in_dim3A_23 : vector<512x1xi32> to vector<512x8xi32>
    %eq3A_25 = arith.cmpi eq, %iota3A, %eq3A_24 : vector<512x8xi32>
    %convert_element_type3A_26 = arith.extui %eq3A_25 : vector<512x8xi1> to vector<512x8xi32>
    %convert_element_type3A_27 = arith.sitofp %convert_element_type3A_26 : vector<512x8xi32> to vector<512x8xf32>
    %broadcast_in_dim3A_28 = vector.shape_cast %argmax3A_20 : vector<512xi32> to vector<512x1xi32>
    %eq3A_29 = vector.broadcast %broadcast_in_dim3A_28 : vector<512x1xi32> to vector<512x8xi32>
    %eq3A_30 = arith.cmpi eq, %iota3A, %eq3A_29 : vector<512x8xi32>
    %convert_element_type3A_31 = arith.extui %eq3A_30 : vector<512x8xi1> to vector<512x8xi32>
    %convert_element_type3A_32 = arith.sitofp %convert_element_type3A_31 : vector<512x8xi32> to vector<512x8xf32>
    %iota3A_33 = tpu.iota {dimensions = array<i32: 0>} : vector<512x512xi32>
    %iota3A_34 = tpu.iota {dimensions = array<i32: 1>} : vector<512x512xi32>
    %gt3A = arith.cmpi sgt, %iota3A_33, %iota3A_34 : vector<512x512xi32>
    %convert_element_type3A_35 = arith.extui %gt3A : vector<512x512xi1> to vector<512x512xi32>
    %convert_element_type3A_36 = arith.sitofp %convert_element_type3A_35 : vector<512x512xi32> to vector<512x512xf32>
    %dot_general3A_37 = arith.constant dense<0.000000e+00> : vector<512x8xf32>
    %dot_general3A_38 = tpu.matmul %convert_element_type3A_36, %convert_element_type3A_27, %dot_general3A_37 {dimension_numbers = #tpu.dot_dimension_numbers<[1], [0], [0], [1], [0, 0, 1, 1], [], []>, transpose_lhs_hint = false} : vector<512x512xf32>, vector<512x8xf32>, vector<512x8xf32> -> vector<512x8xf32>
    %dot_general3A_39 = arith.constant dense<0.000000e+00> : vector<512x8xf32>
    %dot_general3A_40 = tpu.matmul %convert_element_type3A_36, %convert_element_type3A_32, %dot_general3A_39 {dimension_numbers = #tpu.dot_dimension_numbers<[1], [0], [0], [1], [0, 0, 1, 1], [], []>, transpose_lhs_hint = false} : vector<512x512xf32>, vector<512x8xf32>, vector<512x8xf32> -> vector<512x8xf32>
    %reduce_sum3A_41 = arith.constant dense<0.000000e+00> : vector<8xf32>
    %reduce_sum3A_42 = vector.multi_reduction <add>, %convert_element_type3A_27, %reduce_sum3A_41 [0] : vector<512x8xf32> to vector<8xf32>
    %reduce_sum3A_43 = arith.constant dense<0.000000e+00> : vector<8xf32>
    %reduce_sum3A_44 = vector.multi_reduction <add>, %convert_element_type3A_32, %reduce_sum3A_43 [0] : vector<512x8xf32> to vector<8xf32>
    %get3A_45 = arith.constant 0 : index
    %get3A_46 = arith.constant 0 : index
    %get3A_47 = vector.load %arg11[%get3A_45, %get3A_46] : memref<8x8xf32, #tpu.memory_space<vmem>>, vector<1x8xf32>
    %add3A_48 = vector.broadcast %get3A_47 : vector<1x8xf32> to vector<512x8xf32>
    %add3A_49 = arith.addf %add3A_48, %dot_general3A_38 : vector<512x8xf32>
    %mul3A = arith.mulf %convert_element_type3A_27, %add3A_49 : vector<512x8xf32>
    %reduce_sum3A_50 = arith.constant dense<0.000000e+00> : vector<512xf32>
    %reduce_sum3A_51 = vector.multi_reduction <add>, %mul3A, %reduce_sum3A_50 [1] : vector<512x8xf32> to vector<512xf32>
    %broadcast_in_dim3A_52 = vector.shape_cast %reduce_sum3A_42 : vector<8xf32> to vector<1x8xf32>
    %add3A_53 = arith.addf %get3A_47, %broadcast_in_dim3A_52 : vector<1x8xf32>
    %add3A_54 = vector.broadcast %add3A_53 : vector<1x8xf32> to vector<512x8xf32>
    %add3A_55 = arith.addf %add3A_54, %dot_general3A_40 : vector<512x8xf32>
    %mul3A_56 = arith.mulf %convert_element_type3A_32, %add3A_55 : vector<512x8xf32>
    %reduce_sum3A_57 = arith.constant dense<0.000000e+00> : vector<512xf32>
    %reduce_sum3A_58 = vector.multi_reduction <add>, %mul3A_56, %reduce_sum3A_57 [1] : vector<512x8xf32> to vector<512xf32>
    %squeeze3A = vector.shape_cast %get3A_47 : vector<1x8xf32> to vector<8xf32>
    %add3A_59 = arith.addf %squeeze3A, %reduce_sum3A_42 : vector<8xf32>
    %add3A_60 = arith.addf %add3A_59, %reduce_sum3A_44 : vector<8xf32>
    %broadcast_in_dim3A_61 = vector.shape_cast %add3A_60 : vector<8xf32> to vector<1x8xf32>
    %broadcast_in_dim3A_62 = vector.shape_cast %broadcast_in_dim3A_61 : vector<1x8xf32> to vector<1x8xf32>
    %broadcast_in_dim3A_63 = vector.broadcast %broadcast_in_dim3A_62 : vector<1x8xf32> to vector<8x8xf32>
    %swap3A = arith.constant 0 : index
    %swap3A_64 = arith.constant 0 : index
    %swap3A_65 = vector.load %arg11[%swap3A, %swap3A_64] : memref<8x8xf32, #tpu.memory_space<vmem>>, vector<8x8xf32>
    tpu.vector_store %arg11[%swap3A, %swap3A_64], %broadcast_in_dim3A_63 {strides = array<i32>} : memref<8x8xf32, #tpu.memory_space<vmem>>, vector<8x8xf32>,
    %broadcast_in_dim3A_66 = vector.shape_cast %add3A_60 : vector<8xf32> to vector<1x8xf32>
    %broadcast_in_dim3A_67 = vector.shape_cast %broadcast_in_dim3A_66 : vector<1x8xf32> to vector<1x8xf32>
    %broadcast_in_dim3A_68 = vector.broadcast %broadcast_in_dim3A_67 : vector<1x8xf32> to vector<8x8xf32>
    %swap3A_69 = arith.constant 0 : index
    %swap3A_70 = arith.constant 0 : index
    %swap3A_71 = vector.load %arg9[%swap3A_69, %swap3A_70] : memref<8x8xf32, #tpu.memory_space<vmem>>, vector<8x8xf32>
    tpu.vector_store %arg9[%swap3A_69, %swap3A_70], %broadcast_in_dim3A_68 {strides = array<i32>} : memref<8x8xf32, #tpu.memory_space<vmem>>, vector<8x8xf32>,
    %broadcast_in_dim3A_72 = vector.shape_cast %argmax3A : vector<512xi32> to vector<512x1xi32>
    %swap3A_73 = arith.constant 0 : index
    %swap3A_74 = arith.constant 0 : index
    %swap3A_75 = vector.load %arg3[%swap3A_73, %swap3A_74] : memref<512x1xi32, #tpu.memory_space<vmem>>, vector<512x1xi32>
    tpu.vector_store %arg3[%swap3A_73, %swap3A_74], %broadcast_in_dim3A_72 {strides = array<i32>} : memref<512x1xi32, #tpu.memory_space<vmem>>, vector<512x1xi32>,
    %broadcast_in_dim3A_76 = vector.shape_cast %argmax3A_20 : vector<512xi32> to vector<512x1xi32>
    %swap3A_77 = arith.constant 0 : index
    %swap3A_78 = arith.constant 0 : index
    %swap3A_79 = vector.load %arg4[%swap3A_77, %swap3A_78] : memref<512x1xi32, #tpu.memory_space<vmem>>, vector<512x1xi32>
    tpu.vector_store %arg4[%swap3A_77, %swap3A_78], %broadcast_in_dim3A_76 {strides = array<i32>} : memref<512x1xi32, #tpu.memory_space<vmem>>, vector<512x1xi32>,
    %convert_element_type3A_80 = arith.fptosi %reduce_sum3A_51 : vector<512xf32> to vector<512xi32>
    %broadcast_in_dim3A_81 = vector.shape_cast %convert_element_type3A_80 : vector<512xi32> to vector<512x1xi32>
    %swap3A_82 = arith.constant 0 : index
    %swap3A_83 = arith.constant 0 : index
    %swap3A_84 = vector.load %arg5[%swap3A_82, %swap3A_83] : memref<512x1xi32, #tpu.memory_space<vmem>>, vector<512x1xi32>
    tpu.vector_store %arg5[%swap3A_82, %swap3A_83], %broadcast_in_dim3A_81 {strides = array<i32>} : memref<512x1xi32, #tpu.memory_space<vmem>>, vector<512x1xi32>,
    %convert_element_type3A_85 = arith.fptosi %reduce_sum3A_58 : vector<512xf32> to vector<512xi32>
    %broadcast_in_dim3A_86 = vector.shape_cast %convert_element_type3A_85 : vector<512xi32> to vector<512x1xi32>
    %swap3A_87 = arith.constant 0 : index
    %swap3A_88 = arith.constant 0 : index
    %swap3A_89 = vector.load %arg6[%swap3A_87, %swap3A_88] : memref<512x1xi32, #tpu.memory_space<vmem>>, vector<512x1xi32>
    tpu.vector_store %arg6[%swap3A_87, %swap3A_88], %broadcast_in_dim3A_86 {strides = array<i32>} : memref<512x1xi32, #tpu.memory_space<vmem>>, vector<512x1xi32>,
    %div3A_90 = arith.divf %reduce_max3A_15, %add3A : vector<512xf32>
    %broadcast_in_dim3A_91 = vector.shape_cast %div3A_90 : vector<512xf32> to vector<512x1xf32>
    %swap3A_92 = arith.constant 0 : index
    %swap3A_93 = arith.constant 0 : index
    %swap3A_94 = vector.load %arg7[%swap3A_92, %swap3A_93] : memref<512x1xf32, #tpu.memory_space<vmem>>, vector<512x1xf32>
    tpu.vector_store %arg7[%swap3A_92, %swap3A_93], %broadcast_in_dim3A_91 {strides = array<i32>} : memref<512x1xf32, #tpu.memory_space<vmem>>, vector<512x1xf32>,
    %div3A_95 = arith.divf %reduce_max3A_22, %add3A : vector<512xf32>
    %broadcast_in_dim3A_96 = vector.shape_cast %div3A_95 : vector<512xf32> to vector<512x1xf32>
    %swap3A_97 = arith.constant 0 : index
    %swap3A_98 = arith.constant 0 : index
    %swap3A_99 = vector.load %arg8[%swap3A_97, %swap3A_98] : memref<512x1xf32, #tpu.memory_space<vmem>>, vector<512x1xf32>
    tpu.vector_store %arg8[%swap3A_97, %swap3A_98], %broadcast_in_dim3A_96 {strides = array<i32>} : memref<512x1xf32, #tpu.memory_space<vmem>>, vector<512x1xf32>,
    %convert_element_type3A_100 = arith.truncf %get3A_4 : vector<512x1024xf32> to vector<512x1024xbf16>
    %bitcast_convert_type3A = tpu.bitcast %convert_element_type3A_100 : vector<512x1024xbf16> -> vector<512x1024xi16>
    %slice3A = vector.extract_strided_slice %bitcast_convert_type3A {offsets = [0, 0], sizes = [512, 512], strides = [1, 1]} : vector<512x1024xi16> to vector<512x512xi16>
    %convert_element_type3A_101 = arith.extui %slice3A : vector<512x512xi16> to vector<512x512xi32>
    %slice3A_102 = vector.extract_strided_slice %bitcast_convert_type3A {offsets = [0, 512], sizes = [512, 512], strides = [1, 1]} : vector<512x1024xi16> to vector<512x512xi16>
    %convert_element_type3A_103 = arith.extui %slice3A_102 : vector<512x512xi16> to vector<512x512xi32>
    %shift_left3A = arith.constant 16 : i32
    %shift_left3A_104 = vector.broadcast %shift_left3A : i32 to vector<512x512xi32>
    %shift_left3A_105 = arith.shli %convert_element_type3A_103, %shift_left3A_104 : vector<512x512xi32>
    %or3A = arith.ori %convert_element_type3A_101, %shift_left3A_105 : vector<512x512xi32>
    %swap3A_106 = arith.constant 0 : index
    %swap3A_107 = arith.constant 0 : index
    %swap3A_108 = vector.load %arg10[%swap3A_106, %swap3A_107] : memref<512x512xi32, #tpu.memory_space<vmem>>, vector<512x512xi32>
    tpu.vector_store %arg10[%swap3A_106, %swap3A_107], %or3A {strides = array<i32>} : memref<512x512xi32, #tpu.memory_space<vmem>>, vector<512x512xi32>,
    return
  }
  func.func @transform_0(%arg0: i32) -> (i32, i32) {
    %c0_i32 = arith.constant 0 : i32
    %c0_i32_0 = arith.constant 0 : i32
    return %arg0, %c0_i32 : i32, i32
  }
  func.func @transform_1(%arg0: i32) -> (i32, i32) {
    %c0_i32 = arith.constant 0 : i32
    %c0_i32_0 = arith.constant 0 : i32
    %c0_i32_1 = arith.constant 0 : i32
    return %c0_i32, %c0_i32_0 : i32, i32
  }
  func.func @transform_2(%arg0: i32) -> (i32, i32) {
    %c0_i32 = arith.constant 0 : i32
    %c0_i32_0 = arith.constant 0 : i32
    return %arg0, %c0_i32 : i32, i32
  }
  func.func @transform_3(%arg0: i32) -> (i32, i32) {
    %c0_i32 = arith.constant 0 : i32
    %c0_i32_0 = arith.constant 0 : i32
    return %arg0, %c0_i32 : i32, i32
  }
  func.func @transform_4(%arg0: i32) -> (i32, i32) {
    %c0_i32 = arith.constant 0 : i32
    %c0_i32_0 = arith.constant 0 : i32
    return %arg0, %c0_i32 : i32, i32
  }
  func.func @transform_5(%arg0: i32) -> (i32, i32) {
    %c0_i32 = arith.constant 0 : i32
    %c0_i32_0 = arith.constant 0 : i32
    return %arg0, %c0_i32 : i32, i32
  }
  func.func @transform_6(%arg0: i32) -> (i32, i32) {
    %c0_i32 = arith.constant 0 : i32
    %c0_i32_0 = arith.constant 0 : i32
    return %arg0, %c0_i32 : i32, i32
  }
  func.func @transform_7(%arg0: i32) -> (i32, i32) {
    %c0_i32 = arith.constant 0 : i32
    %c0_i32_0 = arith.constant 0 : i32
    return %arg0, %c0_i32 : i32, i32
  }
  func.func @transform_8(%arg0: i32) -> (i32, i32) {
    %jit3A = arith.constant 16 : i32
    %div3A = arith.divsi %arg0, %jit3A : i32
    %sign3A = arith.constant 0 : i32
    %sign3A_0 = arith.cmpi sgt, %arg0, %sign3A : i32
    %sign3A_1 = arith.extui %sign3A_0 : i1 to i32
    %sign3A_2 = arith.constant 0 : i32
    %sign3A_3 = arith.cmpi slt, %arg0, %sign3A_2 : i32
    %sign3A_4 = arith.extui %sign3A_3 : i1 to i32
    %sign3A_5 = arith.subi %sign3A_1, %sign3A_4 : i32
    %sign3A_6 = arith.constant 0 : i32
    %sign3A_7 = arith.cmpi sgt, %jit3A, %sign3A_6 : i32
    %sign3A_8 = arith.extui %sign3A_7 : i1 to i32
    %sign3A_9 = arith.constant 0 : i32
    %sign3A_10 = arith.cmpi slt, %jit3A, %sign3A_9 : i32
    %sign3A_11 = arith.extui %sign3A_10 : i1 to i32
    %sign3A_12 = arith.subi %sign3A_8, %sign3A_11 : i32
    %ne3A = arith.cmpi ne, %sign3A_5, %sign3A_12 : i32
    %rem3A = arith.remsi %arg0, %jit3A : i32
    %ne3A_13 = arith.constant 0 : i32
    %ne3A_14 = arith.cmpi ne, %rem3A, %ne3A_13 : i32
    %and3A = arith.andi %ne3A, %ne3A_14 : i1
    %sub3A = arith.constant 1 : i32
    %sub3A_15 = arith.subi %div3A, %sub3A : i32
    %select_n3A = arith.select %and3A, %sub3A_15, %div3A : i32
    %c0_i32 = arith.constant 0 : i32
    %c0_i32_16 = arith.constant 0 : i32
    return %select_n3A, %c0_i32 : i32, i32
  }
  func.func @transform_9(%arg0: i32) -> (i32, i32) {
    %c0_i32 = arith.constant 0 : i32
    %c0_i32_0 = arith.constant 0 : i32
    return %arg0, %c0_i32 : i32, i32
  }
}

module attributes {stable_mosaic.version = 14 : i64} {
  func.func @_ffn_block(%arg0: i32, %arg1: memref<40xi32, #tpu.memory_space<smem>>, %arg2: memref<512x512xi32, #tpu.memory_space<vmem>>, %arg3: memref<1x512x1024xf32, #tpu.memory_space<vmem>>, %arg4: memref<1x1x512xf32, #tpu.memory_space<vmem>>, %arg5: memref<1x1024x512xf32, #tpu.memory_space<vmem>>, %arg6: memref<1x1x1024xf32, #tpu.memory_space<vmem>>, %arg7: memref<512x512xi32, #tpu.memory_space<vmem>>) attributes {dimension_semantics = [#tpu.dimension_semantics<arbitrary>], iteration_bounds = array<i64: 40>, scalar_prefetch = 1 : i64, scratch_operands = 0 : i64, tpu.core_type = #tpu.core_type<tc>, window_params = [{transform_indices = @transform_0, window_bounds = array<i64: 512, 512>}, {transform_indices = @transform_1, window_bounds = array<i64: 1, 512, 1024>}, {transform_indices = @transform_2, window_bounds = array<i64: 1, 1, 512>}, {transform_indices = @transform_3, window_bounds = array<i64: 1, 1024, 512>}, {transform_indices = @transform_4, window_bounds = array<i64: 1, 1, 1024>}, {transform_indices = @transform_5, window_bounds = array<i64: 512, 512>}]} {
    %get3A = arith.constant 0 : index
    %get3A_0 = arith.constant 0 : index
    %get3A_1 = vector.load %arg2[%get3A, %get3A_0] : memref<512x512xi32, #tpu.memory_space<vmem>>, vector<512x512xi32>
    %and3A = arith.constant 65535 : i32
    %and3A_2 = vector.broadcast %and3A : i32 to vector<512x512xi32>
    %and3A_3 = arith.andi %get3A_1, %and3A_2 : vector<512x512xi32>
    %convert_element_type3A = arith.trunci %and3A_3 : vector<512x512xi32> to vector<512x512xi16>
    %shift_right_logical3A = arith.constant 16 : i32
    %shift_right_logical3A_4 = vector.broadcast %shift_right_logical3A : i32 to vector<512x512xi32>
    %shift_right_logical3A_5 = arith.shrui %get3A_1, %shift_right_logical3A_4 : vector<512x512xi32>
    %convert_element_type3A_6 = arith.trunci %shift_right_logical3A_5 : vector<512x512xi32> to vector<512x512xi16>
    %bitcast_convert_type3A = tpu.bitcast %convert_element_type3A : vector<512x512xi16> -> vector<512x512xbf16>
    %bitcast_convert_type3A_7 = tpu.bitcast %convert_element_type3A_6 : vector<512x512xi16> -> vector<512x512xbf16>
    %concatenate3A = tpu.concatenate %bitcast_convert_type3A, %bitcast_convert_type3A_7 in 1 : vector<512x512xbf16>, vector<512x512xbf16> -> vector<512x1024xbf16>
    %get3A_8 = arith.constant 0 : index
    %get3A_9 = arith.constant 0 : index
    %get3A_10 = arith.constant 0 : index
    %get3A_11 = vector.load %arg3[%get3A_8, %get3A_9, %get3A_10] : memref<1x512x1024xf32, #tpu.memory_space<vmem>>, vector<1x512x1024xf32>
    %get3A_12 = vector.shape_cast %get3A_11 : vector<1x512x1024xf32> to vector<512x1024xf32>
    %convert_element_type3A_13 = arith.truncf %get3A_12 : vector<512x1024xf32> to vector<512x1024xbf16>
    %dot_general3A = arith.constant dense<0.000000e+00> : vector<512x512xf32>
    %dot_general3A_14 = tpu.matmul %concatenate3A, %convert_element_type3A_13, %dot_general3A {dimension_numbers = #tpu.dot_dimension_numbers<[1], [1], [0], [0], [0, 0, 1, 0], [], []>, transpose_lhs_hint = false} : vector<512x1024xbf16>, vector<512x1024xbf16>, vector<512x512xf32> -> vector<512x512xf32>
    %get3A_15 = arith.constant 0 : index
    %get3A_16 = arith.constant 0 : index
    %get3A_17 = arith.constant 0 : index
    %get3A_18 = vector.load %arg4[%get3A_15, %get3A_16, %get3A_17] : memref<1x1x512xf32, #tpu.memory_space<vmem>>, vector<1x1x512xf32>
    %get3A_19 = vector.shape_cast %get3A_18 : vector<1x1x512xf32> to vector<1x512xf32>
    %add3A = vector.broadcast %get3A_19 : vector<1x512xf32> to vector<512x512xf32>
    %add3A_20 = arith.addf %dot_general3A_14, %add3A : vector<512x512xf32>
    %max3A = arith.constant 0.000000e+00 : f32
    %max3A_21 = vector.broadcast %max3A : f32 to vector<512x512xf32>
    %max3A_22 = arith.maximumf %add3A_20, %max3A_21 : vector<512x512xf32>
    %convert_element_type3A_23 = arith.truncf %max3A_22 : vector<512x512xf32> to vector<512x512xbf16>
    %get3A_24 = arith.constant 0 : index
    %get3A_25 = arith.constant 0 : index
    %get3A_26 = arith.constant 0 : index
    %get3A_27 = vector.load %arg5[%get3A_24, %get3A_25, %get3A_26] : memref<1x1024x512xf32, #tpu.memory_space<vmem>>, vector<1x1024x512xf32>
    %get3A_28 = vector.shape_cast %get3A_27 : vector<1x1024x512xf32> to vector<1024x512xf32>
    %convert_element_type3A_29 = arith.truncf %get3A_28 : vector<1024x512xf32> to vector<1024x512xbf16>
    %dot_general3A_30 = arith.constant dense<0.000000e+00> : vector<512x1024xf32>
    %dot_general3A_31 = tpu.matmul %convert_element_type3A_23, %convert_element_type3A_29, %dot_general3A_30 {dimension_numbers = #tpu.dot_dimension_numbers<[1], [1], [0], [0], [0, 0, 1, 0], [], []>, transpose_lhs_hint = false} : vector<512x512xbf16>, vector<1024x512xbf16>, vector<512x1024xf32> -> vector<512x1024xf32>
    %get3A_32 = arith.constant 0 : index
    %get3A_33 = arith.constant 0 : index
    %get3A_34 = arith.constant 0 : index
    %get3A_35 = vector.load %arg6[%get3A_32, %get3A_33, %get3A_34] : memref<1x1x1024xf32, #tpu.memory_space<vmem>>, vector<1x1x1024xf32>
    %get3A_36 = vector.shape_cast %get3A_35 : vector<1x1x1024xf32> to vector<1x1024xf32>
    %add3A_37 = vector.broadcast %get3A_36 : vector<1x1024xf32> to vector<512x1024xf32>
    %add3A_38 = arith.addf %dot_general3A_31, %add3A_37 : vector<512x1024xf32>
    %convert_element_type3A_39 = arith.truncf %add3A_38 : vector<512x1024xf32> to vector<512x1024xbf16>
    %bitcast_convert_type3A_40 = tpu.bitcast %convert_element_type3A_39 : vector<512x1024xbf16> -> vector<512x1024xi16>
    %slice3A = vector.extract_strided_slice %bitcast_convert_type3A_40 {offsets = [0, 0], sizes = [512, 512], strides = [1, 1]} : vector<512x1024xi16> to vector<512x512xi16>
    %convert_element_type3A_41 = arith.extui %slice3A : vector<512x512xi16> to vector<512x512xi32>
    %slice3A_42 = vector.extract_strided_slice %bitcast_convert_type3A_40 {offsets = [0, 512], sizes = [512, 512], strides = [1, 1]} : vector<512x1024xi16> to vector<512x512xi16>
    %convert_element_type3A_43 = arith.extui %slice3A_42 : vector<512x512xi16> to vector<512x512xi32>
    %shift_left3A = arith.constant 16 : i32
    %shift_left3A_44 = vector.broadcast %shift_left3A : i32 to vector<512x512xi32>
    %shift_left3A_45 = arith.shli %convert_element_type3A_43, %shift_left3A_44 : vector<512x512xi32>
    %or3A = arith.ori %convert_element_type3A_41, %shift_left3A_45 : vector<512x512xi32>
    %swap3A = arith.constant 0 : index
    %swap3A_46 = arith.constant 0 : index
    %swap3A_47 = vector.load %arg7[%swap3A, %swap3A_46] : memref<512x512xi32, #tpu.memory_space<vmem>>, vector<512x512xi32>
    tpu.vector_store %arg7[%swap3A, %swap3A_46], %or3A {strides = array<i32>} : memref<512x512xi32, #tpu.memory_space<vmem>>, vector<512x512xi32>,
    return
  }
  func.func @transform_0(%arg0: i32, %arg1: memref<40xi32, #tpu.memory_space<smem>>) -> (i32, i32) {
    %c0_i32 = arith.constant 0 : i32
    %c0_i32_0 = arith.constant 0 : i32
    return %arg0, %c0_i32 : i32, i32
  }
  func.func @transform_1(%arg0: i32, %arg1: memref<40xi32, #tpu.memory_space<smem>>) -> (i32, i32, i32) {
    %get3A = arith.index_cast %arg0 : i32 to index
    %get3A_0 = memref.load %arg1[%get3A] : memref<40xi32, #tpu.memory_space<smem>>
    %c0_i32 = arith.constant 0 : i32
    %c0_i32_1 = arith.constant 0 : i32
    %c0_i32_2 = arith.constant 0 : i32
    return %get3A_0, %c0_i32, %c0_i32_1 : i32, i32, i32
  }
  func.func @transform_2(%arg0: i32, %arg1: memref<40xi32, #tpu.memory_space<smem>>) -> (i32, i32, i32) {
    %get3A = arith.index_cast %arg0 : i32 to index
    %get3A_0 = memref.load %arg1[%get3A] : memref<40xi32, #tpu.memory_space<smem>>
    %c0_i32 = arith.constant 0 : i32
    %c0_i32_1 = arith.constant 0 : i32
    %c0_i32_2 = arith.constant 0 : i32
    return %get3A_0, %c0_i32, %c0_i32_1 : i32, i32, i32
  }
  func.func @transform_3(%arg0: i32, %arg1: memref<40xi32, #tpu.memory_space<smem>>) -> (i32, i32, i32) {
    %get3A = arith.index_cast %arg0 : i32 to index
    %get3A_0 = memref.load %arg1[%get3A] : memref<40xi32, #tpu.memory_space<smem>>
    %c0_i32 = arith.constant 0 : i32
    %c0_i32_1 = arith.constant 0 : i32
    %c0_i32_2 = arith.constant 0 : i32
    return %get3A_0, %c0_i32, %c0_i32_1 : i32, i32, i32
  }
  func.func @transform_4(%arg0: i32, %arg1: memref<40xi32, #tpu.memory_space<smem>>) -> (i32, i32, i32) {
    %get3A = arith.index_cast %arg0 : i32 to index
    %get3A_0 = memref.load %arg1[%get3A] : memref<40xi32, #tpu.memory_space<smem>>
    %c0_i32 = arith.constant 0 : i32
    %c0_i32_1 = arith.constant 0 : i32
    %c0_i32_2 = arith.constant 0 : i32
    return %get3A_0, %c0_i32, %c0_i32_1 : i32, i32, i32
  }
  func.func @transform_5(%arg0: i32, %arg1: memref<40xi32, #tpu.memory_space<smem>>) -> (i32, i32) {
    %c0_i32 = arith.constant 0 : i32
    %c0_i32_0 = arith.constant 0 : i32
    return %arg0, %c0_i32 : i32, i32
  }
}

module attributes {stable_mosaic.version = 14 : i64} {
  func.func @_combine_block(%arg0: i32, %arg1: memref<512x512xi32, #tpu.memory_space<vmem>>, %arg2: memref<512x512xi32, #tpu.memory_space<vmem>>, %arg3: memref<512x1xf32, #tpu.memory_space<vmem>>, %arg4: memref<512x1xf32, #tpu.memory_space<vmem>>, %arg5: memref<512x1024xf32, #tpu.memory_space<vmem>>) attributes {dimension_semantics = [#tpu.dimension_semantics<arbitrary>], iteration_bounds = array<i64: 16>, scalar_prefetch = 0 : i64, scratch_operands = 0 : i64, tpu.core_type = #tpu.core_type<tc>, window_params = [{transform_indices = @transform_0, window_bounds = array<i64: 512, 512>}, {transform_indices = @transform_1, window_bounds = array<i64: 512, 512>}, {transform_indices = @transform_2, window_bounds = array<i64: 512, 1>}, {transform_indices = @transform_3, window_bounds = array<i64: 512, 1>}, {transform_indices = @transform_4, window_bounds = array<i64: 512, 1024>}]} {
    %get3A = arith.constant 0 : index
    %get3A_0 = arith.constant 0 : index
    %get3A_1 = vector.load %arg1[%get3A, %get3A_0] : memref<512x512xi32, #tpu.memory_space<vmem>>, vector<512x512xi32>
    %and3A = arith.constant 65535 : i32
    %and3A_2 = vector.broadcast %and3A : i32 to vector<512x512xi32>
    %and3A_3 = arith.andi %get3A_1, %and3A_2 : vector<512x512xi32>
    %convert_element_type3A = arith.trunci %and3A_3 : vector<512x512xi32> to vector<512x512xi16>
    %shift_right_logical3A = arith.constant 16 : i32
    %shift_right_logical3A_4 = vector.broadcast %shift_right_logical3A : i32 to vector<512x512xi32>
    %shift_right_logical3A_5 = arith.shrui %get3A_1, %shift_right_logical3A_4 : vector<512x512xi32>
    %convert_element_type3A_6 = arith.trunci %shift_right_logical3A_5 : vector<512x512xi32> to vector<512x512xi16>
    %bitcast_convert_type3A = tpu.bitcast %convert_element_type3A : vector<512x512xi16> -> vector<512x512xbf16>
    %bitcast_convert_type3A_7 = tpu.bitcast %convert_element_type3A_6 : vector<512x512xi16> -> vector<512x512xbf16>
    %concatenate3A = tpu.concatenate %bitcast_convert_type3A, %bitcast_convert_type3A_7 in 1 : vector<512x512xbf16>, vector<512x512xbf16> -> vector<512x1024xbf16>
    %convert_element_type3A_8 = arith.extf %concatenate3A : vector<512x1024xbf16> to vector<512x1024xf32>
    %get3A_9 = arith.constant 0 : index
    %get3A_10 = arith.constant 0 : index
    %get3A_11 = vector.load %arg2[%get3A_9, %get3A_10] : memref<512x512xi32, #tpu.memory_space<vmem>>, vector<512x512xi32>
    %and3A_12 = arith.constant 65535 : i32
    %and3A_13 = vector.broadcast %and3A_12 : i32 to vector<512x512xi32>
    %and3A_14 = arith.andi %get3A_11, %and3A_13 : vector<512x512xi32>
    %convert_element_type3A_15 = arith.trunci %and3A_14 : vector<512x512xi32> to vector<512x512xi16>
    %shift_right_logical3A_16 = arith.constant 16 : i32
    %shift_right_logical3A_17 = vector.broadcast %shift_right_logical3A_16 : i32 to vector<512x512xi32>
    %shift_right_logical3A_18 = arith.shrui %get3A_11, %shift_right_logical3A_17 : vector<512x512xi32>
    %convert_element_type3A_19 = arith.trunci %shift_right_logical3A_18 : vector<512x512xi32> to vector<512x512xi16>
    %bitcast_convert_type3A_20 = tpu.bitcast %convert_element_type3A_15 : vector<512x512xi16> -> vector<512x512xbf16>
    %bitcast_convert_type3A_21 = tpu.bitcast %convert_element_type3A_19 : vector<512x512xi16> -> vector<512x512xbf16>
    %concatenate3A_22 = tpu.concatenate %bitcast_convert_type3A_20, %bitcast_convert_type3A_21 in 1 : vector<512x512xbf16>, vector<512x512xbf16> -> vector<512x1024xbf16>
    %convert_element_type3A_23 = arith.extf %concatenate3A_22 : vector<512x1024xbf16> to vector<512x1024xf32>
    %get3A_24 = arith.constant 0 : index
    %get3A_25 = arith.constant 0 : index
    %get3A_26 = vector.load %arg3[%get3A_24, %get3A_25] : memref<512x1xf32, #tpu.memory_space<vmem>>, vector<512x1xf32>
    %mul3A = vector.broadcast %get3A_26 : vector<512x1xf32> to vector<512x1024xf32>
    %mul3A_27 = arith.mulf %convert_element_type3A_8, %mul3A : vector<512x1024xf32>
    %get3A_28 = arith.constant 0 : index
    %get3A_29 = arith.constant 0 : index
    %get3A_30 = vector.load %arg4[%get3A_28, %get3A_29] : memref<512x1xf32, #tpu.memory_space<vmem>>, vector<512x1xf32>
    %mul3A_31 = vector.broadcast %get3A_30 : vector<512x1xf32> to vector<512x1024xf32>
    %mul3A_32 = arith.mulf %convert_element_type3A_23, %mul3A_31 : vector<512x1024xf32>
    %add3A = arith.addf %mul3A_27, %mul3A_32 : vector<512x1024xf32>
    %swap3A = arith.constant 0 : index
    %swap3A_33 = arith.constant 0 : index
    %swap3A_34 = vector.load %arg5[%swap3A, %swap3A_33] : memref<512x1024xf32, #tpu.memory_space<vmem>>, vector<512x1024xf32>
    tpu.vector_store %arg5[%swap3A, %swap3A_33], %add3A {strides = array<i32>} : memref<512x1024xf32, #tpu.memory_space<vmem>>, vector<512x1024xf32>,
    return
  }
  func.func @transform_0(%arg0: i32) -> (i32, i32) {
    %c0_i32 = arith.constant 0 : i32
    %c0_i32_0 = arith.constant 0 : i32
    return %arg0, %c0_i32 : i32, i32
  }
  func.func @transform_1(%arg0: i32) -> (i32, i32) {
    %add3A = arith.constant 16 : i32
    %add3A_0 = arith.addi %arg0, %add3A : i32
    %c0_i32 = arith.constant 0 : i32
    %c0_i32_1 = arith.constant 0 : i32
    return %add3A_0, %c0_i32 : i32, i32
  }
  func.func @transform_2(%arg0: i32) -> (i32, i32) {
    %add3A = arith.constant 0 : i32
    %add3A_0 = arith.addi %arg0, %add3A : i32
    %c0_i32 = arith.constant 0 : i32
    %c0_i32_1 = arith.constant 0 : i32
    return %add3A_0, %c0_i32 : i32, i32
  }
  func.func @transform_3(%arg0: i32) -> (i32, i32) {
    %add3A = arith.constant 0 : i32
    %add3A_0 = arith.addi %arg0, %add3A : i32
    %c0_i32 = arith.constant 0 : i32
    %c0_i32_1 = arith.constant 0 : i32
    return %add3A_0, %c0_i32 : i32, i32
  }
  func.func @transform_4(%arg0: i32) -> (i32, i32) {
    %c0_i32 = arith.constant 0 : i32
    %c0_i32_0 = arith.constant 0 : i32
    return %arg0, %c0_i32 : i32, i32
  }
}

</mosaic_0001>

<sc_bundles>
// kernel: kernel.10.cloned.1.call-start
scs
__scs_entry_jumppad:
0x0: {  	(pc) =	sbr.rel $0x88, $3  }
0x1: {  	(tag) =	ssettag $0x0;
	lr =	simm.s32 $0x1  }
0x2: {  	[smem:$0x3F9B] =	sst lr;
	_ =	strace $0xD0000000  }
0x3: {  	_ = 	snop  }
0x4: {  	_ = 	snop  }
0x5: {  	_ = 	snop  }
0x6: {  	_ = 	snop  }
0x7: {  	_ = 	snop  }
__scs_overlays_trampoline_lowered:
0x8: {  	[smem:$0x3FAA] =	sst s0  }
0x9: {  	[smem:$0x3FAB] =	sst s1  }
0xa: {  	[smem:$0x3FAC] =	sst s2  }
0xb: {  	[smem:$0x3FAD] =	sst s3  }
0xc: {  	[smem:$0x3FAE] =	sst s4  }
0xd: {  	[smem:$0x3FAF] =	sst s5  }
0xe: {  	[smem:$0x3FB0] =	sst s6  }
0xf: {  	[smem:$0x3FB1] =	sst s7  }
0x10: {  	[smem:$0x3FB2] =	sst s8  }
0x11: {  	[smem:$0x3FB3] =	sst s9;
	s0 =	simm.s32 @!p0 $0x0  }
0x12: {  	s1 =	sld [smem:$0x3F99];
	s0 =	simm.s32 @p0 $0x1  }
0x13: {  	[smem:$0x3FB4] =	sst s0;
	s0 =	simm.s32 @!p1 $0x0  }
0x14: {  	s2 =	sld [smem:$0x3F98];
	s0 =	simm.s32 @p1 $0x1  }
0x15: {  	[smem:$0x3FB5] =	sst s0;
	s0 =	simm.s32 @!p2 $0x0  }
0x16: {  	s3 =	sld [smem:$0x3FDB];
	s0 =	simm.s32 @p2 $0x1  }
0x17: {  	s4 =	simm.s32 $0x1BF5;
	[smem:$0x3FB7] =	sst s0  }
0x18: {  	s0 =	sld [smem:$0x3F9A];
	_ =	swait.ge [sflag:s4], $0x0  }
0x19: {  	s7 =	sld [smem:$0x3F9B]  }
0x1a: {  	s8 =	sadd.s32 $0xFFFFE003, lr  }
0x1b: {  	s9 =	sadd.s32 $0xFFFFFEF7, lr;
	s5 =	simm.s32 $0xFFFFFFFF;
	p2 =	slt.u32 s8, $0xFFFFF086  }
0x1c: {  	p1 =	slt.u32 s9, $0xF7A;
	s5 =	simm.s32 @!p2 $0x0  }
0x1d: {  	s5 =	simm.s32 @p1 $0x1;
	p0 =	seq.s32 s7, s2  }
0x1e: {  	s7 =	smul.u32 @!p0 $0xF7A, s2;
	p2 =	seq.s32 @!p0 s5, $0x0  }
0x1f: {  	s9 =	smul.u32 $0xF7A, s1;
	s8 =	simm.s32 @!p0 $0x1BF5;
	p2 =	por !p2, p0  }
0x20: {  	[sflag:s8] =	ssyncset.s32 @!p0 $0xFFFFF086;
	s6 =	sadd.s32 @!p0 s3, s7;
	s7 =	simm.s32 @!p0 $0x108  }
0x21: {  	s3 =	sadd.s32 s3, s9;
	s6 =	sadd.s32 @!p0 $0x88, s6;
	s7 =	simm.s32 @p2 $0x1082  }
0x22: {  	[simem:s7], [sflag:s8] =	dma.local @!p0 [hbm:s6], $0xF7A  }
0x23: {  	s9 =	sor.u32 $0xD0000000, s2;
	s6 =	simm.s32 $0x108;
	_ =	swait.ge @!p0 [sflag:s8], $0x0  }
0x24: {  	s3 =	sadd.s32 $0x88, s3;
	s6 =	simm.s32 @!p1 $0x1082;
	[sflag:s4] =	ssyncset.s32 $0xFFFFF086  }
0x25: {  	[simem:s6], [sflag:s4] =	dma.local [hbm:s3], $0xF7A  }
0x26: {  	[smem:$0x3F9B] =	sst s1;
	(tag) =	ssettag s2;
	_ =	strace s9  }
0x27: {  	s1 =	sld [smem:$0x3FAB]  }
0x28: {  	s2 =	sld [smem:$0x3FAC]  }
0x29: {  	s4 =	sld [smem:$0x3FAE]  }
0x2a: {  	p0 =	seq.s32 s5, $0x0;
	s5 =	sld [smem:$0x3FAF]  }
0x2b: {  	s6 =	sld [smem:$0x3FB0]  }
0x2c: {  	s7 =	sld [smem:$0x3FB1]  }
0x2d: {  	s3 =	simm.s32 $0x108;
	s8 =	sld [smem:$0x3FB2]  }
0x2e: {  	s3 =	simm.s32 @!p0 $0x1082;
	s9 =	sld [smem:$0x3FB3]  }
0x2f: {  	lr =	sadd.s32 s0, s3;
	s0 =	sld [smem:$0x3FAA]  }
0x30: {  	s3 =	sld [smem:$0x3FAD]  }
0x31: {  	[smem:$0x3FB6] =	sst s10  }
0x32: {  	s10 =	sld [smem:$0x3FB4];
	_ =	sdelay $0x3  }
0x33: {  	p0 =	seq.s32 s10, $0x1;
	s10 =	sld [smem:$0x3FB6];
	_ =	sdelay $0x3  }
0x34: {  	[smem:$0x3FB6] =	sst s10  }
0x35: {  	s10 =	sld [smem:$0x3FB5];
	_ =	sdelay $0x3  }
0x36: {  	p1 =	seq.s32 s10, $0x1;
	s10 =	sld [smem:$0x3FB6];
	_ =	sdelay $0x3  }
0x37: {  	[smem:$0x3FB6] =	sst s10  }
0x38: {  	s10 =	sld [smem:$0x3FB7]  }
0x39: {  	_ = 	snop;
	(pc) =	sbr.ind lr, $3  }
0x3a: {  	_ = 	snop  }
0x3b: {  	_ = 	snop  }
0x3c: {  	p2 =	seq.s32 s10, $0x1;
	s10 =	sld [smem:$0x3FB6]  }
0x3d: {  	_ =	shalt  }
0x3e: {  	_ =	shalt  }
0x3f: {  	_ =	shalt  }
0x40: {  	_ =	shalt  }
0x41: {  	_ =	shalt  }
0x42: {  	_ =	shalt  }
0x43: {  	_ =	shalt  }
0x44: {  	_ =	shalt  }
0x45: {  	_ =	shalt  }
0x46: {  	_ =	shalt  }
0x47: {  	_ =	shalt  }
0x48: {  	_ =	shalt  }
0x49: {  	_ =	shalt  }
0x4a: {  	_ =	shalt  }
0x4b: {  	_ =	shalt  }
0x4c: {  	_ =	shalt  }
0x4d: {  	_ =	shalt  }
0x4e: {  	_ =	shalt  }
0x4f: {  	_ =	shalt  }
0x50: {  	_ =	shalt  }
0x51: {  	_ =	shalt  }
0x52: {  	_ =	shalt  }
0x53: {  	_ =	shalt  }
0x54: {  	_ =	shalt  }
0x55: {  	_ =	shalt  }
0x56: {  	_ =	shalt  }
0x57: {  	_ =	shalt  }
0x58: {  	_ =	shalt  }
0x59: {  	_ =	shalt  }
0x5a: {  	_ =	shalt  }
0x5b: {  	_ =	shalt  }
0x5c: {  	_ =	shalt  }
0x5d: {  	_ =	shalt  }
0x5e: {  	_ =	shalt  }
0x5f: {  	_ =	shalt  }
0x60: {  	_ =	shalt  }
0x61: {  	_ =	shalt  }
0x62: {  	_ =	shalt  }
0x63: {  	_ =	shalt  }
0x64: {  	_ =	shalt  }
0x65: {  	_ =	shalt  }
0x66: {  	_ =	shalt  }
0x67: {  	_ =	shalt  }
0x68: {  	_ =	shalt  }
0x69: {  	_ =	shalt  }
0x6a: {  	_ =	shalt  }
0x6b: {  	_ =	shalt  }
0x6c: {  	_ =	shalt  }
0x6d: {  	_ =	shalt  }
0x6e: {  	_ =	shalt  }
0x6f: {  	_ =	shalt  }
0x70: {  	_ =	shalt  }
0x71: {  	_ =	shalt  }
0x72: {  	_ =	shalt  }
0x73: {  	_ =	shalt  }
0x74: {  	_ =	shalt  }
0x75: {  	_ =	shalt  }
0x76: {  	_ =	shalt  }
0x77: {  	_ =	shalt  }
0x78: {  	_ =	shalt  }
0x79: {  	_ =	shalt  }
0x7a: {  	_ =	shalt  }
0x7b: {  	_ =	shalt  }
0x7c: {  	_ =	shalt  }
0x7d: {  	_ =	shalt  }
0x7e: {  	_ =	shalt  }
0x7f: {  	_ =	shalt  }
0x80: {  	_ =	shalt  }
0x81: {  	_ =	shalt  }
0x82: {  	_ =	shalt  }
0x83: {  	_ =	shalt  }
0x84: {  	_ =	shalt  }
0x85: {  	_ =	shalt  }
0x86: {  	_ =	shalt  }
0x87: {  	_ =	shalt  }
.Lfunc_end0:
.L_simem_size_0:
called_computation.1_lowered:
.L_overlay_start_0:
0x88: {  	s2 =	sld [smem:$0x3FD9]  }
0x89: {  	s3 =	sld [smem:$0x3FFE];
	_ =	sdelay $0x1  }
0x8a: {  	s1 =	srdreg.scid  }
0x8b: {  	s0 =	sand.u32 $0x1, s1  }
0x8c: {  	s16 =	sshll.u32 s0, $0xA;
	s2 =	sadd.s32 s3, s2  }
0x8d: {  	s2 =	sadd.s32 s2, s16  }
0x8e: {  	[smem:$0x3FC2] =	sst s2  }
0x8f: {  	_ = 	snop  }
0x90: {  	(tm) =	ssettm $0x1  }
0x91: {  	s17 =	sld [smem:$0x3FFB];
	_ =	sdelay $0x3  }
0x92: {  	_ =	strace s17  }
0x93: {  	s2 =	sld [smem:$0x3FFC];
	_ =	sdelay $0x3  }
0x94: {  	_ =	strace s2  }
0x95: {  	s2 =	sld [smem:$0x3FFD];
	_ =	sdelay $0x3  }
0x96: {  	_ =	strace s2  }
0x97: {  	_ =	strace $0x8FFFFFFF  }
0x98: {  	s18 =	sld [smem:$0x3FDB];
	_ =	sdelay $0x1  }
0x99: {  	s19 =	simm.s32 $_scs_section_size  }
0x9a: {  	s4 =	simm.s32 $_size__tile_overlayer_lowered;
	s5 =	simm.s32 $_tile_overlayer_lowered  }
0x9b: {  	s22 =	simm.s32 $0x1BFF;
	s21 =	sshll.u32 s5, $0x1;
	s2 =	sadd.s32 s19, s18  }
0x9c: {  	s6 =	simm.s32 $0x0;
	s20 =	sshll.u32 s4, $0x1;
	s4 =	sadd.s32 s21, s2  }
0x9d: {  	[timem:s6], [sflag:s22] =	dma.local [hbm:s4], s20  }
0x9e: {  	_ =	swait.ge [sflag:s22], s20  }
0x9f: {  	s3 =	ssub.s32 $0x0, s20;
	[sflag:s22] =	ssyncset.done $0x0  }
0xa0: {  	[sflag:s22] =	ssyncadd.s32 s3;
	_ =	sdelay $0x1  }
0xa1: {  	s23 =	simm.s32 $0x1B8B  }
0xa2: {  	_ =	swait.ge [sflag:s23], $0x1  }
0xa3: {  	[sflag:s23] =	ssyncset.done $0x0  }
0xa4: {  	s25 =	simm.s32 $0x1B8E;
	s24 =	sld [smem:$0x3FFE];
	[sflag:s23] =	ssyncadd.s32 $0xFFFFFFFF  }
0xa5: {  	s26 =	simm.s32 $execute0_lowered;
	[smem:$0x3FD2] =	sst s25  }
0xa6: {  	s4 =	sshll.u32 s26, $0x1;
	_ =	strace $0x80000049;
	[dreg:$0x1] =	wrdreg $0xFFFFFFFF  }
0xa7: {  	s28 =	simm.s32 $_size_execute0_lowered;
	s2 =	sadd.s32 s2, s4;
	[dreg:$0x0] =	wrdreg $0x0  }
0xa8: {  	s4 =	sshll.u32 s28, $0x1;
	[dreg:$0x2] =	wrdreg s2  }
0xa9: {  	[dreg:$0x3] =	wrdreg s4  }
0xaa: {  	[dreg:$0x4] =	wrdreg $0xC0  }
0xab: {  	_ =	task [dreg:s6], $0x5FFFF  }
0xac: {  	[dreg:$0x1] =	wrdreg $0xFFFFFFFF  }
0xad: {  	[dreg:$0x0] =	wrdreg $0x60  }
0xae: {  	[dreg:$0x2] =	wrdreg s24  }
0xaf: {  	[dreg:$0x3] =	wrdreg $0x9  }
0xb0: {  	_ =	task.clear_ibuf [dreg:s6], $0x4FFFF;
	_ =	strace $0x90000049  }
0xb1: {  	s29 =	simm.s32 $0x9;
	_ =	strace $0x8000004B  }
0xb2: {  	_ =	swait.ge [sflag:s29], $0x1  }
0xb3: {  	[sflag:s29] =	ssyncadd.s32 $0xFFFFFFFF  }
0xb4: {  	_ =	strace $0x9000004B  }
0xb5: {  	_ =	sfence  }
0xb6: {  	s30 =	sld [smem:$0x0];
	_ =	sdelay $0x2  }
0xb7: {  	s31 =	sshll.u32 s1, $0xD;
	s1 =	sshrl.u32 s1, $0x2  }
0xb8: {  	s3 =	sand.u32 $0x4000, s31;
	s1 =	sadd.s32 s1, s30  }
0xb9: {  	s0 =	sor.u32 s3, s0;
	s1 =	sshll.u32 s1, $0x11  }
0xba: {  	s0 =	sor.u32 s1, s0  }
0xbb: {  	s0 =	sadd.s32 $0x8F2B, s0  }
0xbc: {  	[sflag:s0] =	ssyncadd.remote.s32 $0x1  }
0xbd: {  	_ =	sfence.sel $0xFFFF  }
0xbe: {  	[dreg:$0x0] =	wrdreg $0xFFFFFFFF;
	(pc) =	sbr.abs _section_cstart, $3  }
0xbf: {  	[dreg:$0x1] =	wrdreg $0xFFFFFFFF  }
0xc0: {  	_ =	task.clear_ibuf [dreg:s6], $0x2FFFF;
	_ =	strace $0x9FFFFFFF  }
0xc1: {  	(tm) =	ssettm $0x7FFFFFFF  }
tec
execute0_lowered:
.L_overlay_start_1:
0x0: {  	(tag) =	ssettag $0x1  }
0x1: {  	s0 =	rddreg [dreg:$0x0];
	s1 =	srdreg.scid;
	s2 =	simm.s32 $0x0  }
0x2: {  	s3 =	stileid.u32;
	s29 =	simm.s32 $0x100;
	s1 =	sand.u32 $0x1, s1  }
0x3: {  	[smem:$0x7FF] =	sst s2;
	s3 =	sshll.u32 s3, $0xA;
	s5 =	sadd.s32 $0x41400, s0  }
0x4: {  	s7 =	sadd.s32 $0x41C00, s0;
	s4 =	sshll.u32 s1, $0x9;
	s1 =	ssub.s32 $0x2, s1  }
0x5: {  	_ =	strace $0x8000004A;
	s4 =	sor.u32 s4, s3;
	s23 =	sshrl.u32 s1, $0x1  }
0x6: {  	s3 =	sshrl.u32 s4, $0x3;
	s6 =	sor.u32 $0x40, s4;
	s28 =	sshll.u32 s4, $0x6  }
0x7: {  	s9 =	sor.u32 $0x80, s4;
	s10 =	sor.u32 $0xC0, s4;
	s14 =	sor.u32 $0x100, s4  }
0x8: {  	s17 =	sor.u32 $0x140, s4;
	s22 =	sor.u32 $0x180, s4;
	s4 =	sor.u32 $0x1C0, s4  }
0x9: {  	s1 =	ssub.s32 s1, s23;
	s3 =	sadd.s32 s5, s3;
	s8 =	sshrl.u32 s6, $0x3  }
0xa: {  	s30 =	sshrl.u32 s9, $0x3;
	s6 =	sshll.u32 s6, $0x6;
	s31 =	sshrl.u32 s10, $0x3  }
0xb: {  	s12 =	sshll.u32 s9, $0x6;
	s15 =	sshrl.u32 s14, $0x3;
	s16 =	sshll.u32 s10, $0x6  }
0xc: {  	s19 =	sshrl.u32 s17, $0x3;
	[dreg:$0x2] =	wrdreg s3;
	s26 =	sadd.s32 s5, s8  }
0xd: {  	s24 =	sshrl.u32 s22, $0x3;
	s8 =	sadd.s32 s7, s28;
	[dreg:$0x3] =	wrdreg s26  }
0xe: {  	s10 =	sshll.u32 s17, $0x6;
	s6 =	sadd.s32 s7, s6;
	[dreg:$0x4] =	wrdreg s8  }
0xf: {  	s17 =	simm.s32 $0x4;
	s11 =	sadd.s32 s5, s31;
	[dreg:$0x6] =	wrdreg s6  }
0x10: {  	s3 =	sadd.s32 $0x181C00, s0;
	s13 =	sadd.s32 s7, s12;
	[dreg:$0x7] =	wrdreg s11  }
0x11: {  	s18 =	sadd.s32 s7, s16;
	s20 =	sadd.s32 s5, s19;
	[dreg:$0x8] =	wrdreg s13  }
0x12: {  	s25 =	sadd.s32 s7, s10;
	s28 =	sshll.u32 s22, $0x6;
	[dreg:$0xa] =	wrdreg s18  }
0x13: {  	s19 =	simm.s32 $0x6;
	s8 =	sadd.s32 s5, s30;
	[dreg:$0xb] =	wrdreg s20  }
0x14: {  	s6 =	sadd.s32 s5, s15;
	s26 =	sshrl.u32 s4, $0x3;
	[dreg:$0xe] =	wrdreg s25  }
0x15: {  	s30 =	sadd.s32 s7, s28;
	s4 =	sshll.u32 s4, $0x6;
	[dreg:$0x5] =	wrdreg s8  }
0x16: {  	s25 =	simm.s32 $0x2;
	s18 =	simm.s32 $0x5;
	[dreg:$0x9] =	wrdreg s6  }
0x17: {  	s8 =	sshll.u32 s14, $0x6;
	s6 =	sadd.s32 s5, s24;
	[dreg:$0x10] =	wrdreg s30  }
0x18: {  	s5 =	sadd.s32 s5, s26;
	s31 =	sadd.s32 s7, s4;
	[dreg:$0xd] =	wrdreg s6  }
0x19: {  	v2 =	vlaneseq.u32;
	s4 =	sadd.s32 $0x181D00, s0;
	s24 =	simm.s32 $0x3;
	[dreg:$0xf] =	wrdreg s5  }
0x1a: {  	vm0 =	vmmov $0xffff;
	v1 =	vshrl.u32 v2, $0x3;
	s26 =	simm.s32 $0x8100;
	s21 =	sadd.s32 s7, s8;
	[dreg:$0x11] =	wrdreg s31  }
0x1b: {  	v0 =	vand.u32 $0x7, v2;
	v2 =	vor.u32 $0x8, v2;
	v1 =	vmul.u32 $0x8, v1;
	s5 =	smax.u32 s1, $0x1;
	s6 =	simm.s32 $0x1;
	[dreg:$0xc] =	wrdreg s21  }
.LBB2_1:
0x1c: {  	s20 =	rddreg [dreg:$0x2]  }
0x1d: {  	[tilespmem:s2], [sflag:$0x1] =	stream.linear.gather [hbm4b:s20+s2], $0x40, $0x38;
	[tilespmem:$0x10100] =	vst v63  }
0x1e: {  	_ =	swait.ge [sflag:s6], $0x40  }
0x1f: {  	[sflag:s6] =	ssyncset.done $0x0  }
0x20: {  	[sflag:s6] =	ssyncadd.s32 $0xFFFFFFC0  }
0x21: {  	v3 =	vld [tilespmem:$0x0];
	_ =	sdelay $0x4  }
0x22: {  	v4 =	vshll.u32 v3, $0x2  }
0x23: {  	v3 =	vand.u32 $0x7, v3;
	v4 =	vand.u32 $0xFFFFFFE0, v4  }
0x24: {  	v3 =	vor.u32 v3, v4  }
0x25: {  	v4 =	vperm.xlane v3, v0;
	_ =	sdelay $0x1  }
0x26: {  	v4 =	vadd.s32 v1, v4;
	_ =	sdelay $0x1  }
0x27: {  	v3 =	vperm.xlane v3, v2;
	_ =	sdelay $0x1  }
0x28: {  	v3 =	vadd.s32 v1, v3  }
0x29: {  	[tilespmem:s29], [sflag:$0x3] =	stream.indirect_vreg.gather [hbm4b:s3+s2], $0x80, v4, vm0, $0xb8;
	[tilespmem:$0x10100] =	vst v63  }
0x2a: {  	s0 =	simm.s32 $0x900  }
0x2b: {  	[tilespmem:s0], [sflag:$0x3] =	stream.indirect_vreg.gather [hbm4b:s4+s2], $0x80, v4, vm0, $0xb8;
	[tilespmem:$0x10100] =	vst v63  }
0x2c: {  	s8 =	simm.s32 $0x1100  }
0x2d: {  	[tilespmem:s8], [sflag:$0x3] =	stream.indirect_vreg.gather [hbm4b:s3+s2], $0x80, v3, vm0, $0xb8;
	[tilespmem:$0x10100] =	vst v63  }
0x2e: {  	s9 =	simm.s32 $0x1900  }
0x2f: {  	[tilespmem:s9], [sflag:$0x3] =	stream.indirect_vreg.gather [hbm4b:s4+s2], $0x80, v3, vm0, $0xb8;
	[tilespmem:$0x10100] =	vst v63  }
0x30: {  	v3 =	vld [tilespmem:$0x10];
	_ =	sdelay $0x4  }
0x31: {  	v33 =	vshll.u32 v3, $0x2  }
0x32: {  	v3 =	vand.u32 $0x7, v3;
	v4 =	vand.u32 $0xFFFFFFE0, v33  }
0x33: {  	v3 =	vor.u32 v3, v4  }
0x34: {  	v4 =	vperm.xlane v3, v0;
	_ =	sdelay $0x1  }
0x35: {  	v4 =	vadd.s32 v1, v4;
	_ =	sdelay $0x1  }
0x36: {  	v3 =	vperm.xlane v3, v2;
	_ =	sdelay $0x1  }
0x37: {  	s10 =	simm.s32 $0x2100;
	v3 =	vadd.s32 v1, v3  }
0x38: {  	[tilespmem:s10], [sflag:$0x3] =	stream.indirect_vreg.gather [hbm4b:s3+s2], $0x80, v4, vm0, $0xb8;
	[tilespmem:$0x10100] =	vst v63  }
0x39: {  	s11 =	simm.s32 $0x2900  }
0x3a: {  	[tilespmem:s11], [sflag:$0x3] =	stream.indirect_vreg.gather [hbm4b:s4+s2], $0x80, v4, vm0, $0xb8;
	[tilespmem:$0x10100] =	vst v63  }
0x3b: {  	s12 =	simm.s32 $0x3100  }
0x3c: {  	[tilespmem:s12], [sflag:$0x3] =	stream.indirect_vreg.gather [hbm4b:s3+s2], $0x80, v3, vm0, $0xb8;
	[tilespmem:$0x10100] =	vst v63  }
0x3d: {  	s13 =	simm.s32 $0x3900  }
0x3e: {  	[tilespmem:s13], [sflag:$0x3] =	stream.indirect_vreg.gather [hbm4b:s4+s2], $0x80, v3, vm0, $0xb8;
	[tilespmem:$0x10100] =	vst v63  }
0x3f: {  	v3 =	vld [tilespmem:$0x20];
	_ =	sdelay $0x4  }
0x40: {  	v34 =	vshll.u32 v3, $0x2  }
0x41: {  	v3 =	vand.u32 $0x7, v3;
	v4 =	vand.u32 $0xFFFFFFE0, v34  }
0x42: {  	v3 =	vor.u32 v3, v4  }
0x43: {  	v4 =	vperm.xlane v3, v0;
	_ =	sdelay $0x1  }
0x44: {  	v4 =	vadd.s32 v1, v4;
	_ =	sdelay $0x1  }
0x45: {  	v3 =	vperm.xlane v3, v2;
	_ =	sdelay $0x1  }
0x46: {  	s14 =	simm.s32 $0x4100;
	v3 =	vadd.s32 v1, v3  }
0x47: {  	[tilespmem:s14], [sflag:$0x3] =	stream.indirect_vreg.gather [hbm4b:s3+s2], $0x80, v4, vm0, $0xb8;
	[tilespmem:$0x10100] =	vst v63  }
0x48: {  	s15 =	simm.s32 $0x4900  }
0x49: {  	[tilespmem:s15], [sflag:$0x3] =	stream.indirect_vreg.gather [hbm4b:s4+s2], $0x80, v4, vm0, $0xb8;
	[tilespmem:$0x10100] =	vst v63  }
0x4a: {  	s16 =	simm.s32 $0x5100  }
0x4b: {  	[tilespmem:s16], [sflag:$0x3] =	stream.indirect_vreg.gather [hbm4b:s3+s2], $0x80, v3, vm0, $0xb8;
	[tilespmem:$0x10100] =	vst v63  }
0x4c: {  	s20 =	simm.s32 $0x5900  }
0x4d: {  	[tilespmem:s20], [sflag:$0x3] =	stream.indirect_vreg.gather [hbm4b:s4+s2], $0x80, v3, vm0, $0xb8;
	[tilespmem:$0x10100] =	vst v63  }
0x4e: {  	v3 =	vld [tilespmem:$0x30];
	_ =	sdelay $0x4  }
0x4f: {  	v35 =	vshll.u32 v3, $0x2  }
0x50: {  	v3 =	vand.u32 $0x7, v3;
	v4 =	vand.u32 $0xFFFFFFE0, v35  }
0x51: {  	v3 =	vor.u32 v3, v4  }
0x52: {  	v4 =	vperm.xlane v3, v0;
	_ =	sdelay $0x1  }
0x53: {  	v4 =	vadd.s32 v1, v4;
	_ =	sdelay $0x1  }
0x54: {  	v3 =	vperm.xlane v3, v2;
	_ =	sdelay $0x1  }
0x55: {  	s22 =	simm.s32 $0x6100;
	v3 =	vadd.s32 v1, v3  }
0x56: {  	[tilespmem:s22], [sflag:$0x3] =	stream.indirect_vreg.gather [hbm4b:s3+s2], $0x80, v4, vm0, $0xb8;
	[tilespmem:$0x10100] =	vst v63  }
0x57: {  	s9 =	simm.s32 $0x6900  }
0x58: {  	[tilespmem:s9], [sflag:$0x3] =	stream.indirect_vreg.gather [hbm4b:s4+s2], $0x80, v4, vm0, $0xb8;
	[tilespmem:$0x10100] =	vst v63  }
0x59: {  	s12 =	simm.s32 $0x7100  }
0x5a: {  	[tilespmem:s12], [sflag:$0x3] =	stream.indirect_vreg.gather [hbm4b:s3+s2], $0x80, v3, vm0, $0xb8;
	[tilespmem:$0x10100] =	vst v63  }
0x5b: {  	s22 =	simm.s32 $0x7900  }
0x5c: {  	[tilespmem:s22], [sflag:$0x3] =	stream.indirect_vreg.gather [hbm4b:s4+s2], $0x80, v3, vm0, $0xb8;
	[tilespmem:$0x10100] =	vst v63  }
0x5d: {  	s15 =	rddreg [dreg:$0x3];
	s9 =	simm.s32 $0x80  }
0x5e: {  	[tilespmem:s9], [sflag:$0x2] =	stream.linear.gather [hbm4b:s15+s2], $0x40, $0x38;
	[tilespmem:$0x10100] =	vst v63  }
0x5f: {  	_ =	swait.ge [sflag:s24], $0x8000  }
0x60: {  	[sflag:s24] =	ssyncset.done $0x0  }
0x61: {  	s12 =	rddreg [dreg:$0x4];
	[sflag:s24] =	ssyncadd.s32 $0xFFFF8000  }
0x62: {  	[hbm4b:s12+s2] =	stream.linear.scatter [tilespmem:s29], [sflag:$0x5], $0x8000, $0x38;
	[tilespmem:$0x10100] =	vst v63  }
0x63: {  	_ =	swait.ge [sflag:s25], $0x40  }
0x64: {  	[sflag:s25] =	ssyncset.done $0x0  }
0x65: {  	[sflag:s25] =	ssyncadd.s32 $0xFFFFFFC0  }
0x66: {  	v3 =	vld [tilespmem:$0x80];
	_ =	sdelay $0x4  }
0x67: {  	v36 =	vshll.u32 v3, $0x2  }
0x68: {  	v3 =	vand.u32 $0x7, v3;
	v4 =	vand.u32 $0xFFFFFFE0, v36  }
0x69: {  	v3 =	vor.u32 v3, v4  }
0x6a: {  	v4 =	vperm.xlane v3, v0;
	_ =	sdelay $0x1  }
0x6b: {  	v4 =	vadd.s32 v1, v4;
	_ =	sdelay $0x1  }
0x6c: {  	v3 =	vperm.xlane v3, v2;
	_ =	sdelay $0x1  }
0x6d: {  	v3 =	vadd.s32 v1, v3  }
0x6e: {  	[tilespmem:s26], [sflag:$0x4] =	stream.indirect_vreg.gather [hbm4b:s3+s2], $0x80, v4, vm0, $0xb8;
	[tilespmem:$0x10100] =	vst v63  }
0x6f: {  	s15 =	simm.s32 $0x8900  }
0x70: {  	[tilespmem:s15], [sflag:$0x4] =	stream.indirect_vreg.gather [hbm4b:s4+s2], $0x80, v4, vm0, $0xb8;
	[tilespmem:$0x10100] =	vst v63  }
0x71: {  	s15 =	simm.s32 $0x9100  }
0x72: {  	[tilespmem:s15], [sflag:$0x4] =	stream.indirect_vreg.gather [hbm4b:s3+s2], $0x80, v3, vm0, $0xb8;
	[tilespmem:$0x10100] =	vst v63  }
0x73: {  	s20 =	simm.s32 $0x9900  }
0x74: {  	[tilespmem:s20], [sflag:$0x4] =	stream.indirect_vreg.gather [hbm4b:s4+s2], $0x80, v3, vm0, $0xb8;
	[tilespmem:$0x10100] =	vst v63  }
0x75: {  	v3 =	vld [tilespmem:$0x90];
	_ =	sdelay $0x4  }
0x76: {  	v37 =	vshll.u32 v3, $0x2  }
0x77: {  	v3 =	vand.u32 $0x7, v3;
	v4 =	vand.u32 $0xFFFFFFE0, v37  }
0x78: {  	v3 =	vor.u32 v3, v4  }
0x79: {  	v4 =	vperm.xlane v3, v0;
	_ =	sdelay $0x1  }
0x7a: {  	v4 =	vadd.s32 v1, v4;
	_ =	sdelay $0x1  }
0x7b: {  	v3 =	vperm.xlane v3, v2;
	_ =	sdelay $0x1  }
0x7c: {  	s22 =	simm.s32 $0xA100;
	v3 =	vadd.s32 v1, v3  }
0x7d: {  	[tilespmem:s22], [sflag:$0x4] =	stream.indirect_vreg.gather [hbm4b:s3+s2], $0x80, v4, vm0, $0xb8;
	[tilespmem:$0x10100] =	vst v63  }
0x7e: {  	s0 =	simm.s32 $0xA900  }
0x7f: {  	[tilespmem:s0], [sflag:$0x4] =	stream.indirect_vreg.gather [hbm4b:s4+s2], $0x80, v4, vm0, $0xb8;
	[tilespmem:$0x10100] =	vst v63  }
0x80: {  	s9 =	simm.s32 $0xB100  }
0x81: {  	[tilespmem:s9], [sflag:$0x4] =	stream.indirect_vreg.gather [hbm4b:s3+s2], $0x80, v3, vm0, $0xb8;
	[tilespmem:$0x10100] =	vst v63  }
0x82: {  	s12 =	simm.s32 $0xB900  }
0x83: {  	[tilespmem:s12], [sflag:$0x4] =	stream.indirect_vreg.gather [hbm4b:s4+s2], $0x80, v3, vm0, $0xb8;
	[tilespmem:$0x10100] =	vst v63  }
0x84: {  	v3 =	vld [tilespmem:$0xA0];
	_ =	sdelay $0x4  }
0x85: {  	v38 =	vshll.u32 v3, $0x2  }
0x86: {  	v3 =	vand.u32 $0x7, v3;
	v4 =	vand.u32 $0xFFFFFFE0, v38  }
0x87: {  	v3 =	vor.u32 v3, v4  }
0x88: {  	v4 =	vperm.xlane v3, v0;
	_ =	sdelay $0x1  }
0x89: {  	v4 =	vadd.s32 v1, v4;
	_ =	sdelay $0x1  }
0x8a: {  	v3 =	vperm.xlane v3, v2;
	_ =	sdelay $0x1  }
0x8b: {  	s20 =	simm.s32 $0xC100;
	v3 =	vadd.s32 v1, v3  }
0x8c: {  	[tilespmem:s20], [sflag:$0x4] =	stream.indirect_vreg.gather [hbm4b:s3+s2], $0x80, v4, vm0, $0xb8;
	[tilespmem:$0x10100] =	vst v63  }
0x8d: {  	s22 =	simm.s32 $0xC900  }
0x8e: {  	[tilespmem:s22], [sflag:$0x4] =	stream.indirect_vreg.gather [hbm4b:s4+s2], $0x80, v4, vm0, $0xb8;
	[tilespmem:$0x10100] =	vst v63  }
0x8f: {  	s0 =	simm.s32 $0xD100  }
0x90: {  	[tilespmem:s0], [sflag:$0x4] =	stream.indirect_vreg.gather [hbm4b:s3+s2], $0x80, v3, vm0, $0xb8;
	[tilespmem:$0x10100] =	vst v63  }
0x91: {  	s12 =	simm.s32 $0xD900  }
0x92: {  	[tilespmem:s12], [sflag:$0x4] =	stream.indirect_vreg.gather [hbm4b:s4+s2], $0x80, v3, vm0, $0xb8;
	[tilespmem:$0x10100] =	vst v63  }
0x93: {  	v3 =	vld [tilespmem:$0xB0];
	_ =	sdelay $0x4  }
0x94: {  	v39 =	vshll.u32 v3, $0x2  }
0x95: {  	v3 =	vand.u32 $0x7, v3;
	v4 =	vand.u32 $0xFFFFFFE0, v39  }
0x96: {  	v3 =	vor.u32 v3, v4  }
0x97: {  	v4 =	vperm.xlane v3, v0;
	_ =	sdelay $0x1  }
0x98: {  	v4 =	vadd.s32 v1, v4;
	_ =	sdelay $0x1  }
0x99: {  	v3 =	vperm.xlane v3, v2;
	_ =	sdelay $0x1  }
0x9a: {  	s20 =	simm.s32 $0xE100;
	v3 =	vadd.s32 v1, v3  }
0x9b: {  	[tilespmem:s20], [sflag:$0x4] =	stream.indirect_vreg.gather [hbm4b:s3+s2], $0x80, v4, vm0, $0xb8;
	[tilespmem:$0x10100] =	vst v63  }
0x9c: {  	s22 =	simm.s32 $0xE900  }
0x9d: {  	[tilespmem:s22], [sflag:$0x4] =	stream.indirect_vreg.gather [hbm4b:s4+s2], $0x80, v4, vm0, $0xb8;
	[tilespmem:$0x10100] =	vst v63  }
0x9e: {  	s0 =	simm.s32 $0xF100  }
0x9f: {  	[tilespmem:s0], [sflag:$0x4] =	stream.indirect_vreg.gather [hbm4b:s3+s2], $0x80, v3, vm0, $0xb8;
	[tilespmem:$0x10100] =	vst v63  }
0xa0: {  	s22 =	simm.s32 $0xF900  }
0xa1: {  	[tilespmem:s22], [sflag:$0x4] =	stream.indirect_vreg.gather [hbm4b:s4+s2], $0x80, v3, vm0, $0xb8;
	[tilespmem:$0x10100] =	vst v63  }
0xa2: {  	s15 =	rddreg [dreg:$0x5]  }
0xa3: {  	[tilespmem:s2], [sflag:$0x1] =	stream.linear.gather [hbm4b:s15+s2], $0x40, $0x38;
	[tilespmem:$0x10100] =	vst v63  }
0xa4: {  	_ =	swait.ge [sflag:s17], $0x8000  }
0xa5: {  	[sflag:s17] =	ssyncset.done $0x0  }
0xa6: {  	s0 =	rddreg [dreg:$0x6];
	[sflag:s17] =	ssyncadd.s32 $0xFFFF8000  }
0xa7: {  	[hbm4b:s0+s2] =	stream.linear.scatter [tilespmem:s26], [sflag:$0x6], $0x8000, $0x38;
	[tilespmem:$0x10100] =	vst v63  }
0xa8: {  	_ =	swait.ge [sflag:s6], $0x40  }
0xa9: {  	[sflag:s6] =	ssyncset.done $0x0  }
0xaa: {  	[sflag:s6] =	ssyncadd.s32 $0xFFFFFFC0  }
0xab: {  	_ =	swait.ge [sflag:s18], $0x8000  }
0xac: {  	[sflag:s18] =	ssyncset.done $0x0  }
0xad: {  	[sflag:s18] =	ssyncadd.s32 $0xFFFF8000  }
0xae: {  	v3 =	vld [tilespmem:$0x0];
	_ =	sdelay $0x4  }
0xaf: {  	v40 =	vshll.u32 v3, $0x2  }
0xb0: {  	v3 =	vand.u32 $0x7, v3;
	v4 =	vand.u32 $0xFFFFFFE0, v40  }
0xb1: {  	v3 =	vor.u32 v3, v4  }
0xb2: {  	v4 =	vperm.xlane v3, v0;
	_ =	sdelay $0x1  }
0xb3: {  	v4 =	vadd.s32 v1, v4;
	_ =	sdelay $0x1  }
0xb4: {  	v3 =	vperm.xlane v3, v2;
	_ =	sdelay $0x1  }
0xb5: {  	v3 =	vadd.s32 v1, v3  }
0xb6: {  	[tilespmem:s29], [sflag:$0x3] =	stream.indirect_vreg.gather [hbm4b:s3+s2], $0x80, v4, vm0, $0xb8;
	[tilespmem:$0x10100] =	vst v63  }
0xb7: {  	s1 =	simm.s32 $0x900  }
0xb8: {  	[tilespmem:s1], [sflag:$0x3] =	stream.indirect_vreg.gather [hbm4b:s4+s2], $0x80, v4, vm0, $0xb8;
	[tilespmem:$0x10100] =	vst v63  }
0xb9: {  	s7 =	simm.s32 $0x1100  }
0xba: {  	[tilespmem:s7], [sflag:$0x3] =	stream.indirect_vreg.gather [hbm4b:s3+s2], $0x80, v3, vm0, $0xb8;
	[tilespmem:$0x10100] =	vst v63  }
0xbb: {  	s28 =	simm.s32 $0x1900  }
0xbc: {  	[tilespmem:s28], [sflag:$0x3] =	stream.indirect_vreg.gather [hbm4b:s4+s2], $0x80, v3, vm0, $0xb8;
	[tilespmem:$0x10100] =	vst v63  }
0xbd: {  	v3 =	vld [tilespmem:$0x10];
	_ =	sdelay $0x4  }
0xbe: {  	v41 =	vshll.u32 v3, $0x2  }
0xbf: {  	v3 =	vand.u32 $0x7, v3;
	v4 =	vand.u32 $0xFFFFFFE0, v41  }
0xc0: {  	v3 =	vor.u32 v3, v4  }
0xc1: {  	v4 =	vperm.xlane v3, v0;
	_ =	sdelay $0x1  }
0xc2: {  	v4 =	vadd.s32 v1, v4;
	_ =	sdelay $0x1  }
0xc3: {  	v3 =	vperm.xlane v3, v2;
	_ =	sdelay $0x1  }
0xc4: {  	s21 =	simm.s32 $0x2100;
	v3 =	vadd.s32 v1, v3  }
0xc5: {  	[tilespmem:s21], [sflag:$0x3] =	stream.indirect_vreg.gather [hbm4b:s3+s2], $0x80, v4, vm0, $0xb8;
	[tilespmem:$0x10100] =	vst v63  }
0xc6: {  	s23 =	simm.s32 $0x2900  }
0xc7: {  	[tilespmem:s23], [sflag:$0x3] =	stream.indirect_vreg.gather [hbm4b:s4+s2], $0x80, v4, vm0, $0xb8;
	[tilespmem:$0x10100] =	vst v63  }
0xc8: {  	s30 =	simm.s32 $0x3100  }
0xc9: {  	[tilespmem:s30], [sflag:$0x3] =	stream.indirect_vreg.gather [hbm4b:s3+s2], $0x80, v3, vm0, $0xb8;
	[tilespmem:$0x10100] =	vst v63  }
0xca: {  	s31 =	simm.s32 $0x3900  }
0xcb: {  	[tilespmem:s31], [sflag:$0x3] =	stream.indirect_vreg.gather [hbm4b:s4+s2], $0x80, v3, vm0, $0xb8;
	[tilespmem:$0x10100] =	vst v63  }
0xcc: {  	v3 =	vld [tilespmem:$0x20];
	_ =	sdelay $0x4  }
0xcd: {  	v42 =	vshll.u32 v3, $0x2  }
0xce: {  	v3 =	vand.u32 $0x7, v3;
	v4 =	vand.u32 $0xFFFFFFE0, v42  }
0xcf: {  	v3 =	vor.u32 v3, v4  }
0xd0: {  	v4 =	vperm.xlane v3, v0;
	_ =	sdelay $0x1  }
0xd1: {  	v4 =	vadd.s32 v1, v4;
	_ =	sdelay $0x1  }
0xd2: {  	v3 =	vperm.xlane v3, v2;
	_ =	sdelay $0x1  }
0xd3: {  	s8 =	simm.s32 $0x4100;
	v3 =	vadd.s32 v1, v3  }
0xd4: {  	[tilespmem:s8], [sflag:$0x3] =	stream.indirect_vreg.gather [hbm4b:s3+s2], $0x80, v4, vm0, $0xb8;
	[tilespmem:$0x10100] =	vst v63  }
0xd5: {  	s10 =	simm.s32 $0x4900  }
0xd6: {  	[tilespmem:s10], [sflag:$0x3] =	stream.indirect_vreg.gather [hbm4b:s4+s2], $0x80, v4, vm0, $0xb8;
	[tilespmem:$0x10100] =	vst v63  }
0xd7: {  	s11 =	simm.s32 $0x5100  }
0xd8: {  	[tilespmem:s11], [sflag:$0x3] =	stream.indirect_vreg.gather [hbm4b:s3+s2], $0x80, v3, vm0, $0xb8;
	[tilespmem:$0x10100] =	vst v63  }
0xd9: {  	s21 =	simm.s32 $0x5900  }
0xda: {  	[tilespmem:s21], [sflag:$0x3] =	stream.indirect_vreg.gather [hbm4b:s4+s2], $0x80, v3, vm0, $0xb8;
	[tilespmem:$0x10100] =	vst v63  }
0xdb: {  	v3 =	vld [tilespmem:$0x30];
	_ =	sdelay $0x4  }
0xdc: {  	v43 =	vshll.u32 v3, $0x2  }
0xdd: {  	v3 =	vand.u32 $0x7, v3;
	v4 =	vand.u32 $0xFFFFFFE0, v43  }
0xde: {  	v3 =	vor.u32 v3, v4  }
0xdf: {  	v4 =	vperm.xlane v3, v0;
	_ =	sdelay $0x1  }
0xe0: {  	v4 =	vadd.s32 v1, v4;
	_ =	sdelay $0x1  }
0xe1: {  	v3 =	vperm.xlane v3, v2;
	_ =	sdelay $0x1  }
0xe2: {  	s13 =	simm.s32 $0x6100;
	v3 =	vadd.s32 v1, v3  }
0xe3: {  	[tilespmem:s13], [sflag:$0x3] =	stream.indirect_vreg.gather [hbm4b:s3+s2], $0x80, v4, vm0, $0xb8;
	[tilespmem:$0x10100] =	vst v63  }
0xe4: {  	s14 =	simm.s32 $0x6900  }
0xe5: {  	[tilespmem:s14], [sflag:$0x3] =	stream.indirect_vreg.gather [hbm4b:s4+s2], $0x80, v4, vm0, $0xb8;
	[tilespmem:$0x10100] =	vst v63  }
0xe6: {  	s23 =	simm.s32 $0x7100  }
0xe7: {  	[tilespmem:s23], [sflag:$0x3] =	stream.indirect_vreg.gather [hbm4b:s3+s2], $0x80, v3, vm0, $0xb8;
	[tilespmem:$0x10100] =	vst v63  }
0xe8: {  	s16 =	simm.s32 $0x7900  }
0xe9: {  	[tilespmem:s16], [sflag:$0x3] =	stream.indirect_vreg.gather [hbm4b:s4+s2], $0x80, v3, vm0, $0xb8;
	[tilespmem:$0x10100] =	vst v63  }
0xea: {  	s15 =	rddreg [dreg:$0x7];
	s28 =	simm.s32 $0x80  }
0xeb: {  	[tilespmem:s28], [sflag:$0x2] =	stream.linear.gather [hbm4b:s15+s2], $0x40, $0x38;
	[tilespmem:$0x10100] =	vst v63  }
0xec: {  	_ =	swait.ge [sflag:s24], $0x8000  }
0xed: {  	[sflag:s24] =	ssyncset.done $0x0  }
0xee: {  	s16 =	rddreg [dreg:$0x8];
	[sflag:s24] =	ssyncadd.s32 $0xFFFF8000  }
0xef: {  	[hbm4b:s16+s2] =	stream.linear.scatter [tilespmem:s29], [sflag:$0x5], $0x8000, $0x38;
	[tilespmem:$0x10100] =	vst v63  }
0xf0: {  	_ =	swait.ge [sflag:s25], $0x40  }
0xf1: {  	[sflag:s25] =	ssyncset.done $0x0  }
0xf2: {  	[sflag:s25] =	ssyncadd.s32 $0xFFFFFFC0  }
0xf3: {  	_ =	swait.ge [sflag:s19], $0x8000  }
0xf4: {  	[sflag:s19] =	ssyncset.done $0x0  }
0xf5: {  	[sflag:s19] =	ssyncadd.s32 $0xFFFF8000  }
0xf6: {  	v3 =	vld [tilespmem:$0x80];
	_ =	sdelay $0x4  }
0xf7: {  	v44 =	vshll.u32 v3, $0x2  }
0xf8: {  	v3 =	vand.u32 $0x7, v3;
	v4 =	vand.u32 $0xFFFFFFE0, v44  }
0xf9: {  	v3 =	vor.u32 v3, v4  }
0xfa: {  	v4 =	vperm.xlane v3, v0;
	_ =	sdelay $0x1  }
0xfb: {  	v4 =	vadd.s32 v1, v4;
	_ =	sdelay $0x1  }
0xfc: {  	v3 =	vperm.xlane v3, v2;
	_ =	sdelay $0x1  }
0xfd: {  	v3 =	vadd.s32 v1, v3  }
0xfe: {  	[tilespmem:s26], [sflag:$0x4] =	stream.indirect_vreg.gather [hbm4b:s3+s2], $0x80, v4, vm0, $0xb8;
	[tilespmem:$0x10100] =	vst v63  }
0xff: {  	s0 =	simm.s32 $0x8900  }
0x100: {  	[tilespmem:s0], [sflag:$0x4] =	stream.indirect_vreg.gather [hbm4b:s4+s2], $0x80, v4, vm0, $0xb8;
	[tilespmem:$0x10100] =	vst v63  }
0x101: {  	s14 =	simm.s32 $0x9100  }
0x102: {  	[tilespmem:s14], [sflag:$0x4] =	stream.indirect_vreg.gather [hbm4b:s3+s2], $0x80, v3, vm0, $0xb8;
	[tilespmem:$0x10100] =	vst v63  }
0x103: {  	s15 =	simm.s32 $0x9900  }
0x104: {  	[tilespmem:s15], [sflag:$0x4] =	stream.indirect_vreg.gather [hbm4b:s4+s2], $0x80, v3, vm0, $0xb8;
	[tilespmem:$0x10100] =	vst v63  }
0x105: {  	v3 =	vld [tilespmem:$0x90];
	_ =	sdelay $0x4  }
0x106: {  	v45 =	vshll.u32 v3, $0x2  }
0x107: {  	v3 =	vand.u32 $0x7, v3;
	v4 =	vand.u32 $0xFFFFFFE0, v45  }
0x108: {  	v3 =	vor.u32 v3, v4  }
0x109: {  	v4 =	vperm.xlane v3, v0;
	_ =	sdelay $0x1  }
0x10a: {  	v4 =	vadd.s32 v1, v4;
	_ =	sdelay $0x1  }
0x10b: {  	v3 =	vperm.xlane v3, v2;
	_ =	sdelay $0x1  }
0x10c: {  	s1 =	simm.s32 $0xA100;
	v3 =	vadd.s32 v1, v3  }
0x10d: {  	[tilespmem:s1], [sflag:$0x4] =	stream.indirect_vreg.gather [hbm4b:s3+s2], $0x80, v4, vm0, $0xb8;
	[tilespmem:$0x10100] =	vst v63  }
0x10e: {  	s7 =	simm.s32 $0xA900  }
0x10f: {  	[tilespmem:s7], [sflag:$0x4] =	stream.indirect_vreg.gather [hbm4b:s4+s2], $0x80, v4, vm0, $0xb8;
	[tilespmem:$0x10100] =	vst v63  }
0x110: {  	s8 =	simm.s32 $0xB100  }
0x111: {  	[tilespmem:s8], [sflag:$0x4] =	stream.indirect_vreg.gather [hbm4b:s3+s2], $0x80, v3, vm0, $0xb8;
	[tilespmem:$0x10100] =	vst v63  }
0x112: {  	s9 =	simm.s32 $0xB900  }
0x113: {  	[tilespmem:s9], [sflag:$0x4] =	stream.indirect_vreg.gather [hbm4b:s4+s2], $0x80, v3, vm0, $0xb8;
	[tilespmem:$0x10100] =	vst v63  }
0x114: {  	v3 =	vld [tilespmem:$0xA0];
	_ =	sdelay $0x4  }
0x115: {  	v46 =	vshll.u32 v3, $0x2  }
0x116: {  	v3 =	vand.u32 $0x7, v3;
	v4 =	vand.u32 $0xFFFFFFE0, v46  }
0x117: {  	v3 =	vor.u32 v3, v4  }
0x118: {  	v4 =	vperm.xlane v3, v0;
	_ =	sdelay $0x1  }
0x119: {  	v4 =	vadd.s32 v1, v4;
	_ =	sdelay $0x1  }
0x11a: {  	v3 =	vperm.xlane v3, v2;
	_ =	sdelay $0x1  }
0x11b: {  	s9 =	simm.s32 $0xC100;
	v3 =	vadd.s32 v1, v3  }
0x11c: {  	[tilespmem:s9], [sflag:$0x4] =	stream.indirect_vreg.gather [hbm4b:s3+s2], $0x80, v4, vm0, $0xb8;
	[tilespmem:$0x10100] =	vst v63  }
0x11d: {  	s10 =	simm.s32 $0xC900  }
0x11e: {  	[tilespmem:s10], [sflag:$0x4] =	stream.indirect_vreg.gather [hbm4b:s4+s2], $0x80, v4, vm0, $0xb8;
	[tilespmem:$0x10100] =	vst v63  }
0x11f: {  	s11 =	simm.s32 $0xD100  }
0x120: {  	[tilespmem:s11], [sflag:$0x4] =	stream.indirect_vreg.gather [hbm4b:s3+s2], $0x80, v3, vm0, $0xb8;
	[tilespmem:$0x10100] =	vst v63  }
0x121: {  	s12 =	simm.s32 $0xD900  }
0x122: {  	[tilespmem:s12], [sflag:$0x4] =	stream.indirect_vreg.gather [hbm4b:s4+s2], $0x80, v3, vm0, $0xb8;
	[tilespmem:$0x10100] =	vst v63  }
0x123: {  	v3 =	vld [tilespmem:$0xB0];
	_ =	sdelay $0x4  }
0x124: {  	v47 =	vshll.u32 v3, $0x2  }
0x125: {  	v3 =	vand.u32 $0x7, v3;
	v4 =	vand.u32 $0xFFFFFFE0, v47  }
0x126: {  	v3 =	vor.u32 v3, v4  }
0x127: {  	v4 =	vperm.xlane v3, v0;
	_ =	sdelay $0x1  }
0x128: {  	v4 =	vadd.s32 v1, v4;
	_ =	sdelay $0x1  }
0x129: {  	v3 =	vperm.xlane v3, v2;
	_ =	sdelay $0x1  }
0x12a: {  	s12 =	simm.s32 $0xE100;
	v3 =	vadd.s32 v1, v3  }
0x12b: {  	[tilespmem:s12], [sflag:$0x4] =	stream.indirect_vreg.gather [hbm4b:s3+s2], $0x80, v4, vm0, $0xb8;
	[tilespmem:$0x10100] =	vst v63  }
0x12c: {  	s13 =	simm.s32 $0xE900  }
0x12d: {  	[tilespmem:s13], [sflag:$0x4] =	stream.indirect_vreg.gather [hbm4b:s4+s2], $0x80, v4, vm0, $0xb8;
	[tilespmem:$0x10100] =	vst v63  }
0x12e: {  	s16 =	simm.s32 $0xF100  }
0x12f: {  	[tilespmem:s16], [sflag:$0x4] =	stream.indirect_vreg.gather [hbm4b:s3+s2], $0x80, v3, vm0, $0xb8;
	[tilespmem:$0x10100] =	vst v63  }
0x130: {  	s22 =	simm.s32 $0xF900  }
0x131: {  	[tilespmem:s22], [sflag:$0x4] =	stream.indirect_vreg.gather [hbm4b:s4+s2], $0x80, v3, vm0, $0xb8;
	[tilespmem:$0x10100] =	vst v63  }
0x132: {  	s20 =	rddreg [dreg:$0x9]  }
0x133: {  	[tilespmem:s2], [sflag:$0x1] =	stream.linear.gather [hbm4b:s20+s2], $0x40, $0x38;
	[tilespmem:$0x10100] =	vst v63  }
0x134: {  	_ =	swait.ge [sflag:s17], $0x8000  }
0x135: {  	[sflag:s17] =	ssyncset.done $0x0  }
0x136: {  	s22 =	rddreg [dreg:$0xa];
	[sflag:s17] =	ssyncadd.s32 $0xFFFF8000  }
0x137: {  	[hbm4b:s22+s2] =	stream.linear.scatter [tilespmem:s26], [sflag:$0x6], $0x8000, $0x38;
	[tilespmem:$0x10100] =	vst v63  }
0x138: {  	_ =	swait.ge [sflag:s6], $0x40  }
0x139: {  	[sflag:s6] =	ssyncset.done $0x0  }
0x13a: {  	[sflag:s6] =	ssyncadd.s32 $0xFFFFFFC0  }
0x13b: {  	_ =	swait.ge [sflag:s18], $0x8000  }
0x13c: {  	[sflag:s18] =	ssyncset.done $0x0  }
0x13d: {  	[sflag:s18] =	ssyncadd.s32 $0xFFFF8000  }
0x13e: {  	v3 =	vld [tilespmem:$0x0];
	_ =	sdelay $0x4  }
0x13f: {  	v48 =	vshll.u32 v3, $0x2  }
0x140: {  	v3 =	vand.u32 $0x7, v3;
	v4 =	vand.u32 $0xFFFFFFE0, v48  }
0x141: {  	v3 =	vor.u32 v3, v4  }
0x142: {  	v4 =	vperm.xlane v3, v0;
	_ =	sdelay $0x1  }
0x143: {  	v4 =	vadd.s32 v1, v4;
	_ =	sdelay $0x1  }
0x144: {  	v3 =	vperm.xlane v3, v2;
	_ =	sdelay $0x1  }
0x145: {  	v3 =	vadd.s32 v1, v3  }
0x146: {  	[tilespmem:s29], [sflag:$0x3] =	stream.indirect_vreg.gather [hbm4b:s3+s2], $0x80, v4, vm0, $0xb8;
	[tilespmem:$0x10100] =	vst v63  }
0x147: {  	s22 =	simm.s32 $0x900  }
0x148: {  	[tilespmem:s22], [sflag:$0x3] =	stream.indirect_vreg.gather [hbm4b:s4+s2], $0x80, v4, vm0, $0xb8;
	[tilespmem:$0x10100] =	vst v63  }
0x149: {  	s22 =	simm.s32 $0x1100  }
0x14a: {  	[tilespmem:s22], [sflag:$0x3] =	stream.indirect_vreg.gather [hbm4b:s3+s2], $0x80, v3, vm0, $0xb8;
	[tilespmem:$0x10100] =	vst v63  }
0x14b: {  	s22 =	simm.s32 $0x1900  }
0x14c: {  	[tilespmem:s22], [sflag:$0x3] =	stream.indirect_vreg.gather [hbm4b:s4+s2], $0x80, v3, vm0, $0xb8;
	[tilespmem:$0x10100] =	vst v63  }
0x14d: {  	v3 =	vld [tilespmem:$0x10];
	_ =	sdelay $0x4  }
0x14e: {  	v49 =	vshll.u32 v3, $0x2  }
0x14f: {  	v3 =	vand.u32 $0x7, v3;
	v4 =	vand.u32 $0xFFFFFFE0, v49  }
0x150: {  	v3 =	vor.u32 v3, v4  }
0x151: {  	v4 =	vperm.xlane v3, v0;
	_ =	sdelay $0x1  }
0x152: {  	v4 =	vadd.s32 v1, v4;
	_ =	sdelay $0x1  }
0x153: {  	v3 =	vperm.xlane v3, v2;
	_ =	sdelay $0x1  }
0x154: {  	s22 =	simm.s32 $0x2100;
	v3 =	vadd.s32 v1, v3  }
0x155: {  	[tilespmem:s22], [sflag:$0x3] =	stream.indirect_vreg.gather [hbm4b:s3+s2], $0x80, v4, vm0, $0xb8;
	[tilespmem:$0x10100] =	vst v63  }
0x156: {  	s22 =	simm.s32 $0x2900  }
0x157: {  	[tilespmem:s22], [sflag:$0x3] =	stream.indirect_vreg.gather [hbm4b:s4+s2], $0x80, v4, vm0, $0xb8;
	[tilespmem:$0x10100] =	vst v63  }
0x158: {  	s22 =	simm.s32 $0x3100  }
0x159: {  	[tilespmem:s22], [sflag:$0x3] =	stream.indirect_vreg.gather [hbm4b:s3+s2], $0x80, v3, vm0, $0xb8;
	[tilespmem:$0x10100] =	vst v63  }
0x15a: {  	s22 =	simm.s32 $0x3900  }
0x15b: {  	[tilespmem:s22], [sflag:$0x3] =	stream.indirect_vreg.gather [hbm4b:s4+s2], $0x80, v3, vm0, $0xb8;
	[tilespmem:$0x10100] =	vst v63  }
0x15c: {  	v3 =	vld [tilespmem:$0x20];
	_ =	sdelay $0x4  }
0x15d: {  	v50 =	vshll.u32 v3, $0x2  }
0x15e: {  	v3 =	vand.u32 $0x7, v3;
	v4 =	vand.u32 $0xFFFFFFE0, v50  }
0x15f: {  	v3 =	vor.u32 v3, v4  }
0x160: {  	v4 =	vperm.xlane v3, v0;
	_ =	sdelay $0x1  }
0x161: {  	v4 =	vadd.s32 v1, v4;
	_ =	sdelay $0x1  }
0x162: {  	v3 =	vperm.xlane v3, v2;
	_ =	sdelay $0x1  }
0x163: {  	s22 =	simm.s32 $0x4100;
	v3 =	vadd.s32 v1, v3  }
0x164: {  	[tilespmem:s22], [sflag:$0x3] =	stream.indirect_vreg.gather [hbm4b:s3+s2], $0x80, v4, vm0, $0xb8;
	[tilespmem:$0x10100] =	vst v63  }
0x165: {  	s22 =	simm.s32 $0x4900  }
0x166: {  	[tilespmem:s22], [sflag:$0x3] =	stream.indirect_vreg.gather [hbm4b:s4+s2], $0x80, v4, vm0, $0xb8;
	[tilespmem:$0x10100] =	vst v63  }
0x167: {  	s22 =	simm.s32 $0x5100  }
0x168: {  	[tilespmem:s22], [sflag:$0x3] =	stream.indirect_vreg.gather [hbm4b:s3+s2], $0x80, v3, vm0, $0xb8;
	[tilespmem:$0x10100] =	vst v63  }
0x169: {  	_ = 	snop  }
0x16a: {  	[tilespmem:s21], [sflag:$0x3] =	stream.indirect_vreg.gather [hbm4b:s4+s2], $0x80, v3, vm0, $0xb8;
	[tilespmem:$0x10100] =	vst v63  }
0x16b: {  	v3 =	vld [tilespmem:$0x30];
	_ =	sdelay $0x4  }
0x16c: {  	v51 =	vshll.u32 v3, $0x2  }
0x16d: {  	v3 =	vand.u32 $0x7, v3;
	v4 =	vand.u32 $0xFFFFFFE0, v51  }
0x16e: {  	v3 =	vor.u32 v3, v4  }
0x16f: {  	v4 =	vperm.xlane v3, v0;
	_ =	sdelay $0x1  }
0x170: {  	v4 =	vadd.s32 v1, v4;
	_ =	sdelay $0x1  }
0x171: {  	v3 =	vperm.xlane v3, v2;
	_ =	sdelay $0x1  }
0x172: {  	s22 =	simm.s32 $0x6100;
	v3 =	vadd.s32 v1, v3  }
0x173: {  	[tilespmem:s22], [sflag:$0x3] =	stream.indirect_vreg.gather [hbm4b:s3+s2], $0x80, v4, vm0, $0xb8;
	[tilespmem:$0x10100] =	vst v63  }
0x174: {  	s22 =	simm.s32 $0x6900  }
0x175: {  	[tilespmem:s22], [sflag:$0x3] =	stream.indirect_vreg.gather [hbm4b:s4+s2], $0x80, v4, vm0, $0xb8;
	[tilespmem:$0x10100] =	vst v63  }
0x176: {  	_ = 	snop  }
0x177: {  	[tilespmem:s23], [sflag:$0x3] =	stream.indirect_vreg.gather [hbm4b:s3+s2], $0x80, v3, vm0, $0xb8;
	[tilespmem:$0x10100] =	vst v63  }
0x178: {  	s23 =	simm.s32 $0x7900  }
0x179: {  	[tilespmem:s23], [sflag:$0x3] =	stream.indirect_vreg.gather [hbm4b:s4+s2], $0x80, v3, vm0, $0xb8;
	[tilespmem:$0x10100] =	vst v63  }
0x17a: {  	s20 =	rddreg [dreg:$0xb]  }
0x17b: {  	[tilespmem:s28], [sflag:$0x2] =	stream.linear.gather [hbm4b:s20+s2], $0x40, $0x38;
	[tilespmem:$0x10100] =	vst v63  }
0x17c: {  	_ =	swait.ge [sflag:s24], $0x8000  }
0x17d: {  	[sflag:s24] =	ssyncset.done $0x0  }
0x17e: {  	s28 =	rddreg [dreg:$0xc];
	[sflag:s24] =	ssyncadd.s32 $0xFFFF8000  }
0x17f: {  	[hbm4b:s28+s2] =	stream.linear.scatter [tilespmem:s29], [sflag:$0x5], $0x8000, $0x38;
	[tilespmem:$0x10100] =	vst v63  }
0x180: {  	_ =	swait.ge [sflag:s25], $0x40  }
0x181: {  	[sflag:s25] =	ssyncset.done $0x0  }
0x182: {  	[sflag:s25] =	ssyncadd.s32 $0xFFFFFFC0  }
0x183: {  	_ =	swait.ge [sflag:s19], $0x8000  }
0x184: {  	[sflag:s19] =	ssyncset.done $0x0  }
0x185: {  	[sflag:s19] =	ssyncadd.s32 $0xFFFF8000  }
0x186: {  	v3 =	vld [tilespmem:$0x80];
	_ =	sdelay $0x4  }
0x187: {  	v52 =	vshll.u32 v3, $0x2  }
0x188: {  	v3 =	vand.u32 $0x7, v3;
	v4 =	vand.u32 $0xFFFFFFE0, v52  }
0x189: {  	v3 =	vor.u32 v3, v4  }
0x18a: {  	v4 =	vperm.xlane v3, v0;
	_ =	sdelay $0x1  }
0x18b: {  	v4 =	vadd.s32 v1, v4;
	_ =	sdelay $0x1  }
0x18c: {  	v3 =	vperm.xlane v3, v2;
	_ =	sdelay $0x1  }
0x18d: {  	v3 =	vadd.s32 v1, v3  }
0x18e: {  	[tilespmem:s26], [sflag:$0x4] =	stream.indirect_vreg.gather [hbm4b:s3+s2], $0x80, v4, vm0, $0xb8;
	[tilespmem:$0x10100] =	vst v63  }
0x18f: {  	_ = 	snop  }
0x190: {  	[tilespmem:s0], [sflag:$0x4] =	stream.indirect_vreg.gather [hbm4b:s4+s2], $0x80, v4, vm0, $0xb8;
	[tilespmem:$0x10100] =	vst v63  }
0x191: {  	_ = 	snop  }
0x192: {  	[tilespmem:s14], [sflag:$0x4] =	stream.indirect_vreg.gather [hbm4b:s3+s2], $0x80, v3, vm0, $0xb8;
	[tilespmem:$0x10100] =	vst v63  }
0x193: {  	_ = 	snop  }
0x194: {  	[tilespmem:s15], [sflag:$0x4] =	stream.indirect_vreg.gather [hbm4b:s4+s2], $0x80, v3, vm0, $0xb8;
	[tilespmem:$0x10100] =	vst v63  }
0x195: {  	v3 =	vld [tilespmem:$0x90];
	_ =	sdelay $0x4  }
0x196: {  	v53 =	vshll.u32 v3, $0x2  }
0x197: {  	v3 =	vand.u32 $0x7, v3;
	v4 =	vand.u32 $0xFFFFFFE0, v53  }
0x198: {  	v3 =	vor.u32 v3, v4  }
0x199: {  	v4 =	vperm.xlane v3, v0;
	_ =	sdelay $0x1  }
0x19a: {  	v4 =	vadd.s32 v1, v4;
	_ =	sdelay $0x1  }
0x19b: {  	v3 =	vperm.xlane v3, v2;
	_ =	sdelay $0x1  }
0x19c: {  	v3 =	vadd.s32 v1, v3  }
0x19d: {  	[tilespmem:s1], [sflag:$0x4] =	stream.indirect_vreg.gather [hbm4b:s3+s2], $0x80, v4, vm0, $0xb8;
	[tilespmem:$0x10100] =	vst v63  }
0x19e: {  	_ = 	snop  }
0x19f: {  	[tilespmem:s7], [sflag:$0x4] =	stream.indirect_vreg.gather [hbm4b:s4+s2], $0x80, v4, vm0, $0xb8;
	[tilespmem:$0x10100] =	vst v63  }
0x1a0: {  	_ = 	snop  }
0x1a1: {  	[tilespmem:s8], [sflag:$0x4] =	stream.indirect_vreg.gather [hbm4b:s3+s2], $0x80, v3, vm0, $0xb8;
	[tilespmem:$0x10100] =	vst v63  }
0x1a2: {  	s30 =	simm.s32 $0xB900  }
0x1a3: {  	[tilespmem:s30], [sflag:$0x4] =	stream.indirect_vreg.gather [hbm4b:s4+s2], $0x80, v3, vm0, $0xb8;
	[tilespmem:$0x10100] =	vst v63  }
0x1a4: {  	v3 =	vld [tilespmem:$0xA0];
	_ =	sdelay $0x4  }
0x1a5: {  	v54 =	vshll.u32 v3, $0x2  }
0x1a6: {  	v3 =	vand.u32 $0x7, v3;
	v4 =	vand.u32 $0xFFFFFFE0, v54  }
0x1a7: {  	v3 =	vor.u32 v3, v4  }
0x1a8: {  	v4 =	vperm.xlane v3, v0;
	_ =	sdelay $0x1  }
0x1a9: {  	v4 =	vadd.s32 v1, v4;
	_ =	sdelay $0x1  }
0x1aa: {  	v3 =	vperm.xlane v3, v2;
	_ =	sdelay $0x1  }
0x1ab: {  	v3 =	vadd.s32 v1, v3  }
0x1ac: {  	[tilespmem:s9], [sflag:$0x4] =	stream.indirect_vreg.gather [hbm4b:s3+s2], $0x80, v4, vm0, $0xb8;
	[tilespmem:$0x10100] =	vst v63  }
0x1ad: {  	_ = 	snop  }
0x1ae: {  	[tilespmem:s10], [sflag:$0x4] =	stream.indirect_vreg.gather [hbm4b:s4+s2], $0x80, v4, vm0, $0xb8;
	[tilespmem:$0x10100] =	vst v63  }
0x1af: {  	_ = 	snop  }
0x1b0: {  	[tilespmem:s11], [sflag:$0x4] =	stream.indirect_vreg.gather [hbm4b:s3+s2], $0x80, v3, vm0, $0xb8;
	[tilespmem:$0x10100] =	vst v63  }
0x1b1: {  	s31 =	simm.s32 $0xD900  }
0x1b2: {  	[tilespmem:s31], [sflag:$0x4] =	stream.indirect_vreg.gather [hbm4b:s4+s2], $0x80, v3, vm0, $0xb8;
	[tilespmem:$0x10100] =	vst v63  }
0x1b3: {  	v3 =	vld [tilespmem:$0xB0];
	_ =	sdelay $0x4  }
0x1b4: {  	v55 =	vshll.u32 v3, $0x2  }
0x1b5: {  	v3 =	vand.u32 $0x7, v3;
	v4 =	vand.u32 $0xFFFFFFE0, v55  }
0x1b6: {  	v3 =	vor.u32 v3, v4  }
0x1b7: {  	v4 =	vperm.xlane v3, v0;
	_ =	sdelay $0x1  }
0x1b8: {  	v4 =	vadd.s32 v1, v4;
	_ =	sdelay $0x1  }
0x1b9: {  	v3 =	vperm.xlane v3, v2;
	_ =	sdelay $0x1  }
0x1ba: {  	v3 =	vadd.s32 v1, v3  }
0x1bb: {  	[tilespmem:s12], [sflag:$0x4] =	stream.indirect_vreg.gather [hbm4b:s3+s2], $0x80, v4, vm0, $0xb8;
	[tilespmem:$0x10100] =	vst v63  }
0x1bc: {  	_ = 	snop  }
0x1bd: {  	[tilespmem:s13], [sflag:$0x4] =	stream.indirect_vreg.gather [hbm4b:s4+s2], $0x80, v4, vm0, $0xb8;
	[tilespmem:$0x10100] =	vst v63  }
0x1be: {  	_ = 	snop  }
0x1bf: {  	[tilespmem:s16], [sflag:$0x4] =	stream.indirect_vreg.gather [hbm4b:s3+s2], $0x80, v3, vm0, $0xb8;
	[tilespmem:$0x10100] =	vst v63  }
0x1c0: {  	s31 =	simm.s32 $0xF900  }
0x1c1: {  	[tilespmem:s31], [sflag:$0x4] =	stream.indirect_vreg.gather [hbm4b:s4+s2], $0x80, v3, vm0, $0xb8;
	[tilespmem:$0x10100] =	vst v63  }
0x1c2: {  	s20 =	rddreg [dreg:$0xd]  }
0x1c3: {  	[tilespmem:s2], [sflag:$0x1] =	stream.linear.gather [hbm4b:s20+s2], $0x40, $0x38;
	[tilespmem:$0x10100] =	vst v63  }
0x1c4: {  	_ =	swait.ge [sflag:s17], $0x8000  }
0x1c5: {  	[sflag:s17] =	ssyncset.done $0x0  }
0x1c6: {  	s20 =	rddreg [dreg:$0xe];
	[sflag:s17] =	ssyncadd.s32 $0xFFFF8000  }
0x1c7: {  	[hbm4b:s20+s2] =	stream.linear.scatter [tilespmem:s26], [sflag:$0x6], $0x8000, $0x38;
	[tilespmem:$0x10100] =	vst v63  }
0x1c8: {  	_ =	swait.ge [sflag:s6], $0x40  }
0x1c9: {  	[sflag:s6] =	ssyncset.done $0x0  }
0x1ca: {  	[sflag:s6] =	ssyncadd.s32 $0xFFFFFFC0  }
0x1cb: {  	_ =	swait.ge [sflag:s18], $0x8000  }
0x1cc: {  	[sflag:s18] =	ssyncset.done $0x0  }
0x1cd: {  	[sflag:s18] =	ssyncadd.s32 $0xFFFF8000  }
0x1ce: {  	v3 =	vld [tilespmem:$0x0];
	_ =	sdelay $0x4  }
0x1cf: {  	v56 =	vshll.u32 v3, $0x2  }
0x1d0: {  	v3 =	vand.u32 $0x7, v3;
	v4 =	vand.u32 $0xFFFFFFE0, v56  }
0x1d1: {  	v3 =	vor.u32 v3, v4  }
0x1d2: {  	v4 =	vperm.xlane v3, v0;
	_ =	sdelay $0x1  }
0x1d3: {  	v4 =	vadd.s32 v1, v4;
	_ =	sdelay $0x1  }
0x1d4: {  	v3 =	vperm.xlane v3, v2;
	_ =	sdelay $0x1  }
0x1d5: {  	v3 =	vadd.s32 v1, v3  }
0x1d6: {  	[tilespmem:s29], [sflag:$0x3] =	stream.indirect_vreg.gather [hbm4b:s3+s2], $0x80, v4, vm0, $0xb8;
	[tilespmem:$0x10100] =	vst v63  }
0x1d7: {  	s20 =	simm.s32 $0x900  }
0x1d8: {  	[tilespmem:s20], [sflag:$0x3] =	stream.indirect_vreg.gather [hbm4b:s4+s2], $0x80, v4, vm0, $0xb8;
	[tilespmem:$0x10100] =	vst v63  }
0x1d9: {  	s20 =	simm.s32 $0x1100  }
0x1da: {  	[tilespmem:s20], [sflag:$0x3] =	stream.indirect_vreg.gather [hbm4b:s3+s2], $0x80, v3, vm0, $0xb8;
	[tilespmem:$0x10100] =	vst v63  }
0x1db: {  	s20 =	simm.s32 $0x1900  }
0x1dc: {  	[tilespmem:s20], [sflag:$0x3] =	stream.indirect_vreg.gather [hbm4b:s4+s2], $0x80, v3, vm0, $0xb8;
	[tilespmem:$0x10100] =	vst v63  }
0x1dd: {  	v3 =	vld [tilespmem:$0x10];
	_ =	sdelay $0x4  }
0x1de: {  	v57 =	vshll.u32 v3, $0x2  }
0x1df: {  	v3 =	vand.u32 $0x7, v3;
	v4 =	vand.u32 $0xFFFFFFE0, v57  }
0x1e0: {  	v3 =	vor.u32 v3, v4  }
0x1e1: {  	v4 =	vperm.xlane v3, v0;
	_ =	sdelay $0x1  }
0x1e2: {  	v4 =	vadd.s32 v1, v4;
	_ =	sdelay $0x1  }
0x1e3: {  	v3 =	vperm.xlane v3, v2;
	_ =	sdelay $0x1  }
0x1e4: {  	s20 =	simm.s32 $0x2100;
	v3 =	vadd.s32 v1, v3  }
0x1e5: {  	[tilespmem:s20], [sflag:$0x3] =	stream.indirect_vreg.gather [hbm4b:s3+s2], $0x80, v4, vm0, $0xb8;
	[tilespmem:$0x10100] =	vst v63  }
0x1e6: {  	s20 =	simm.s32 $0x2900  }
0x1e7: {  	[tilespmem:s20], [sflag:$0x3] =	stream.indirect_vreg.gather [hbm4b:s4+s2], $0x80, v4, vm0, $0xb8;
	[tilespmem:$0x10100] =	vst v63  }
0x1e8: {  	s20 =	simm.s32 $0x3100  }
0x1e9: {  	[tilespmem:s20], [sflag:$0x3] =	stream.indirect_vreg.gather [hbm4b:s3+s2], $0x80, v3, vm0, $0xb8;
	[tilespmem:$0x10100] =	vst v63  }
0x1ea: {  	s20 =	simm.s32 $0x3900  }
0x1eb: {  	[tilespmem:s20], [sflag:$0x3] =	stream.indirect_vreg.gather [hbm4b:s4+s2], $0x80, v3, vm0, $0xb8;
	[tilespmem:$0x10100] =	vst v63  }
0x1ec: {  	v3 =	vld [tilespmem:$0x20];
	_ =	sdelay $0x4  }
0x1ed: {  	v58 =	vshll.u32 v3, $0x2  }
0x1ee: {  	v3 =	vand.u32 $0x7, v3;
	v4 =	vand.u32 $0xFFFFFFE0, v58  }
0x1ef: {  	v3 =	vor.u32 v3, v4  }
0x1f0: {  	v4 =	vperm.xlane v3, v0;
	_ =	sdelay $0x1  }
0x1f1: {  	v4 =	vadd.s32 v1, v4;
	_ =	sdelay $0x1  }
0x1f2: {  	v3 =	vperm.xlane v3, v2;
	_ =	sdelay $0x1  }
0x1f3: {  	s20 =	simm.s32 $0x4100;
	v3 =	vadd.s32 v1, v3  }
0x1f4: {  	[tilespmem:s20], [sflag:$0x3] =	stream.indirect_vreg.gather [hbm4b:s3+s2], $0x80, v4, vm0, $0xb8;
	[tilespmem:$0x10100] =	vst v63  }
0x1f5: {  	s20 =	simm.s32 $0x4900  }
0x1f6: {  	[tilespmem:s20], [sflag:$0x3] =	stream.indirect_vreg.gather [hbm4b:s4+s2], $0x80, v4, vm0, $0xb8;
	[tilespmem:$0x10100] =	vst v63  }
0x1f7: {  	s20 =	simm.s32 $0x5100  }
0x1f8: {  	[tilespmem:s20], [sflag:$0x3] =	stream.indirect_vreg.gather [hbm4b:s3+s2], $0x80, v3, vm0, $0xb8;
	[tilespmem:$0x10100] =	vst v63  }
0x1f9: {  	s21 =	simm.s32 $0x5900  }
0x1fa: {  	[tilespmem:s21], [sflag:$0x3] =	stream.indirect_vreg.gather [hbm4b:s4+s2], $0x80, v3, vm0, $0xb8;
	[tilespmem:$0x10100] =	vst v63  }
0x1fb: {  	v3 =	vld [tilespmem:$0x30];
	_ =	sdelay $0x4  }
0x1fc: {  	v59 =	vshll.u32 v3, $0x2  }
0x1fd: {  	v3 =	vand.u32 $0x7, v3;
	v4 =	vand.u32 $0xFFFFFFE0, v59  }
0x1fe: {  	v3 =	vor.u32 v3, v4  }
0x1ff: {  	v4 =	vperm.xlane v3, v0;
	_ =	sdelay $0x1  }
0x200: {  	v4 =	vadd.s32 v1, v4;
	_ =	sdelay $0x1  }
0x201: {  	v3 =	vperm.xlane v3, v2;
	_ =	sdelay $0x1  }
0x202: {  	s21 =	simm.s32 $0x6100;
	v3 =	vadd.s32 v1, v3  }
0x203: {  	[tilespmem:s21], [sflag:$0x3] =	stream.indirect_vreg.gather [hbm4b:s3+s2], $0x80, v4, vm0, $0xb8;
	[tilespmem:$0x10100] =	vst v63  }
0x204: {  	s21 =	simm.s32 $0x6900  }
0x205: {  	[tilespmem:s21], [sflag:$0x3] =	stream.indirect_vreg.gather [hbm4b:s4+s2], $0x80, v4, vm0, $0xb8;
	[tilespmem:$0x10100] =	vst v63  }
0x206: {  	s22 =	simm.s32 $0x7100  }
0x207: {  	[tilespmem:s22], [sflag:$0x3] =	stream.indirect_vreg.gather [hbm4b:s3+s2], $0x80, v3, vm0, $0xb8;
	[tilespmem:$0x10100] =	vst v63  }
0x208: {  	s22 =	simm.s32 $0x7900  }
0x209: {  	[tilespmem:s22], [sflag:$0x3] =	stream.indirect_vreg.gather [hbm4b:s4+s2], $0x80, v3, vm0, $0xb8;
	[tilespmem:$0x10100] =	vst v63  }
0x20a: {  	s23 =	simm.s32 $0x80;
	s20 =	rddreg [dreg:$0xf]  }
0x20b: {  	[tilespmem:s23], [sflag:$0x2] =	stream.linear.gather [hbm4b:s20+s2], $0x40, $0x38;
	[tilespmem:$0x10100] =	vst v63  }
0x20c: {  	_ =	swait.ge [sflag:s24], $0x8000  }
0x20d: {  	[sflag:s24] =	ssyncset.done $0x0  }
0x20e: {  	s23 =	rddreg [dreg:$0x10];
	[sflag:s24] =	ssyncadd.s32 $0xFFFF8000  }
0x20f: {  	[hbm4b:s23+s2] =	stream.linear.scatter [tilespmem:s29], [sflag:$0x5], $0x8000, $0x38;
	[tilespmem:$0x10100] =	vst v63  }
0x210: {  	_ =	swait.ge [sflag:s25], $0x40  }
0x211: {  	[sflag:s25] =	ssyncset.done $0x0  }
0x212: {  	[sflag:s25] =	ssyncadd.s32 $0xFFFFFFC0  }
0x213: {  	_ =	swait.ge [sflag:s19], $0x8000  }
0x214: {  	[sflag:s19] =	ssyncset.done $0x0  }
0x215: {  	[sflag:s19] =	ssyncadd.s32 $0xFFFF8000  }
0x216: {  	v3 =	vld [tilespmem:$0x80];
	_ =	sdelay $0x4  }
0x217: {  	v60 =	vshll.u32 v3, $0x2  }
0x218: {  	v3 =	vand.u32 $0x7, v3;
	v4 =	vand.u32 $0xFFFFFFE0, v60  }
0x219: {  	v3 =	vor.u32 v3, v4  }
0x21a: {  	v4 =	vperm.xlane v3, v0;
	_ =	sdelay $0x1  }
0x21b: {  	v4 =	vadd.s32 v1, v4;
	_ =	sdelay $0x1  }
0x21c: {  	v3 =	vperm.xlane v3, v2;
	_ =	sdelay $0x1  }
0x21d: {  	v3 =	vadd.s32 v1, v3  }
0x21e: {  	[tilespmem:s26], [sflag:$0x4] =	stream.indirect_vreg.gather [hbm4b:s3+s2], $0x80, v4, vm0, $0xb8;
	[tilespmem:$0x10100] =	vst v63  }
0x21f: {  	s0 =	simm.s32 $0x8900  }
0x220: {  	[tilespmem:s0], [sflag:$0x4] =	stream.indirect_vreg.gather [hbm4b:s4+s2], $0x80, v4, vm0, $0xb8;
	[tilespmem:$0x10100] =	vst v63  }
0x221: {  	s14 =	simm.s32 $0x9100  }
0x222: {  	[tilespmem:s14], [sflag:$0x4] =	stream.indirect_vreg.gather [hbm4b:s3+s2], $0x80, v3, vm0, $0xb8;
	[tilespmem:$0x10100] =	vst v63  }
0x223: {  	s15 =	simm.s32 $0x9900  }
0x224: {  	[tilespmem:s15], [sflag:$0x4] =	stream.indirect_vreg.gather [hbm4b:s4+s2], $0x80, v3, vm0, $0xb8;
	[tilespmem:$0x10100] =	vst v63  }
0x225: {  	v3 =	vld [tilespmem:$0x90];
	_ =	sdelay $0x4  }
0x226: {  	v61 =	vshll.u32 v3, $0x2  }
0x227: {  	v3 =	vand.u32 $0x7, v3;
	v4 =	vand.u32 $0xFFFFFFE0, v61  }
0x228: {  	v3 =	vor.u32 v3, v4  }
0x229: {  	v4 =	vperm.xlane v3, v0;
	_ =	sdelay $0x1  }
0x22a: {  	v4 =	vadd.s32 v1, v4;
	_ =	sdelay $0x1  }
0x22b: {  	v3 =	vperm.xlane v3, v2;
	_ =	sdelay $0x1  }
0x22c: {  	s1 =	simm.s32 $0xA100;
	v3 =	vadd.s32 v1, v3  }
0x22d: {  	[tilespmem:s1], [sflag:$0x4] =	stream.indirect_vreg.gather [hbm4b:s3+s2], $0x80, v4, vm0, $0xb8;
	[tilespmem:$0x10100] =	vst v63  }
0x22e: {  	s7 =	simm.s32 $0xA900  }
0x22f: {  	[tilespmem:s7], [sflag:$0x4] =	stream.indirect_vreg.gather [hbm4b:s4+s2], $0x80, v4, vm0, $0xb8;
	[tilespmem:$0x10100] =	vst v63  }
0x230: {  	s8 =	simm.s32 $0xB100  }
0x231: {  	[tilespmem:s8], [sflag:$0x4] =	stream.indirect_vreg.gather [hbm4b:s3+s2], $0x80, v3, vm0, $0xb8;
	[tilespmem:$0x10100] =	vst v63  }
0x232: {  	s28 =	simm.s32 $0xB900  }
0x233: {  	[tilespmem:s28], [sflag:$0x4] =	stream.indirect_vreg.gather [hbm4b:s4+s2], $0x80, v3, vm0, $0xb8;
	[tilespmem:$0x10100] =	vst v63  }
0x234: {  	v3 =	vld [tilespmem:$0xA0];
	_ =	sdelay $0x4  }
0x235: {  	v62 =	vshll.u32 v3, $0x2  }
0x236: {  	v3 =	vand.u32 $0x7, v3;
	v4 =	vand.u32 $0xFFFFFFE0, v62  }
0x237: {  	v3 =	vor.u32 v3, v4  }
0x238: {  	v4 =	vperm.xlane v3, v0;
	_ =	sdelay $0x1  }
0x239: {  	v4 =	vadd.s32 v1, v4;
	_ =	sdelay $0x1  }
0x23a: {  	v3 =	vperm.xlane v3, v2;
	_ =	sdelay $0x1  }
0x23b: {  	s9 =	simm.s32 $0xC100;
	v3 =	vadd.s32 v1, v3  }
0x23c: {  	[tilespmem:s9], [sflag:$0x4] =	stream.indirect_vreg.gather [hbm4b:s3+s2], $0x80, v4, vm0, $0xb8;
	[tilespmem:$0x10100] =	vst v63  }
0x23d: {  	s10 =	simm.s32 $0xC900  }
0x23e: {  	[tilespmem:s10], [sflag:$0x4] =	stream.indirect_vreg.gather [hbm4b:s4+s2], $0x80, v4, vm0, $0xb8;
	[tilespmem:$0x10100] =	vst v63  }
0x23f: {  	s11 =	simm.s32 $0xD100  }
0x240: {  	[tilespmem:s11], [sflag:$0x4] =	stream.indirect_vreg.gather [hbm4b:s3+s2], $0x80, v3, vm0, $0xb8;
	[tilespmem:$0x10100] =	vst v63  }
0x241: {  	s30 =	simm.s32 $0xD900  }
0x242: {  	[tilespmem:s30], [sflag:$0x4] =	stream.indirect_vreg.gather [hbm4b:s4+s2], $0x80, v3, vm0, $0xb8;
	[tilespmem:$0x10100] =	vst v63  }
0x243: {  	v3 =	vld [tilespmem:$0xB0];
	_ =	sdelay $0x4  }
0x244: {  	v63 =	vshll.u32 v3, $0x2  }
0x245: {  	v3 =	vand.u32 $0x7, v3;
	v4 =	vand.u32 $0xFFFFFFE0, v63  }
0x246: {  	v3 =	vor.u32 v3, v4  }
0x247: {  	v4 =	vperm.xlane v3, v0;
	_ =	sdelay $0x1  }
0x248: {  	v4 =	vadd.s32 v1, v4;
	_ =	sdelay $0x1  }
0x249: {  	v3 =	vperm.xlane v3, v2;
	_ =	sdelay $0x1  }
0x24a: {  	s12 =	simm.s32 $0xE100;
	v3 =	vadd.s32 v1, v3  }
0x24b: {  	[tilespmem:s12], [sflag:$0x4] =	stream.indirect_vreg.gather [hbm4b:s3+s2], $0x80, v4, vm0, $0xb8;
	[tilespmem:$0x10100] =	vst v63  }
0x24c: {  	s13 =	simm.s32 $0xE900  }
0x24d: {  	[tilespmem:s13], [sflag:$0x4] =	stream.indirect_vreg.gather [hbm4b:s4+s2], $0x80, v4, vm0, $0xb8;
	[tilespmem:$0x10100] =	vst v63  }
0x24e: {  	s16 =	simm.s32 $0xF100  }
0x24f: {  	[tilespmem:s16], [sflag:$0x4] =	stream.indirect_vreg.gather [hbm4b:s3+s2], $0x80, v3, vm0, $0xb8;
	[tilespmem:$0x10100] =	vst v63  }
0x250: {  	s31 =	simm.s32 $0xF900  }
0x251: {  	[tilespmem:s31], [sflag:$0x4] =	stream.indirect_vreg.gather [hbm4b:s4+s2], $0x80, v3, vm0, $0xb8;
	[tilespmem:$0x10100] =	vst v63  }
0x252: {  	_ =	swait.ge [sflag:s17], $0x8000  }
0x253: {  	[sflag:s17] =	ssyncset.done $0x0  }
0x254: {  	s31 =	rddreg [dreg:$0x11];
	[sflag:s17] =	ssyncadd.s32 $0xFFFF8000  }
0x255: {  	[hbm4b:s31+s2] =	stream.linear.scatter [tilespmem:s26], [sflag:$0x6], $0x8000, $0x38;
	[tilespmem:$0x10100] =	vst v63  }
0x256: {  	p0 =	sne.s32 s5, $0x1;
	_ =	swait.ge [sflag:s19], $0x8000  }
.Ltmp0:
0x257: {  	[sflag:s19] =	ssyncset.done $0x0;
	(pc) =	sbr.rel @p0 .LBB2_1-.Ltmp0, $4  }
0x258: {  	[sflag:s19] =	ssyncadd.s32 $0xFFFF8000  }
0x259: {  	_ =	swait.ge [sflag:s18], $0x8000  }
0x25a: {  	[sflag:s18] =	ssyncset.done $0x0  }
0x25b: {  	s5 =	sadd.s32 $0xFFFFFFFF, s5;
	[sflag:s18] =	ssyncadd.s32 $0xFFFF8000  }
0x25c: {  	_ =	sfence.sel $0x180000  }
0x25d: {  	[bflag:$0x0] =	sbarrier.arrive $0xFFFF  }
0x25e: {  	_ =	strace $0x9000004A  }
0x25f: {  	s0 =	stileid.u32;
	[bflag:$0x2] =	sbarrier.arrive $0xFFFF  }
0x260: {  	p0 =	sne.s32 s0, $0x0;
	s0 =	rddreg [dreg:$0x1]  }
0x261: {  	s0 =	sadd.s32 @!p0 $0x100000, s0  }
0x262: {  	[sflag:s0] =	ssyncadd.tile.s32 @!p0 $0x1;
	_ =	shalt  }
.Lfunc_end2:
_tile_overlayer_lowered:
.L_overlay_start_2:
0x263: {  	(tag) =	ssettag $0x2  }
0x264: {  	s0 =	rddreg [dreg:$0x0];
	s2 =	stileid.u32  }
0x265: {  	s1 =	rddreg [dreg:$0x1];
	p0 =	sne.s32 s2, $0x0  }
0x266: {  	s3 =	rddreg [dreg:$0x2];
	[bflag:$0x3] =	sbarrier.arrive $0xFFFF;
	s2 =	simm.s32 @!p0 $0x1C07  }
0x267: {  	[timem:s3], [sflag:s2] =	dma.local @!p0 [hbm:s0], s1  }
0x268: {  	s0 =	simm.s32 @!p0 $0x7  }
0x269: {  	_ =	swait.ge @!p0 [sflag:s0], s1  }
0x26a: {  	s1 =	ssub.s32 @!p0 $0x0, s1;
	[sflag:s0] =	ssyncset.done @!p0 $0x0  }
0x26b: {  	[sflag:s0] =	ssyncadd.s32 @!p0 s1  }
0x26c: {  	[bflag:$0x3] =	sbarrier.arrive $0xFFFF  }
0x26d: {  	_ =	shalt  }

// kernel: kernel.7.cloned.1.call-start
scs
__scs_entry_jumppad:
0x0: {  	(pc) =	sbr.rel $0x88, $3  }
0x1: {  	(tag) =	ssettag $0x0;
	lr =	simm.s32 $0x1  }
0x2: {  	[smem:$0x3F9B] =	sst lr;
	_ =	strace $0xD0000000  }
0x3: {  	_ = 	snop  }
0x4: {  	_ = 	snop  }
0x5: {  	_ = 	snop  }
0x6: {  	_ = 	snop  }
0x7: {  	_ = 	snop  }
__scs_overlays_trampoline_lowered:
0x8: {  	[smem:$0x3FAA] =	sst s0  }
0x9: {  	[smem:$0x3FAB] =	sst s1  }
0xa: {  	[smem:$0x3FAC] =	sst s2  }
0xb: {  	[smem:$0x3FAD] =	sst s3  }
0xc: {  	[smem:$0x3FAE] =	sst s4  }
0xd: {  	[smem:$0x3FAF] =	sst s5  }
0xe: {  	[smem:$0x3FB0] =	sst s6  }
0xf: {  	[smem:$0x3FB1] =	sst s7  }
0x10: {  	[smem:$0x3FB2] =	sst s8  }
0x11: {  	[smem:$0x3FB3] =	sst s9;
	s0 =	simm.s32 @!p0 $0x0  }
0x12: {  	s1 =	sld [smem:$0x3F99];
	s0 =	simm.s32 @p0 $0x1  }
0x13: {  	[smem:$0x3FB4] =	sst s0;
	s0 =	simm.s32 @!p1 $0x0  }
0x14: {  	s2 =	sld [smem:$0x3F98];
	s0 =	simm.s32 @p1 $0x1  }
0x15: {  	[smem:$0x3FB5] =	sst s0;
	s0 =	simm.s32 @!p2 $0x0  }
0x16: {  	s3 =	sld [smem:$0x3FDB];
	s0 =	simm.s32 @p2 $0x1  }
0x17: {  	s4 =	simm.s32 $0x1BF5;
	[smem:$0x3FB7] =	sst s0  }
0x18: {  	s0 =	sld [smem:$0x3F9A];
	_ =	swait.ge [sflag:s4], $0x0  }
0x19: {  	s7 =	sld [smem:$0x3F9B]  }
0x1a: {  	s8 =	sadd.s32 $0xFFFFE003, lr  }
0x1b: {  	s9 =	sadd.s32 $0xFFFFFEF7, lr;
	s5 =	simm.s32 $0xFFFFFFFF;
	p2 =	slt.u32 s8, $0xFFFFF086  }
0x1c: {  	p1 =	slt.u32 s9, $0xF7A;
	s5 =	simm.s32 @!p2 $0x0  }
0x1d: {  	s5 =	simm.s32 @p1 $0x1;
	p0 =	seq.s32 s7, s2  }
0x1e: {  	s7 =	smul.u32 @!p0 $0xF7A, s2;
	p2 =	seq.s32 @!p0 s5, $0x0  }
0x1f: {  	s9 =	smul.u32 $0xF7A, s1;
	s8 =	simm.s32 @!p0 $0x1BF5;
	p2 =	por !p2, p0  }
0x20: {  	[sflag:s8] =	ssyncset.s32 @!p0 $0xFFFFF086;
	s6 =	sadd.s32 @!p0 s3, s7;
	s7 =	simm.s32 @!p0 $0x108  }
0x21: {  	s3 =	sadd.s32 s3, s9;
	s6 =	sadd.s32 @!p0 $0x88, s6;
	s7 =	simm.s32 @p2 $0x1082  }
0x22: {  	[simem:s7], [sflag:s8] =	dma.local @!p0 [hbm:s6], $0xF7A  }
0x23: {  	s9 =	sor.u32 $0xD0000000, s2;
	s6 =	simm.s32 $0x108;
	_ =	swait.ge @!p0 [sflag:s8], $0x0  }
0x24: {  	s3 =	sadd.s32 $0x88, s3;
	s6 =	simm.s32 @!p1 $0x1082;
	[sflag:s4] =	ssyncset.s32 $0xFFFFF086  }
0x25: {  	[simem:s6], [sflag:s4] =	dma.local [hbm:s3], $0xF7A  }
0x26: {  	[smem:$0x3F9B] =	sst s1;
	(tag) =	ssettag s2;
	_ =	strace s9  }
0x27: {  	s1 =	sld [smem:$0x3FAB]  }
0x28: {  	s2 =	sld [smem:$0x3FAC]  }
0x29: {  	s4 =	sld [smem:$0x3FAE]  }
0x2a: {  	p0 =	seq.s32 s5, $0x0;
	s5 =	sld [smem:$0x3FAF]  }
0x2b: {  	s6 =	sld [smem:$0x3FB0]  }
0x2c: {  	s7 =	sld [smem:$0x3FB1]  }
0x2d: {  	s3 =	simm.s32 $0x108;
	s8 =	sld [smem:$0x3FB2]  }
0x2e: {  	s3 =	simm.s32 @!p0 $0x1082;
	s9 =	sld [smem:$0x3FB3]  }
0x2f: {  	lr =	sadd.s32 s0, s3;
	s0 =	sld [smem:$0x3FAA]  }
0x30: {  	s3 =	sld [smem:$0x3FAD]  }
0x31: {  	[smem:$0x3FB6] =	sst s10  }
0x32: {  	s10 =	sld [smem:$0x3FB4];
	_ =	sdelay $0x3  }
0x33: {  	p0 =	seq.s32 s10, $0x1;
	s10 =	sld [smem:$0x3FB6];
	_ =	sdelay $0x3  }
0x34: {  	[smem:$0x3FB6] =	sst s10  }
0x35: {  	s10 =	sld [smem:$0x3FB5];
	_ =	sdelay $0x3  }
0x36: {  	p1 =	seq.s32 s10, $0x1;
	s10 =	sld [smem:$0x3FB6];
	_ =	sdelay $0x3  }
0x37: {  	[smem:$0x3FB6] =	sst s10  }
0x38: {  	s10 =	sld [smem:$0x3FB7]  }
0x39: {  	_ = 	snop;
	(pc) =	sbr.ind lr, $3  }
0x3a: {  	_ = 	snop  }
0x3b: {  	_ = 	snop  }
0x3c: {  	p2 =	seq.s32 s10, $0x1;
	s10 =	sld [smem:$0x3FB6]  }
0x3d: {  	_ =	shalt  }
0x3e: {  	_ =	shalt  }
0x3f: {  	_ =	shalt  }
0x40: {  	_ =	shalt  }
0x41: {  	_ =	shalt  }
0x42: {  	_ =	shalt  }
0x43: {  	_ =	shalt  }
0x44: {  	_ =	shalt  }
0x45: {  	_ =	shalt  }
0x46: {  	_ =	shalt  }
0x47: {  	_ =	shalt  }
0x48: {  	_ =	shalt  }
0x49: {  	_ =	shalt  }
0x4a: {  	_ =	shalt  }
0x4b: {  	_ =	shalt  }
0x4c: {  	_ =	shalt  }
0x4d: {  	_ =	shalt  }
0x4e: {  	_ =	shalt  }
0x4f: {  	_ =	shalt  }
0x50: {  	_ =	shalt  }
0x51: {  	_ =	shalt  }
0x52: {  	_ =	shalt  }
0x53: {  	_ =	shalt  }
0x54: {  	_ =	shalt  }
0x55: {  	_ =	shalt  }
0x56: {  	_ =	shalt  }
0x57: {  	_ =	shalt  }
0x58: {  	_ =	shalt  }
0x59: {  	_ =	shalt  }
0x5a: {  	_ =	shalt  }
0x5b: {  	_ =	shalt  }
0x5c: {  	_ =	shalt  }
0x5d: {  	_ =	shalt  }
0x5e: {  	_ =	shalt  }
0x5f: {  	_ =	shalt  }
0x60: {  	_ =	shalt  }
0x61: {  	_ =	shalt  }
0x62: {  	_ =	shalt  }
0x63: {  	_ =	shalt  }
0x64: {  	_ =	shalt  }
0x65: {  	_ =	shalt  }
0x66: {  	_ =	shalt  }
0x67: {  	_ =	shalt  }
0x68: {  	_ =	shalt  }
0x69: {  	_ =	shalt  }
0x6a: {  	_ =	shalt  }
0x6b: {  	_ =	shalt  }
0x6c: {  	_ =	shalt  }
0x6d: {  	_ =	shalt  }
0x6e: {  	_ =	shalt  }
0x6f: {  	_ =	shalt  }
0x70: {  	_ =	shalt  }
0x71: {  	_ =	shalt  }
0x72: {  	_ =	shalt  }
0x73: {  	_ =	shalt  }
0x74: {  	_ =	shalt  }
0x75: {  	_ =	shalt  }
0x76: {  	_ =	shalt  }
0x77: {  	_ =	shalt  }
0x78: {  	_ =	shalt  }
0x79: {  	_ =	shalt  }
0x7a: {  	_ =	shalt  }
0x7b: {  	_ =	shalt  }
0x7c: {  	_ =	shalt  }
0x7d: {  	_ =	shalt  }
0x7e: {  	_ =	shalt  }
0x7f: {  	_ =	shalt  }
0x80: {  	_ =	shalt  }
0x81: {  	_ =	shalt  }
0x82: {  	_ =	shalt  }
0x83: {  	_ =	shalt  }
0x84: {  	_ =	shalt  }
0x85: {  	_ =	shalt  }
0x86: {  	_ =	shalt  }
0x87: {  	_ =	shalt  }
.Lfunc_end0:
.L_simem_size_0:
called_computation_lowered:
.L_overlay_start_0:
0x88: {  	s2 =	sld [smem:$0x3FD9]  }
0x89: {  	s3 =	sld [smem:$0x3FFE];
	_ =	sdelay $0x1  }
0x8a: {  	s1 =	srdreg.scid  }
0x8b: {  	s0 =	sand.u32 $0x1, s1  }
0x8c: {  	s17 =	sshll.u32 s0, $0xA;
	s2 =	sadd.s32 s3, s2  }
0x8d: {  	s2 =	sadd.s32 s2, s17  }
0x8e: {  	[smem:$0x3FC2] =	sst s2  }
0x8f: {  	_ = 	snop  }
0x90: {  	s2 =	sld [smem:$0x3FD0];
	(tm) =	ssettm $0x1  }
0x91: {  	s18 =	sld [smem:$0x3FFB];
	_ =	sdelay $0x3  }
0x92: {  	_ =	strace s18  }
0x93: {  	s3 =	sld [smem:$0x3FFC];
	_ =	sdelay $0x3  }
0x94: {  	_ =	strace s3  }
0x95: {  	s3 =	sld [smem:$0x3FFD];
	_ =	sdelay $0x3  }
0x96: {  	_ =	strace s3  }
0x97: {  	_ =	strace $0x8FFFFFFF  }
0x98: {  	s19 =	sld [smem:$0x3FDB];
	_ =	sdelay $0x1  }
0x99: {  	s4 =	simm.s32 $_scs_section_size  }
0x9a: {  	s5 =	simm.s32 $_size__tile_overlayer_lowered;
	s6 =	simm.s32 $_tile_overlayer_lowered  }
0x9b: {  	s22 =	simm.s32 $0x1BFF;
	s21 =	sshll.u32 s6, $0x1;
	s3 =	sadd.s32 s4, s19  }
0x9c: {  	s7 =	simm.s32 $0x0;
	s20 =	sshll.u32 s5, $0x1;
	s5 =	sadd.s32 s21, s3  }
0x9d: {  	[timem:s7], [sflag:s22] =	dma.local [hbm:s5], s20  }
0x9e: {  	_ =	swait.ge [sflag:s22], s20  }
0x9f: {  	s4 =	ssub.s32 $0x0, s20;
	[sflag:s22] =	ssyncset.done $0x0  }
0xa0: {  	[sflag:s22] =	ssyncadd.s32 s4;
	_ =	sdelay $0x1  }
0xa1: {  	s23 =	simm.s32 $0x1B8B  }
0xa2: {  	_ =	swait.ge [sflag:s23], $0x1  }
0xa3: {  	[sflag:s23] =	ssyncset.done $0x0  }
0xa4: {  	s25 =	simm.s32 $0x1B8E;
	s24 =	sld [smem:$0x3FFE];
	[sflag:s23] =	ssyncadd.s32 $0xFFFFFFFF  }
0xa5: {  	s26 =	simm.s32 $execute0_lowered;
	[smem:$0x3FD2] =	sst s25  }
0xa6: {  	s5 =	sshll.u32 s26, $0x1;
	_ =	strace $0x80000046;
	[dreg:$0x1] =	wrdreg $0xFFFFFFFF  }
0xa7: {  	s28 =	simm.s32 $_size_execute0_lowered;
	s3 =	sadd.s32 s3, s5;
	[dreg:$0x0] =	wrdreg $0x0  }
0xa8: {  	s5 =	sshll.u32 s28, $0x1;
	[dreg:$0x2] =	wrdreg s3  }
0xa9: {  	[dreg:$0x3] =	wrdreg s5  }
0xaa: {  	[dreg:$0x4] =	wrdreg $0xC0  }
0xab: {  	_ =	task [dreg:s7], $0x5FFFF  }
0xac: {  	[dreg:$0x1] =	wrdreg $0xFFFFFFFF  }
0xad: {  	[dreg:$0x0] =	wrdreg $0x60  }
0xae: {  	[dreg:$0x2] =	wrdreg s2  }
0xaf: {  	[dreg:$0x3] =	wrdreg s24  }
0xb0: {  	[dreg:$0x4] =	wrdreg $0x9  }
0xb1: {  	_ =	task.clear_ibuf [dreg:s7], $0x5FFFF;
	_ =	strace $0x90000046  }
0xb2: {  	s29 =	simm.s32 $0x9;
	_ =	strace $0x80000048  }
0xb3: {  	_ =	swait.ge [sflag:s29], $0x1  }
0xb4: {  	[sflag:s29] =	ssyncadd.s32 $0xFFFFFFFF  }
0xb5: {  	_ =	strace $0x90000048  }
0xb6: {  	_ =	sfence  }
0xb7: {  	s30 =	sld [smem:$0x0];
	_ =	sdelay $0x2  }
0xb8: {  	s31 =	sshll.u32 s1, $0xD;
	s1 =	sshrl.u32 s1, $0x2  }
0xb9: {  	s3 =	sand.u32 $0x4000, s31;
	s1 =	sadd.s32 s1, s30  }
0xba: {  	s0 =	sor.u32 s3, s0;
	s1 =	sshll.u32 s1, $0x11  }
0xbb: {  	s0 =	sor.u32 s1, s0  }
0xbc: {  	s0 =	sadd.s32 $0x8F2B, s0  }
0xbd: {  	[sflag:s0] =	ssyncadd.remote.s32 $0x1  }
0xbe: {  	_ =	sfence.sel $0xFFFF  }
0xbf: {  	[dreg:$0x0] =	wrdreg $0xFFFFFFFF;
	(pc) =	sbr.abs _section_cstart, $3  }
0xc0: {  	[dreg:$0x1] =	wrdreg $0xFFFFFFFF  }
0xc1: {  	_ =	task.clear_ibuf [dreg:s7], $0x2FFFF;
	_ =	strace $0x9FFFFFFF  }
0xc2: {  	(tm) =	ssettm $0x7FFFFFFF  }
0xc3: {  	_ =	shalt  }
tec
execute0_lowered:
.L_overlay_start_1:
0x0: {  	(tag) =	ssettag $0x1  }
0x1: {  	s0 =	srdreg.scid  }
0x2: {  	s2 =	stileid.u32;
	s0 =	sand.u32 $0x1, s0  }
0x3: {  	s2 =	sshll.u32 s2, $0xA;
	s3 =	sshll.u32 s0, $0x9  }
0x4: {  	s3 =	sor.u32 s3, s2  }
0x5: {  	s5 =	rddreg [dreg:$0x1];
	s4 =	sshrl.u32 s3, $0x3  }
0x6: {  	s1 =	rddreg [dreg:$0x0];
	s2 =	simm.s32 $0x0;
	s6 =	sadd.s32 s4, s5  }
0x7: {  	[smem:$0x7FF] =	sst s2;
	s4 =	sadd.s32 $0x41400, s6  }
0x8: {  	_ =	strace $0x80000047;
	s14 =	sadd.s32 $0x41408, s6;
	[dreg:$0x3] =	wrdreg s4  }
0x9: {  	s8 =	simm.s32 $0x1;
	s16 =	sadd.s32 $0x41410, s6;
	[dreg:$0x4] =	wrdreg s14  }
0xa: {  	s9 =	simm.s32 $0x3;
	s18 =	sadd.s32 $0x41418, s6;
	[dreg:$0x6] =	wrdreg s16  }
0xb: {  	s28 =	simm.s32 $0x2;
	s20 =	sadd.s32 $0x41420, s6;
	[dreg:$0x8] =	wrdreg s18  }
0xc: {  	s29 =	simm.s32 $0x4;
	s22 =	sadd.s32 $0x41428, s6;
	[dreg:$0xa] =	wrdreg s20  }
0xd: {  	s3 =	sshll.u32 s3, $0x6;
	s24 =	sadd.s32 $0x41430, s6;
	[dreg:$0xc] =	wrdreg s22  }
0xe: {  	s3 =	sand.u32 $0x78000, s3;
	s30 =	sadd.s32 $0x41438, s6;
	[dreg:$0xe] =	wrdreg s24  }
0xf: {  	s0 =	ssub.s32 $0x2, s0;
	s7 =	sadd.s32 s1, s3;
	[dreg:$0x10] =	wrdreg s30  }
0x10: {  	s26 =	sshrl.u32 s0, $0x1;
	s15 =	sadd.s32 $0x1000, s7;
	[dreg:$0x12] =	wrdreg s7  }
0x11: {  	s0 =	ssub.s32 s0, s26;
	s17 =	sadd.s32 $0x2000, s7;
	[dreg:$0x5] =	wrdreg s15  }
0x12: {  	s26 =	simm.s32 $0x8100;
	s19 =	sadd.s32 $0x3000, s7;
	[dreg:$0x7] =	wrdreg s17  }
0x13: {  	s6 =	smax.u32 s0, $0x1;
	s21 =	sadd.s32 $0x4000, s7;
	[dreg:$0x9] =	wrdreg s19  }
0x14: {  	s23 =	sadd.s32 $0x5000, s7;
	s4 =	sadd.s32 $0x41C00, s5;
	[dreg:$0xb] =	wrdreg s21  }
0x15: {  	v2 =	vlaneseq.u32;
	s25 =	sadd.s32 $0x6000, s7;
	s31 =	sadd.s32 $0x7000, s7;
	[dreg:$0xd] =	wrdreg s23  }
0x16: {  	vm0 =	vmmov $0xffff;
	v1 =	vshrl.u32 v2, $0x3;
	s5 =	sadd.s32 $0x41D00, s5;
	s20 =	simm.s32 $0x5;
	[dreg:$0xf] =	wrdreg s25  }
0x17: {  	v0 =	vand.u32 $0x7, v2;
	v2 =	vor.u32 $0x8, v2;
	v1 =	vmul.u32 $0x8, v1;
	[dreg:$0x11] =	wrdreg s31;
	s19 =	simm.s32 $0x100;
	s21 =	simm.s32 $0x6  }
.LBB2_1:
0x18: {  	s22 =	rddreg [dreg:$0x3]  }
0x19: {  	[tilespmem:s2], [sflag:$0x1] =	stream.linear.gather [hbm4b:s22+s2], $0x40, $0x38;
	[tilespmem:$0x10100] =	vst v63  }
0x1a: {  	s14 =	rddreg [dreg:$0x12]  }
0x1b: {  	[tilespmem:s19], [sflag:$0x3] =	stream.linear.gather [hbm4b:s14+s2], $0x8000, $0x38;
	[tilespmem:$0x10100] =	vst v63  }
0x1c: {  	_ =	swait.ge [sflag:s8], $0x40  }
0x1d: {  	[sflag:s8] =	ssyncset.done $0x0  }
0x1e: {  	[sflag:s8] =	ssyncadd.s32 $0xFFFFFFC0  }
0x1f: {  	_ =	swait.ge [sflag:s9], $0x8000  }
0x20: {  	[sflag:s9] =	ssyncset.done $0x0  }
0x21: {  	[sflag:s9] =	ssyncadd.s32 $0xFFFF8000  }
0x22: {  	v3 =	vld [tilespmem:$0x0];
	_ =	sdelay $0x4  }
0x23: {  	v4 =	vshll.u32 v3, $0x2  }
0x24: {  	v3 =	vand.u32 $0x7, v3;
	v4 =	vand.u32 $0xFFFFFFE0, v4  }
0x25: {  	v3 =	vor.u32 v3, v4  }
0x26: {  	v4 =	vperm.xlane v3, v0;
	_ =	sdelay $0x1  }
0x27: {  	v4 =	vadd.s32 v1, v4;
	_ =	sdelay $0x1  }
0x28: {  	v3 =	vperm.xlane v3, v2;
	_ =	sdelay $0x1  }
0x29: {  	v3 =	vadd.s32 v1, v3  }
0x2a: {  	[hbm4b:s4+s2] =	stream.indirect_vreg.scatter [tilespmem:s19], [sflag:$0x5], $0x80, v4, vm0, $0xb8;
	[tilespmem:$0x10100] =	vst v63  }
0x2b: {  	s0 =	simm.s32 $0x900  }
0x2c: {  	[hbm4b:s5+s2] =	stream.indirect_vreg.scatter [tilespmem:s0], [sflag:$0x5], $0x80, v4, vm0, $0xb8;
	[tilespmem:$0x10100] =	vst v63  }
0x2d: {  	s15 =	simm.s32 $0x1100  }
0x2e: {  	[hbm4b:s4+s2] =	stream.indirect_vreg.scatter [tilespmem:s15], [sflag:$0x5], $0x80, v3, vm0, $0xb8;
	[tilespmem:$0x10100] =	vst v63  }
0x2f: {  	s16 =	simm.s32 $0x1900  }
0x30: {  	[hbm4b:s5+s2] =	stream.indirect_vreg.scatter [tilespmem:s16], [sflag:$0x5], $0x80, v3, vm0, $0xb8;
	[tilespmem:$0x10100] =	vst v63  }
0x31: {  	v3 =	vld [tilespmem:$0x10];
	_ =	sdelay $0x4  }
0x32: {  	v33 =	vshll.u32 v3, $0x2  }
0x33: {  	v3 =	vand.u32 $0x7, v3;
	v4 =	vand.u32 $0xFFFFFFE0, v33  }
0x34: {  	v3 =	vor.u32 v3, v4  }
0x35: {  	v4 =	vperm.xlane v3, v0;
	_ =	sdelay $0x1  }
0x36: {  	v4 =	vadd.s32 v1, v4;
	_ =	sdelay $0x1  }
0x37: {  	v3 =	vperm.xlane v3, v2;
	_ =	sdelay $0x1  }
0x38: {  	s17 =	simm.s32 $0x2100;
	v3 =	vadd.s32 v1, v3  }
0x39: {  	[hbm4b:s4+s2] =	stream.indirect_vreg.scatter [tilespmem:s17], [sflag:$0x5], $0x80, v4, vm0, $0xb8;
	[tilespmem:$0x10100] =	vst v63  }
0x3a: {  	s18 =	simm.s32 $0x2900  }
0x3b: {  	[hbm4b:s5+s2] =	stream.indirect_vreg.scatter [tilespmem:s18], [sflag:$0x5], $0x80, v4, vm0, $0xb8;
	[tilespmem:$0x10100] =	vst v63  }
0x3c: {  	s22 =	simm.s32 $0x3100  }
0x3d: {  	[hbm4b:s4+s2] =	stream.indirect_vreg.scatter [tilespmem:s22], [sflag:$0x5], $0x80, v3, vm0, $0xb8;
	[tilespmem:$0x10100] =	vst v63  }
0x3e: {  	s23 =	simm.s32 $0x3900  }
0x3f: {  	[hbm4b:s5+s2] =	stream.indirect_vreg.scatter [tilespmem:s23], [sflag:$0x5], $0x80, v3, vm0, $0xb8;
	[tilespmem:$0x10100] =	vst v63  }
0x40: {  	v3 =	vld [tilespmem:$0x20];
	_ =	sdelay $0x4  }
0x41: {  	v34 =	vshll.u32 v3, $0x2  }
0x42: {  	v3 =	vand.u32 $0x7, v3;
	v4 =	vand.u32 $0xFFFFFFE0, v34  }
0x43: {  	v3 =	vor.u32 v3, v4  }
0x44: {  	v4 =	vperm.xlane v3, v0;
	_ =	sdelay $0x1  }
0x45: {  	v4 =	vadd.s32 v1, v4;
	_ =	sdelay $0x1  }
0x46: {  	v3 =	vperm.xlane v3, v2;
	_ =	sdelay $0x1  }
0x47: {  	s24 =	simm.s32 $0x4100;
	v3 =	vadd.s32 v1, v3  }
0x48: {  	[hbm4b:s4+s2] =	stream.indirect_vreg.scatter [tilespmem:s24], [sflag:$0x5], $0x80, v4, vm0, $0xb8;
	[tilespmem:$0x10100] =	vst v63  }
0x49: {  	s25 =	simm.s32 $0x4900  }
0x4a: {  	[hbm4b:s5+s2] =	stream.indirect_vreg.scatter [tilespmem:s25], [sflag:$0x5], $0x80, v4, vm0, $0xb8;
	[tilespmem:$0x10100] =	vst v63  }
0x4b: {  	s30 =	simm.s32 $0x5100  }
0x4c: {  	[hbm4b:s4+s2] =	stream.indirect_vreg.scatter [tilespmem:s30], [sflag:$0x5], $0x80, v3, vm0, $0xb8;
	[tilespmem:$0x10100] =	vst v63  }
0x4d: {  	s31 =	simm.s32 $0x5900  }
0x4e: {  	[hbm4b:s5+s2] =	stream.indirect_vreg.scatter [tilespmem:s31], [sflag:$0x5], $0x80, v3, vm0, $0xb8;
	[tilespmem:$0x10100] =	vst v63  }
0x4f: {  	v3 =	vld [tilespmem:$0x30];
	_ =	sdelay $0x4  }
0x50: {  	v35 =	vshll.u32 v3, $0x2  }
0x51: {  	v3 =	vand.u32 $0x7, v3;
	v4 =	vand.u32 $0xFFFFFFE0, v35  }
0x52: {  	v3 =	vor.u32 v3, v4  }
0x53: {  	v4 =	vperm.xlane v3, v0;
	_ =	sdelay $0x1  }
0x54: {  	v4 =	vadd.s32 v1, v4;
	_ =	sdelay $0x1  }
0x55: {  	v3 =	vperm.xlane v3, v2;
	_ =	sdelay $0x1  }
0x56: {  	s1 =	simm.s32 $0x6100;
	v3 =	vadd.s32 v1, v3  }
0x57: {  	[hbm4b:s4+s2] =	stream.indirect_vreg.scatter [tilespmem:s1], [sflag:$0x5], $0x80, v4, vm0, $0xb8;
	[tilespmem:$0x10100] =	vst v63  }
0x58: {  	s3 =	simm.s32 $0x6900  }
0x59: {  	[hbm4b:s5+s2] =	stream.indirect_vreg.scatter [tilespmem:s3], [sflag:$0x5], $0x80, v4, vm0, $0xb8;
	[tilespmem:$0x10100] =	vst v63  }
0x5a: {  	s10 =	simm.s32 $0x7100  }
0x5b: {  	[hbm4b:s4+s2] =	stream.indirect_vreg.scatter [tilespmem:s10], [sflag:$0x5], $0x80, v3, vm0, $0xb8;
	[tilespmem:$0x10100] =	vst v63  }
0x5c: {  	s13 =	simm.s32 $0x7900  }
0x5d: {  	[hbm4b:s5+s2] =	stream.indirect_vreg.scatter [tilespmem:s13], [sflag:$0x5], $0x80, v3, vm0, $0xb8;
	[tilespmem:$0x10100] =	vst v63  }
0x5e: {  	s14 =	simm.s32 $0x80;
	s11 =	rddreg [dreg:$0x4]  }
0x5f: {  	[tilespmem:s14], [sflag:$0x2] =	stream.linear.gather [hbm4b:s11+s2], $0x40, $0x38;
	[tilespmem:$0x10100] =	vst v63  }
0x60: {  	s23 =	rddreg [dreg:$0x5]  }
0x61: {  	[tilespmem:s26], [sflag:$0x4] =	stream.linear.gather [hbm4b:s23+s2], $0x8000, $0x38;
	[tilespmem:$0x10100] =	vst v63  }
0x62: {  	_ =	swait.ge [sflag:s28], $0x40  }
0x63: {  	[sflag:s28] =	ssyncset.done $0x0  }
0x64: {  	[sflag:s28] =	ssyncadd.s32 $0xFFFFFFC0  }
0x65: {  	_ =	swait.ge [sflag:s29], $0x8000  }
0x66: {  	[sflag:s29] =	ssyncset.done $0x0  }
0x67: {  	[sflag:s29] =	ssyncadd.s32 $0xFFFF8000  }
0x68: {  	v3 =	vld [tilespmem:$0x80];
	_ =	sdelay $0x4  }
0x69: {  	v36 =	vshll.u32 v3, $0x2  }
0x6a: {  	v3 =	vand.u32 $0x7, v3;
	v4 =	vand.u32 $0xFFFFFFE0, v36  }
0x6b: {  	v3 =	vor.u32 v3, v4  }
0x6c: {  	v4 =	vperm.xlane v3, v0;
	_ =	sdelay $0x1  }
0x6d: {  	v4 =	vadd.s32 v1, v4;
	_ =	sdelay $0x1  }
0x6e: {  	v3 =	vperm.xlane v3, v2;
	_ =	sdelay $0x1  }
0x6f: {  	v3 =	vadd.s32 v1, v3  }
0x70: {  	[hbm4b:s4+s2] =	stream.indirect_vreg.scatter [tilespmem:s26], [sflag:$0x6], $0x80, v4, vm0, $0xb8;
	[tilespmem:$0x10100] =	vst v63  }
0x71: {  	s16 =	simm.s32 $0x8900  }
0x72: {  	[hbm4b:s5+s2] =	stream.indirect_vreg.scatter [tilespmem:s16], [sflag:$0x6], $0x80, v4, vm0, $0xb8;
	[tilespmem:$0x10100] =	vst v63  }
0x73: {  	s17 =	simm.s32 $0x9100  }
0x74: {  	[hbm4b:s4+s2] =	stream.indirect_vreg.scatter [tilespmem:s17], [sflag:$0x6], $0x80, v3, vm0, $0xb8;
	[tilespmem:$0x10100] =	vst v63  }
0x75: {  	s18 =	simm.s32 $0x9900  }
0x76: {  	[hbm4b:s5+s2] =	stream.indirect_vreg.scatter [tilespmem:s18], [sflag:$0x6], $0x80, v3, vm0, $0xb8;
	[tilespmem:$0x10100] =	vst v63  }
0x77: {  	v3 =	vld [tilespmem:$0x90];
	_ =	sdelay $0x4  }
0x78: {  	v37 =	vshll.u32 v3, $0x2  }
0x79: {  	v3 =	vand.u32 $0x7, v3;
	v4 =	vand.u32 $0xFFFFFFE0, v37  }
0x7a: {  	v3 =	vor.u32 v3, v4  }
0x7b: {  	v4 =	vperm.xlane v3, v0;
	_ =	sdelay $0x1  }
0x7c: {  	v4 =	vadd.s32 v1, v4;
	_ =	sdelay $0x1  }
0x7d: {  	v3 =	vperm.xlane v3, v2;
	_ =	sdelay $0x1  }
0x7e: {  	s23 =	simm.s32 $0xA100;
	v3 =	vadd.s32 v1, v3  }
0x7f: {  	[hbm4b:s4+s2] =	stream.indirect_vreg.scatter [tilespmem:s23], [sflag:$0x6], $0x80, v4, vm0, $0xb8;
	[tilespmem:$0x10100] =	vst v63  }
0x80: {  	s24 =	simm.s32 $0xA900  }
0x81: {  	[hbm4b:s5+s2] =	stream.indirect_vreg.scatter [tilespmem:s24], [sflag:$0x6], $0x80, v4, vm0, $0xb8;
	[tilespmem:$0x10100] =	vst v63  }
0x82: {  	s30 =	simm.s32 $0xB100  }
0x83: {  	[hbm4b:s4+s2] =	stream.indirect_vreg.scatter [tilespmem:s30], [sflag:$0x6], $0x80, v3, vm0, $0xb8;
	[tilespmem:$0x10100] =	vst v63  }
0x84: {  	s31 =	simm.s32 $0xB900  }
0x85: {  	[hbm4b:s5+s2] =	stream.indirect_vreg.scatter [tilespmem:s31], [sflag:$0x6], $0x80, v3, vm0, $0xb8;
	[tilespmem:$0x10100] =	vst v63  }
0x86: {  	v3 =	vld [tilespmem:$0xA0];
	_ =	sdelay $0x4  }
0x87: {  	v38 =	vshll.u32 v3, $0x2  }
0x88: {  	v3 =	vand.u32 $0x7, v3;
	v4 =	vand.u32 $0xFFFFFFE0, v38  }
0x89: {  	v3 =	vor.u32 v3, v4  }
0x8a: {  	v4 =	vperm.xlane v3, v0;
	_ =	sdelay $0x1  }
0x8b: {  	v4 =	vadd.s32 v1, v4;
	_ =	sdelay $0x1  }
0x8c: {  	v3 =	vperm.xlane v3, v2;
	_ =	sdelay $0x1  }
0x8d: {  	s0 =	simm.s32 $0xC100;
	v3 =	vadd.s32 v1, v3  }
0x8e: {  	[hbm4b:s4+s2] =	stream.indirect_vreg.scatter [tilespmem:s0], [sflag:$0x6], $0x80, v4, vm0, $0xb8;
	[tilespmem:$0x10100] =	vst v63  }
0x8f: {  	s1 =	simm.s32 $0xC900  }
0x90: {  	[hbm4b:s5+s2] =	stream.indirect_vreg.scatter [tilespmem:s1], [sflag:$0x6], $0x80, v4, vm0, $0xb8;
	[tilespmem:$0x10100] =	vst v63  }
0x91: {  	s3 =	simm.s32 $0xD100  }
0x92: {  	[hbm4b:s4+s2] =	stream.indirect_vreg.scatter [tilespmem:s3], [sflag:$0x6], $0x80, v3, vm0, $0xb8;
	[tilespmem:$0x10100] =	vst v63  }
0x93: {  	s10 =	simm.s32 $0xD900  }
0x94: {  	[hbm4b:s5+s2] =	stream.indirect_vreg.scatter [tilespmem:s10], [sflag:$0x6], $0x80, v3, vm0, $0xb8;
	[tilespmem:$0x10100] =	vst v63  }
0x95: {  	v3 =	vld [tilespmem:$0xB0];
	_ =	sdelay $0x4  }
0x96: {  	v39 =	vshll.u32 v3, $0x2  }
0x97: {  	v3 =	vand.u32 $0x7, v3;
	v4 =	vand.u32 $0xFFFFFFE0, v39  }
0x98: {  	v3 =	vor.u32 v3, v4  }
0x99: {  	v4 =	vperm.xlane v3, v0;
	_ =	sdelay $0x1  }
0x9a: {  	v4 =	vadd.s32 v1, v4;
	_ =	sdelay $0x1  }
0x9b: {  	v3 =	vperm.xlane v3, v2;
	_ =	sdelay $0x1  }
0x9c: {  	s11 =	simm.s32 $0xE100;
	v3 =	vadd.s32 v1, v3  }
0x9d: {  	[hbm4b:s4+s2] =	stream.indirect_vreg.scatter [tilespmem:s11], [sflag:$0x6], $0x80, v4, vm0, $0xb8;
	[tilespmem:$0x10100] =	vst v63  }
0x9e: {  	s13 =	simm.s32 $0xE900  }
0x9f: {  	[hbm4b:s5+s2] =	stream.indirect_vreg.scatter [tilespmem:s13], [sflag:$0x6], $0x80, v4, vm0, $0xb8;
	[tilespmem:$0x10100] =	vst v63  }
0xa0: {  	s14 =	simm.s32 $0xF100  }
0xa1: {  	[hbm4b:s4+s2] =	stream.indirect_vreg.scatter [tilespmem:s14], [sflag:$0x6], $0x80, v3, vm0, $0xb8;
	[tilespmem:$0x10100] =	vst v63  }
0xa2: {  	s16 =	simm.s32 $0xF900  }
0xa3: {  	[hbm4b:s5+s2] =	stream.indirect_vreg.scatter [tilespmem:s16], [sflag:$0x6], $0x80, v3, vm0, $0xb8;
	[tilespmem:$0x10100] =	vst v63  }
0xa4: {  	_ =	swait.ge [sflag:s20], $0x8000  }
0xa5: {  	[sflag:s20] =	ssyncset.done $0x0  }
0xa6: {  	s17 =	rddreg [dreg:$0x6];
	[sflag:s20] =	ssyncadd.s32 $0xFFFF8000  }
0xa7: {  	[tilespmem:s2], [sflag:$0x1] =	stream.linear.gather [hbm4b:s17+s2], $0x40, $0x38;
	[tilespmem:$0x10100] =	vst v63  }
0xa8: {  	s18 =	rddreg [dreg:$0x7]  }
0xa9: {  	[tilespmem:s19], [sflag:$0x3] =	stream.linear.gather [hbm4b:s18+s2], $0x8000, $0x38;
	[tilespmem:$0x10100] =	vst v63  }
0xaa: {  	_ =	swait.ge [sflag:s8], $0x40  }
0xab: {  	[sflag:s8] =	ssyncset.done $0x0  }
0xac: {  	[sflag:s8] =	ssyncadd.s32 $0xFFFFFFC0  }
0xad: {  	_ =	swait.ge [sflag:s9], $0x8000  }
0xae: {  	[sflag:s9] =	ssyncset.done $0x0  }
0xaf: {  	[sflag:s9] =	ssyncadd.s32 $0xFFFF8000  }
0xb0: {  	v3 =	vld [tilespmem:$0x0];
	_ =	sdelay $0x4  }
0xb1: {  	v40 =	vshll.u32 v3, $0x2  }
0xb2: {  	v3 =	vand.u32 $0x7, v3;
	v4 =	vand.u32 $0xFFFFFFE0, v40  }
0xb3: {  	v3 =	vor.u32 v3, v4  }
0xb4: {  	v4 =	vperm.xlane v3, v0;
	_ =	sdelay $0x1  }
0xb5: {  	v4 =	vadd.s32 v1, v4;
	_ =	sdelay $0x1  }
0xb6: {  	v3 =	vperm.xlane v3, v2;
	_ =	sdelay $0x1  }
0xb7: {  	v3 =	vadd.s32 v1, v3  }
0xb8: {  	[hbm4b:s4+s2] =	stream.indirect_vreg.scatter [tilespmem:s19], [sflag:$0x5], $0x80, v4, vm0, $0xb8;
	[tilespmem:$0x10100] =	vst v63  }
0xb9: {  	s1 =	simm.s32 $0x900  }
0xba: {  	[hbm4b:s5+s2] =	stream.indirect_vreg.scatter [tilespmem:s1], [sflag:$0x5], $0x80, v4, vm0, $0xb8;
	[tilespmem:$0x10100] =	vst v63  }
0xbb: {  	s3 =	simm.s32 $0x1100  }
0xbc: {  	[hbm4b:s4+s2] =	stream.indirect_vreg.scatter [tilespmem:s3], [sflag:$0x5], $0x80, v3, vm0, $0xb8;
	[tilespmem:$0x10100] =	vst v63  }
0xbd: {  	s7 =	simm.s32 $0x1900  }
0xbe: {  	[hbm4b:s5+s2] =	stream.indirect_vreg.scatter [tilespmem:s7], [sflag:$0x5], $0x80, v3, vm0, $0xb8;
	[tilespmem:$0x10100] =	vst v63  }
0xbf: {  	v3 =	vld [tilespmem:$0x10];
	_ =	sdelay $0x4  }
0xc0: {  	v41 =	vshll.u32 v3, $0x2  }
0xc1: {  	v3 =	vand.u32 $0x7, v3;
	v4 =	vand.u32 $0xFFFFFFE0, v41  }
0xc2: {  	v3 =	vor.u32 v3, v4  }
0xc3: {  	v4 =	vperm.xlane v3, v0;
	_ =	sdelay $0x1  }
0xc4: {  	v4 =	vadd.s32 v1, v4;
	_ =	sdelay $0x1  }
0xc5: {  	v3 =	vperm.xlane v3, v2;
	_ =	sdelay $0x1  }
0xc6: {  	s7 =	simm.s32 $0x2100;
	v3 =	vadd.s32 v1, v3  }
0xc7: {  	[hbm4b:s4+s2] =	stream.indirect_vreg.scatter [tilespmem:s7], [sflag:$0x5], $0x80, v4, vm0, $0xb8;
	[tilespmem:$0x10100] =	vst v63  }
0xc8: {  	s10 =	simm.s32 $0x2900  }
0xc9: {  	[hbm4b:s5+s2] =	stream.indirect_vreg.scatter [tilespmem:s10], [sflag:$0x5], $0x80, v4, vm0, $0xb8;
	[tilespmem:$0x10100] =	vst v63  }
0xca: {  	s11 =	simm.s32 $0x3100  }
0xcb: {  	[hbm4b:s4+s2] =	stream.indirect_vreg.scatter [tilespmem:s11], [sflag:$0x5], $0x80, v3, vm0, $0xb8;
	[tilespmem:$0x10100] =	vst v63  }
0xcc: {  	s12 =	simm.s32 $0x3900  }
0xcd: {  	[hbm4b:s5+s2] =	stream.indirect_vreg.scatter [tilespmem:s12], [sflag:$0x5], $0x80, v3, vm0, $0xb8;
	[tilespmem:$0x10100] =	vst v63  }
0xce: {  	v3 =	vld [tilespmem:$0x20];
	_ =	sdelay $0x4  }
0xcf: {  	v42 =	vshll.u32 v3, $0x2  }
0xd0: {  	v3 =	vand.u32 $0x7, v3;
	v4 =	vand.u32 $0xFFFFFFE0, v42  }
0xd1: {  	v3 =	vor.u32 v3, v4  }
0xd2: {  	v4 =	vperm.xlane v3, v0;
	_ =	sdelay $0x1  }
0xd3: {  	v4 =	vadd.s32 v1, v4;
	_ =	sdelay $0x1  }
0xd4: {  	v3 =	vperm.xlane v3, v2;
	_ =	sdelay $0x1  }
0xd5: {  	s12 =	simm.s32 $0x4100;
	v3 =	vadd.s32 v1, v3  }
0xd6: {  	[hbm4b:s4+s2] =	stream.indirect_vreg.scatter [tilespmem:s12], [sflag:$0x5], $0x80, v4, vm0, $0xb8;
	[tilespmem:$0x10100] =	vst v63  }
0xd7: {  	s13 =	simm.s32 $0x4900  }
0xd8: {  	[hbm4b:s5+s2] =	stream.indirect_vreg.scatter [tilespmem:s13], [sflag:$0x5], $0x80, v4, vm0, $0xb8;
	[tilespmem:$0x10100] =	vst v63  }
0xd9: {  	s14 =	simm.s32 $0x5100  }
0xda: {  	[hbm4b:s4+s2] =	stream.indirect_vreg.scatter [tilespmem:s14], [sflag:$0x5], $0x80, v3, vm0, $0xb8;
	[tilespmem:$0x10100] =	vst v63  }
0xdb: {  	s15 =	simm.s32 $0x5900  }
0xdc: {  	[hbm4b:s5+s2] =	stream.indirect_vreg.scatter [tilespmem:s15], [sflag:$0x5], $0x80, v3, vm0, $0xb8;
	[tilespmem:$0x10100] =	vst v63  }
0xdd: {  	v3 =	vld [tilespmem:$0x30];
	_ =	sdelay $0x4  }
0xde: {  	v43 =	vshll.u32 v3, $0x2  }
0xdf: {  	v3 =	vand.u32 $0x7, v3;
	v4 =	vand.u32 $0xFFFFFFE0, v43  }
0xe0: {  	v3 =	vor.u32 v3, v4  }
0xe1: {  	v4 =	vperm.xlane v3, v0;
	_ =	sdelay $0x1  }
0xe2: {  	v4 =	vadd.s32 v1, v4;
	_ =	sdelay $0x1  }
0xe3: {  	v3 =	vperm.xlane v3, v2;
	_ =	sdelay $0x1  }
0xe4: {  	s15 =	simm.s32 $0x6100;
	v3 =	vadd.s32 v1, v3  }
0xe5: {  	[hbm4b:s4+s2] =	stream.indirect_vreg.scatter [tilespmem:s15], [sflag:$0x5], $0x80, v4, vm0, $0xb8;
	[tilespmem:$0x10100] =	vst v63  }
0xe6: {  	s16 =	simm.s32 $0x6900  }
0xe7: {  	[hbm4b:s5+s2] =	stream.indirect_vreg.scatter [tilespmem:s16], [sflag:$0x5], $0x80, v4, vm0, $0xb8;
	[tilespmem:$0x10100] =	vst v63  }
0xe8: {  	s17 =	simm.s32 $0x7100  }
0xe9: {  	[hbm4b:s4+s2] =	stream.indirect_vreg.scatter [tilespmem:s17], [sflag:$0x5], $0x80, v3, vm0, $0xb8;
	[tilespmem:$0x10100] =	vst v63  }
0xea: {  	s18 =	simm.s32 $0x7900  }
0xeb: {  	[hbm4b:s5+s2] =	stream.indirect_vreg.scatter [tilespmem:s18], [sflag:$0x5], $0x80, v3, vm0, $0xb8;
	[tilespmem:$0x10100] =	vst v63  }
0xec: {  	_ =	swait.ge [sflag:s21], $0x8000  }
0xed: {  	[sflag:s21] =	ssyncset.done $0x0  }
0xee: {  	s0 =	simm.s32 $0x80;
	s22 =	rddreg [dreg:$0x8];
	[sflag:s21] =	ssyncadd.s32 $0xFFFF8000  }
0xef: {  	[tilespmem:s0], [sflag:$0x2] =	stream.linear.gather [hbm4b:s22+s2], $0x40, $0x38;
	[tilespmem:$0x10100] =	vst v63  }
0xf0: {  	s23 =	rddreg [dreg:$0x9]  }
0xf1: {  	[tilespmem:s26], [sflag:$0x4] =	stream.linear.gather [hbm4b:s23+s2], $0x8000, $0x38;
	[tilespmem:$0x10100] =	vst v63  }
0xf2: {  	_ =	swait.ge [sflag:s28], $0x40  }
0xf3: {  	[sflag:s28] =	ssyncset.done $0x0  }
0xf4: {  	[sflag:s28] =	ssyncadd.s32 $0xFFFFFFC0  }
0xf5: {  	_ =	swait.ge [sflag:s29], $0x8000  }
0xf6: {  	[sflag:s29] =	ssyncset.done $0x0  }
0xf7: {  	[sflag:s29] =	ssyncadd.s32 $0xFFFF8000  }
0xf8: {  	v3 =	vld [tilespmem:$0x80];
	_ =	sdelay $0x4  }
0xf9: {  	v44 =	vshll.u32 v3, $0x2  }
0xfa: {  	v3 =	vand.u32 $0x7, v3;
	v4 =	vand.u32 $0xFFFFFFE0, v44  }
0xfb: {  	v3 =	vor.u32 v3, v4  }
0xfc: {  	v4 =	vperm.xlane v3, v0;
	_ =	sdelay $0x1  }
0xfd: {  	v4 =	vadd.s32 v1, v4;
	_ =	sdelay $0x1  }
0xfe: {  	v3 =	vperm.xlane v3, v2;
	_ =	sdelay $0x1  }
0xff: {  	v3 =	vadd.s32 v1, v3  }
0x100: {  	[hbm4b:s4+s2] =	stream.indirect_vreg.scatter [tilespmem:s26], [sflag:$0x6], $0x80, v4, vm0, $0xb8;
	[tilespmem:$0x10100] =	vst v63  }
0x101: {  	s23 =	simm.s32 $0x8900  }
0x102: {  	[hbm4b:s5+s2] =	stream.indirect_vreg.scatter [tilespmem:s23], [sflag:$0x6], $0x80, v4, vm0, $0xb8;
	[tilespmem:$0x10100] =	vst v63  }
0x103: {  	s23 =	simm.s32 $0x9100  }
0x104: {  	[hbm4b:s4+s2] =	stream.indirect_vreg.scatter [tilespmem:s23], [sflag:$0x6], $0x80, v3, vm0, $0xb8;
	[tilespmem:$0x10100] =	vst v63  }
0x105: {  	s25 =	simm.s32 $0x9900  }
0x106: {  	[hbm4b:s5+s2] =	stream.indirect_vreg.scatter [tilespmem:s25], [sflag:$0x6], $0x80, v3, vm0, $0xb8;
	[tilespmem:$0x10100] =	vst v63  }
0x107: {  	v3 =	vld [tilespmem:$0x90];
	_ =	sdelay $0x4  }
0x108: {  	v45 =	vshll.u32 v3, $0x2  }
0x109: {  	v3 =	vand.u32 $0x7, v3;
	v4 =	vand.u32 $0xFFFFFFE0, v45  }
0x10a: {  	v3 =	vor.u32 v3, v4  }
0x10b: {  	v4 =	vperm.xlane v3, v0;
	_ =	sdelay $0x1  }
0x10c: {  	v4 =	vadd.s32 v1, v4;
	_ =	sdelay $0x1  }
0x10d: {  	v3 =	vperm.xlane v3, v2;
	_ =	sdelay $0x1  }
0x10e: {  	s25 =	simm.s32 $0xA100;
	v3 =	vadd.s32 v1, v3  }
0x10f: {  	[hbm4b:s4+s2] =	stream.indirect_vreg.scatter [tilespmem:s25], [sflag:$0x6], $0x80, v4, vm0, $0xb8;
	[tilespmem:$0x10100] =	vst v63  }
0x110: {  	s23 =	simm.s32 $0xA900  }
0x111: {  	[hbm4b:s5+s2] =	stream.indirect_vreg.scatter [tilespmem:s23], [sflag:$0x6], $0x80, v4, vm0, $0xb8;
	[tilespmem:$0x10100] =	vst v63  }
0x112: {  	s23 =	simm.s32 $0xB100  }
0x113: {  	[hbm4b:s4+s2] =	stream.indirect_vreg.scatter [tilespmem:s23], [sflag:$0x6], $0x80, v3, vm0, $0xb8;
	[tilespmem:$0x10100] =	vst v63  }
0x114: {  	s30 =	simm.s32 $0xB900  }
0x115: {  	[hbm4b:s5+s2] =	stream.indirect_vreg.scatter [tilespmem:s30], [sflag:$0x6], $0x80, v3, vm0, $0xb8;
	[tilespmem:$0x10100] =	vst v63  }
0x116: {  	v3 =	vld [tilespmem:$0xA0];
	_ =	sdelay $0x4  }
0x117: {  	v46 =	vshll.u32 v3, $0x2  }
0x118: {  	v3 =	vand.u32 $0x7, v3;
	v4 =	vand.u32 $0xFFFFFFE0, v46  }
0x119: {  	v3 =	vor.u32 v3, v4  }
0x11a: {  	v4 =	vperm.xlane v3, v0;
	_ =	sdelay $0x1  }
0x11b: {  	v4 =	vadd.s32 v1, v4;
	_ =	sdelay $0x1  }
0x11c: {  	v3 =	vperm.xlane v3, v2;
	_ =	sdelay $0x1  }
0x11d: {  	s23 =	simm.s32 $0xC100;
	v3 =	vadd.s32 v1, v3  }
0x11e: {  	[hbm4b:s4+s2] =	stream.indirect_vreg.scatter [tilespmem:s23], [sflag:$0x6], $0x80, v4, vm0, $0xb8;
	[tilespmem:$0x10100] =	vst v63  }
0x11f: {  	s30 =	simm.s32 $0xC900  }
0x120: {  	[hbm4b:s5+s2] =	stream.indirect_vreg.scatter [tilespmem:s30], [sflag:$0x6], $0x80, v4, vm0, $0xb8;
	[tilespmem:$0x10100] =	vst v63  }
0x121: {  	s23 =	simm.s32 $0xD100  }
0x122: {  	[hbm4b:s4+s2] =	stream.indirect_vreg.scatter [tilespmem:s23], [sflag:$0x6], $0x80, v3, vm0, $0xb8;
	[tilespmem:$0x10100] =	vst v63  }
0x123: {  	s31 =	simm.s32 $0xD900  }
0x124: {  	[hbm4b:s5+s2] =	stream.indirect_vreg.scatter [tilespmem:s31], [sflag:$0x6], $0x80, v3, vm0, $0xb8;
	[tilespmem:$0x10100] =	vst v63  }
0x125: {  	v3 =	vld [tilespmem:$0xB0];
	_ =	sdelay $0x4  }
0x126: {  	v47 =	vshll.u32 v3, $0x2  }
0x127: {  	v3 =	vand.u32 $0x7, v3;
	v4 =	vand.u32 $0xFFFFFFE0, v47  }
0x128: {  	v3 =	vor.u32 v3, v4  }
0x129: {  	v4 =	vperm.xlane v3, v0;
	_ =	sdelay $0x1  }
0x12a: {  	v4 =	vadd.s32 v1, v4;
	_ =	sdelay $0x1  }
0x12b: {  	v3 =	vperm.xlane v3, v2;
	_ =	sdelay $0x1  }
0x12c: {  	s30 =	simm.s32 $0xE100;
	v3 =	vadd.s32 v1, v3  }
0x12d: {  	[hbm4b:s4+s2] =	stream.indirect_vreg.scatter [tilespmem:s30], [sflag:$0x6], $0x80, v4, vm0, $0xb8;
	[tilespmem:$0x10100] =	vst v63  }
0x12e: {  	s31 =	simm.s32 $0xE900  }
0x12f: {  	[hbm4b:s5+s2] =	stream.indirect_vreg.scatter [tilespmem:s31], [sflag:$0x6], $0x80, v4, vm0, $0xb8;
	[tilespmem:$0x10100] =	vst v63  }
0x130: {  	s23 =	simm.s32 $0xF100  }
0x131: {  	[hbm4b:s4+s2] =	stream.indirect_vreg.scatter [tilespmem:s23], [sflag:$0x6], $0x80, v3, vm0, $0xb8;
	[tilespmem:$0x10100] =	vst v63  }
0x132: {  	s24 =	simm.s32 $0xF900  }
0x133: {  	[hbm4b:s5+s2] =	stream.indirect_vreg.scatter [tilespmem:s24], [sflag:$0x6], $0x80, v3, vm0, $0xb8;
	[tilespmem:$0x10100] =	vst v63  }
0x134: {  	_ =	swait.ge [sflag:s20], $0x8000  }
0x135: {  	[sflag:s20] =	ssyncset.done $0x0  }
0x136: {  	s30 =	rddreg [dreg:$0xa];
	[sflag:s20] =	ssyncadd.s32 $0xFFFF8000  }
0x137: {  	[tilespmem:s2], [sflag:$0x1] =	stream.linear.gather [hbm4b:s30+s2], $0x40, $0x38;
	[tilespmem:$0x10100] =	vst v63  }
0x138: {  	s31 =	rddreg [dreg:$0xb]  }
0x139: {  	[tilespmem:s19], [sflag:$0x3] =	stream.linear.gather [hbm4b:s31+s2], $0x8000, $0x38;
	[tilespmem:$0x10100] =	vst v63  }
0x13a: {  	_ =	swait.ge [sflag:s8], $0x40  }
0x13b: {  	[sflag:s8] =	ssyncset.done $0x0  }
0x13c: {  	[sflag:s8] =	ssyncadd.s32 $0xFFFFFFC0  }
0x13d: {  	_ =	swait.ge [sflag:s9], $0x8000  }
0x13e: {  	[sflag:s9] =	ssyncset.done $0x0  }
0x13f: {  	[sflag:s9] =	ssyncadd.s32 $0xFFFF8000  }
0x140: {  	v3 =	vld [tilespmem:$0x0];
	_ =	sdelay $0x4  }
0x141: {  	v48 =	vshll.u32 v3, $0x2  }
0x142: {  	v3 =	vand.u32 $0x7, v3;
	v4 =	vand.u32 $0xFFFFFFE0, v48  }
0x143: {  	v3 =	vor.u32 v3, v4  }
0x144: {  	v4 =	vperm.xlane v3, v0;
	_ =	sdelay $0x1  }
0x145: {  	v4 =	vadd.s32 v1, v4;
	_ =	sdelay $0x1  }
0x146: {  	v3 =	vperm.xlane v3, v2;
	_ =	sdelay $0x1  }
0x147: {  	v3 =	vadd.s32 v1, v3  }
0x148: {  	[hbm4b:s4+s2] =	stream.indirect_vreg.scatter [tilespmem:s19], [sflag:$0x5], $0x80, v4, vm0, $0xb8;
	[tilespmem:$0x10100] =	vst v63  }
0x149: {  	_ = 	snop  }
0x14a: {  	[hbm4b:s5+s2] =	stream.indirect_vreg.scatter [tilespmem:s1], [sflag:$0x5], $0x80, v4, vm0, $0xb8;
	[tilespmem:$0x10100] =	vst v63  }
0x14b: {  	_ = 	snop  }
0x14c: {  	[hbm4b:s4+s2] =	stream.indirect_vreg.scatter [tilespmem:s3], [sflag:$0x5], $0x80, v3, vm0, $0xb8;
	[tilespmem:$0x10100] =	vst v63  }
0x14d: {  	s24 =	simm.s32 $0x1900  }
0x14e: {  	[hbm4b:s5+s2] =	stream.indirect_vreg.scatter [tilespmem:s24], [sflag:$0x5], $0x80, v3, vm0, $0xb8;
	[tilespmem:$0x10100] =	vst v63  }
0x14f: {  	v3 =	vld [tilespmem:$0x10];
	_ =	sdelay $0x4  }
0x150: {  	v49 =	vshll.u32 v3, $0x2  }
0x151: {  	v3 =	vand.u32 $0x7, v3;
	v4 =	vand.u32 $0xFFFFFFE0, v49  }
0x152: {  	v3 =	vor.u32 v3, v4  }
0x153: {  	v4 =	vperm.xlane v3, v0;
	_ =	sdelay $0x1  }
0x154: {  	v4 =	vadd.s32 v1, v4;
	_ =	sdelay $0x1  }
0x155: {  	v3 =	vperm.xlane v3, v2;
	_ =	sdelay $0x1  }
0x156: {  	v3 =	vadd.s32 v1, v3  }
0x157: {  	[hbm4b:s4+s2] =	stream.indirect_vreg.scatter [tilespmem:s7], [sflag:$0x5], $0x80, v4, vm0, $0xb8;
	[tilespmem:$0x10100] =	vst v63  }
0x158: {  	_ = 	snop  }
0x159: {  	[hbm4b:s5+s2] =	stream.indirect_vreg.scatter [tilespmem:s10], [sflag:$0x5], $0x80, v4, vm0, $0xb8;
	[tilespmem:$0x10100] =	vst v63  }
0x15a: {  	_ = 	snop  }
0x15b: {  	[hbm4b:s4+s2] =	stream.indirect_vreg.scatter [tilespmem:s11], [sflag:$0x5], $0x80, v3, vm0, $0xb8;
	[tilespmem:$0x10100] =	vst v63  }
0x15c: {  	s30 =	simm.s32 $0x3900  }
0x15d: {  	[hbm4b:s5+s2] =	stream.indirect_vreg.scatter [tilespmem:s30], [sflag:$0x5], $0x80, v3, vm0, $0xb8;
	[tilespmem:$0x10100] =	vst v63  }
0x15e: {  	v3 =	vld [tilespmem:$0x20];
	_ =	sdelay $0x4  }
0x15f: {  	v50 =	vshll.u32 v3, $0x2  }
0x160: {  	v3 =	vand.u32 $0x7, v3;
	v4 =	vand.u32 $0xFFFFFFE0, v50  }
0x161: {  	v3 =	vor.u32 v3, v4  }
0x162: {  	v4 =	vperm.xlane v3, v0;
	_ =	sdelay $0x1  }
0x163: {  	v4 =	vadd.s32 v1, v4;
	_ =	sdelay $0x1  }
0x164: {  	v3 =	vperm.xlane v3, v2;
	_ =	sdelay $0x1  }
0x165: {  	v3 =	vadd.s32 v1, v3  }
0x166: {  	[hbm4b:s4+s2] =	stream.indirect_vreg.scatter [tilespmem:s12], [sflag:$0x5], $0x80, v4, vm0, $0xb8;
	[tilespmem:$0x10100] =	vst v63  }
0x167: {  	_ = 	snop  }
0x168: {  	[hbm4b:s5+s2] =	stream.indirect_vreg.scatter [tilespmem:s13], [sflag:$0x5], $0x80, v4, vm0, $0xb8;
	[tilespmem:$0x10100] =	vst v63  }
0x169: {  	_ = 	snop  }
0x16a: {  	[hbm4b:s4+s2] =	stream.indirect_vreg.scatter [tilespmem:s14], [sflag:$0x5], $0x80, v3, vm0, $0xb8;
	[tilespmem:$0x10100] =	vst v63  }
0x16b: {  	s31 =	simm.s32 $0x5900  }
0x16c: {  	[hbm4b:s5+s2] =	stream.indirect_vreg.scatter [tilespmem:s31], [sflag:$0x5], $0x80, v3, vm0, $0xb8;
	[tilespmem:$0x10100] =	vst v63  }
0x16d: {  	v3 =	vld [tilespmem:$0x30];
	_ =	sdelay $0x4  }
0x16e: {  	v51 =	vshll.u32 v3, $0x2  }
0x16f: {  	v3 =	vand.u32 $0x7, v3;
	v4 =	vand.u32 $0xFFFFFFE0, v51  }
0x170: {  	v3 =	vor.u32 v3, v4  }
0x171: {  	v4 =	vperm.xlane v3, v0;
	_ =	sdelay $0x1  }
0x172: {  	v4 =	vadd.s32 v1, v4;
	_ =	sdelay $0x1  }
0x173: {  	v3 =	vperm.xlane v3, v2;
	_ =	sdelay $0x1  }
0x174: {  	v3 =	vadd.s32 v1, v3  }
0x175: {  	[hbm4b:s4+s2] =	stream.indirect_vreg.scatter [tilespmem:s15], [sflag:$0x5], $0x80, v4, vm0, $0xb8;
	[tilespmem:$0x10100] =	vst v63  }
0x176: {  	_ = 	snop  }
0x177: {  	[hbm4b:s5+s2] =	stream.indirect_vreg.scatter [tilespmem:s16], [sflag:$0x5], $0x80, v4, vm0, $0xb8;
	[tilespmem:$0x10100] =	vst v63  }
0x178: {  	_ = 	snop  }
0x179: {  	[hbm4b:s4+s2] =	stream.indirect_vreg.scatter [tilespmem:s17], [sflag:$0x5], $0x80, v3, vm0, $0xb8;
	[tilespmem:$0x10100] =	vst v63  }
0x17a: {  	_ = 	snop  }
0x17b: {  	[hbm4b:s5+s2] =	stream.indirect_vreg.scatter [tilespmem:s18], [sflag:$0x5], $0x80, v3, vm0, $0xb8;
	[tilespmem:$0x10100] =	vst v63  }
0x17c: {  	_ =	swait.ge [sflag:s21], $0x8000  }
0x17d: {  	[sflag:s21] =	ssyncset.done $0x0  }
0x17e: {  	s23 =	rddreg [dreg:$0xc];
	[sflag:s21] =	ssyncadd.s32 $0xFFFF8000  }
0x17f: {  	[tilespmem:s0], [sflag:$0x2] =	stream.linear.gather [hbm4b:s23+s2], $0x40, $0x38;
	[tilespmem:$0x10100] =	vst v63  }
0x180: {  	s24 =	rddreg [dreg:$0xd]  }
0x181: {  	[tilespmem:s26], [sflag:$0x4] =	stream.linear.gather [hbm4b:s24+s2], $0x8000, $0x38;
	[tilespmem:$0x10100] =	vst v63  }
0x182: {  	_ =	swait.ge [sflag:s28], $0x40  }
0x183: {  	[sflag:s28] =	ssyncset.done $0x0  }
0x184: {  	[sflag:s28] =	ssyncadd.s32 $0xFFFFFFC0  }
0x185: {  	_ =	swait.ge [sflag:s29], $0x8000  }
0x186: {  	[sflag:s29] =	ssyncset.done $0x0  }
0x187: {  	[sflag:s29] =	ssyncadd.s32 $0xFFFF8000  }
0x188: {  	v3 =	vld [tilespmem:$0x80];
	_ =	sdelay $0x4  }
0x189: {  	v52 =	vshll.u32 v3, $0x2  }
0x18a: {  	v3 =	vand.u32 $0x7, v3;
	v4 =	vand.u32 $0xFFFFFFE0, v52  }
0x18b: {  	v3 =	vor.u32 v3, v4  }
0x18c: {  	v4 =	vperm.xlane v3, v0;
	_ =	sdelay $0x1  }
0x18d: {  	v4 =	vadd.s32 v1, v4;
	_ =	sdelay $0x1  }
0x18e: {  	v3 =	vperm.xlane v3, v2;
	_ =	sdelay $0x1  }
0x18f: {  	v3 =	vadd.s32 v1, v3  }
0x190: {  	[hbm4b:s4+s2] =	stream.indirect_vreg.scatter [tilespmem:s26], [sflag:$0x6], $0x80, v4, vm0, $0xb8;
	[tilespmem:$0x10100] =	vst v63  }
0x191: {  	s30 =	simm.s32 $0x8900  }
0x192: {  	[hbm4b:s5+s2] =	stream.indirect_vreg.scatter [tilespmem:s30], [sflag:$0x6], $0x80, v4, vm0, $0xb8;
	[tilespmem:$0x10100] =	vst v63  }
0x193: {  	s31 =	simm.s32 $0x9100  }
0x194: {  	[hbm4b:s4+s2] =	stream.indirect_vreg.scatter [tilespmem:s31], [sflag:$0x6], $0x80, v3, vm0, $0xb8;
	[tilespmem:$0x10100] =	vst v63  }
0x195: {  	s23 =	simm.s32 $0x9900  }
0x196: {  	[hbm4b:s5+s2] =	stream.indirect_vreg.scatter [tilespmem:s23], [sflag:$0x6], $0x80, v3, vm0, $0xb8;
	[tilespmem:$0x10100] =	vst v63  }
0x197: {  	v3 =	vld [tilespmem:$0x90];
	_ =	sdelay $0x4  }
0x198: {  	v53 =	vshll.u32 v3, $0x2  }
0x199: {  	v3 =	vand.u32 $0x7, v3;
	v4 =	vand.u32 $0xFFFFFFE0, v53  }
0x19a: {  	v3 =	vor.u32 v3, v4  }
0x19b: {  	v4 =	vperm.xlane v3, v0;
	_ =	sdelay $0x1  }
0x19c: {  	v4 =	vadd.s32 v1, v4;
	_ =	sdelay $0x1  }
0x19d: {  	v3 =	vperm.xlane v3, v2;
	_ =	sdelay $0x1  }
0x19e: {  	s25 =	simm.s32 $0xA100;
	v3 =	vadd.s32 v1, v3  }
0x19f: {  	[hbm4b:s4+s2] =	stream.indirect_vreg.scatter [tilespmem:s25], [sflag:$0x6], $0x80, v4, vm0, $0xb8;
	[tilespmem:$0x10100] =	vst v63  }
0x1a0: {  	s30 =	simm.s32 $0xA900  }
0x1a1: {  	[hbm4b:s5+s2] =	stream.indirect_vreg.scatter [tilespmem:s30], [sflag:$0x6], $0x80, v4, vm0, $0xb8;
	[tilespmem:$0x10100] =	vst v63  }
0x1a2: {  	s31 =	simm.s32 $0xB100  }
0x1a3: {  	[hbm4b:s4+s2] =	stream.indirect_vreg.scatter [tilespmem:s31], [sflag:$0x6], $0x80, v3, vm0, $0xb8;
	[tilespmem:$0x10100] =	vst v63  }
0x1a4: {  	s23 =	simm.s32 $0xB900  }
0x1a5: {  	[hbm4b:s5+s2] =	stream.indirect_vreg.scatter [tilespmem:s23], [sflag:$0x6], $0x80, v3, vm0, $0xb8;
	[tilespmem:$0x10100] =	vst v63  }
0x1a6: {  	v3 =	vld [tilespmem:$0xA0];
	_ =	sdelay $0x4  }
0x1a7: {  	v54 =	vshll.u32 v3, $0x2  }
0x1a8: {  	v3 =	vand.u32 $0x7, v3;
	v4 =	vand.u32 $0xFFFFFFE0, v54  }
0x1a9: {  	v3 =	vor.u32 v3, v4  }
0x1aa: {  	v4 =	vperm.xlane v3, v0;
	_ =	sdelay $0x1  }
0x1ab: {  	v4 =	vadd.s32 v1, v4;
	_ =	sdelay $0x1  }
0x1ac: {  	v3 =	vperm.xlane v3, v2;
	_ =	sdelay $0x1  }
0x1ad: {  	s23 =	simm.s32 $0xC100;
	v3 =	vadd.s32 v1, v3  }
0x1ae: {  	[hbm4b:s4+s2] =	stream.indirect_vreg.scatter [tilespmem:s23], [sflag:$0x6], $0x80, v4, vm0, $0xb8;
	[tilespmem:$0x10100] =	vst v63  }
0x1af: {  	s23 =	simm.s32 $0xC900  }
0x1b0: {  	[hbm4b:s5+s2] =	stream.indirect_vreg.scatter [tilespmem:s23], [sflag:$0x6], $0x80, v4, vm0, $0xb8;
	[tilespmem:$0x10100] =	vst v63  }
0x1b1: {  	s23 =	simm.s32 $0xD100  }
0x1b2: {  	[hbm4b:s4+s2] =	stream.indirect_vreg.scatter [tilespmem:s23], [sflag:$0x6], $0x80, v3, vm0, $0xb8;
	[tilespmem:$0x10100] =	vst v63  }
0x1b3: {  	s23 =	simm.s32 $0xD900  }
0x1b4: {  	[hbm4b:s5+s2] =	stream.indirect_vreg.scatter [tilespmem:s23], [sflag:$0x6], $0x80, v3, vm0, $0xb8;
	[tilespmem:$0x10100] =	vst v63  }
0x1b5: {  	v3 =	vld [tilespmem:$0xB0];
	_ =	sdelay $0x4  }
0x1b6: {  	v55 =	vshll.u32 v3, $0x2  }
0x1b7: {  	v3 =	vand.u32 $0x7, v3;
	v4 =	vand.u32 $0xFFFFFFE0, v55  }
0x1b8: {  	v3 =	vor.u32 v3, v4  }
0x1b9: {  	v4 =	vperm.xlane v3, v0;
	_ =	sdelay $0x1  }
0x1ba: {  	v4 =	vadd.s32 v1, v4;
	_ =	sdelay $0x1  }
0x1bb: {  	v3 =	vperm.xlane v3, v2;
	_ =	sdelay $0x1  }
0x1bc: {  	s23 =	simm.s32 $0xE100;
	v3 =	vadd.s32 v1, v3  }
0x1bd: {  	[hbm4b:s4+s2] =	stream.indirect_vreg.scatter [tilespmem:s23], [sflag:$0x6], $0x80, v4, vm0, $0xb8;
	[tilespmem:$0x10100] =	vst v63  }
0x1be: {  	s23 =	simm.s32 $0xE900  }
0x1bf: {  	[hbm4b:s5+s2] =	stream.indirect_vreg.scatter [tilespmem:s23], [sflag:$0x6], $0x80, v4, vm0, $0xb8;
	[tilespmem:$0x10100] =	vst v63  }
0x1c0: {  	s23 =	simm.s32 $0xF100  }
0x1c1: {  	[hbm4b:s4+s2] =	stream.indirect_vreg.scatter [tilespmem:s23], [sflag:$0x6], $0x80, v3, vm0, $0xb8;
	[tilespmem:$0x10100] =	vst v63  }
0x1c2: {  	s23 =	simm.s32 $0xF900  }
0x1c3: {  	[hbm4b:s5+s2] =	stream.indirect_vreg.scatter [tilespmem:s23], [sflag:$0x6], $0x80, v3, vm0, $0xb8;
	[tilespmem:$0x10100] =	vst v63  }
0x1c4: {  	_ =	swait.ge [sflag:s20], $0x8000  }
0x1c5: {  	[sflag:s20] =	ssyncset.done $0x0  }
0x1c6: {  	s22 =	rddreg [dreg:$0xe];
	[sflag:s20] =	ssyncadd.s32 $0xFFFF8000  }
0x1c7: {  	[tilespmem:s2], [sflag:$0x1] =	stream.linear.gather [hbm4b:s22+s2], $0x40, $0x38;
	[tilespmem:$0x10100] =	vst v63  }
0x1c8: {  	s23 =	rddreg [dreg:$0xf]  }
0x1c9: {  	[tilespmem:s19], [sflag:$0x3] =	stream.linear.gather [hbm4b:s23+s2], $0x8000, $0x38;
	[tilespmem:$0x10100] =	vst v63  }
0x1ca: {  	_ =	swait.ge [sflag:s8], $0x40  }
0x1cb: {  	[sflag:s8] =	ssyncset.done $0x0  }
0x1cc: {  	[sflag:s8] =	ssyncadd.s32 $0xFFFFFFC0  }
0x1cd: {  	_ =	swait.ge [sflag:s9], $0x8000  }
0x1ce: {  	[sflag:s9] =	ssyncset.done $0x0  }
0x1cf: {  	[sflag:s9] =	ssyncadd.s32 $0xFFFF8000  }
0x1d0: {  	v3 =	vld [tilespmem:$0x0];
	_ =	sdelay $0x4  }
0x1d1: {  	v56 =	vshll.u32 v3, $0x2  }
0x1d2: {  	v3 =	vand.u32 $0x7, v3;
	v4 =	vand.u32 $0xFFFFFFE0, v56  }
0x1d3: {  	v3 =	vor.u32 v3, v4  }
0x1d4: {  	v4 =	vperm.xlane v3, v0;
	_ =	sdelay $0x1  }
0x1d5: {  	v4 =	vadd.s32 v1, v4;
	_ =	sdelay $0x1  }
0x1d6: {  	v3 =	vperm.xlane v3, v2;
	_ =	sdelay $0x1  }
0x1d7: {  	v3 =	vadd.s32 v1, v3  }
0x1d8: {  	[hbm4b:s4+s2] =	stream.indirect_vreg.scatter [tilespmem:s19], [sflag:$0x5], $0x80, v4, vm0, $0xb8;
	[tilespmem:$0x10100] =	vst v63  }
0x1d9: {  	s1 =	simm.s32 $0x900  }
0x1da: {  	[hbm4b:s5+s2] =	stream.indirect_vreg.scatter [tilespmem:s1], [sflag:$0x5], $0x80, v4, vm0, $0xb8;
	[tilespmem:$0x10100] =	vst v63  }
0x1db: {  	s3 =	simm.s32 $0x1100  }
0x1dc: {  	[hbm4b:s4+s2] =	stream.indirect_vreg.scatter [tilespmem:s3], [sflag:$0x5], $0x80, v3, vm0, $0xb8;
	[tilespmem:$0x10100] =	vst v63  }
0x1dd: {  	s3 =	simm.s32 $0x1900  }
0x1de: {  	[hbm4b:s5+s2] =	stream.indirect_vreg.scatter [tilespmem:s3], [sflag:$0x5], $0x80, v3, vm0, $0xb8;
	[tilespmem:$0x10100] =	vst v63  }
0x1df: {  	v3 =	vld [tilespmem:$0x10];
	_ =	sdelay $0x4  }
0x1e0: {  	v57 =	vshll.u32 v3, $0x2  }
0x1e1: {  	v3 =	vand.u32 $0x7, v3;
	v4 =	vand.u32 $0xFFFFFFE0, v57  }
0x1e2: {  	v3 =	vor.u32 v3, v4  }
0x1e3: {  	v4 =	vperm.xlane v3, v0;
	_ =	sdelay $0x1  }
0x1e4: {  	v4 =	vadd.s32 v1, v4;
	_ =	sdelay $0x1  }
0x1e5: {  	v3 =	vperm.xlane v3, v2;
	_ =	sdelay $0x1  }
0x1e6: {  	s7 =	simm.s32 $0x2100;
	v3 =	vadd.s32 v1, v3  }
0x1e7: {  	[hbm4b:s4+s2] =	stream.indirect_vreg.scatter [tilespmem:s7], [sflag:$0x5], $0x80, v4, vm0, $0xb8;
	[tilespmem:$0x10100] =	vst v63  }
0x1e8: {  	s10 =	simm.s32 $0x2900  }
0x1e9: {  	[hbm4b:s5+s2] =	stream.indirect_vreg.scatter [tilespmem:s10], [sflag:$0x5], $0x80, v4, vm0, $0xb8;
	[tilespmem:$0x10100] =	vst v63  }
0x1ea: {  	s11 =	simm.s32 $0x3100  }
0x1eb: {  	[hbm4b:s4+s2] =	stream.indirect_vreg.scatter [tilespmem:s11], [sflag:$0x5], $0x80, v3, vm0, $0xb8;
	[tilespmem:$0x10100] =	vst v63  }
0x1ec: {  	s10 =	simm.s32 $0x3900  }
0x1ed: {  	[hbm4b:s5+s2] =	stream.indirect_vreg.scatter [tilespmem:s10], [sflag:$0x5], $0x80, v3, vm0, $0xb8;
	[tilespmem:$0x10100] =	vst v63  }
0x1ee: {  	v3 =	vld [tilespmem:$0x20];
	_ =	sdelay $0x4  }
0x1ef: {  	v58 =	vshll.u32 v3, $0x2  }
0x1f0: {  	v3 =	vand.u32 $0x7, v3;
	v4 =	vand.u32 $0xFFFFFFE0, v58  }
0x1f1: {  	v3 =	vor.u32 v3, v4  }
0x1f2: {  	v4 =	vperm.xlane v3, v0;
	_ =	sdelay $0x1  }
0x1f3: {  	v4 =	vadd.s32 v1, v4;
	_ =	sdelay $0x1  }
0x1f4: {  	v3 =	vperm.xlane v3, v2;
	_ =	sdelay $0x1  }
0x1f5: {  	s12 =	simm.s32 $0x4100;
	v3 =	vadd.s32 v1, v3  }
0x1f6: {  	[hbm4b:s4+s2] =	stream.indirect_vreg.scatter [tilespmem:s12], [sflag:$0x5], $0x80, v4, vm0, $0xb8;
	[tilespmem:$0x10100] =	vst v63  }
0x1f7: {  	s13 =	simm.s32 $0x4900  }
0x1f8: {  	[hbm4b:s5+s2] =	stream.indirect_vreg.scatter [tilespmem:s13], [sflag:$0x5], $0x80, v4, vm0, $0xb8;
	[tilespmem:$0x10100] =	vst v63  }
0x1f9: {  	s14 =	simm.s32 $0x5100  }
0x1fa: {  	[hbm4b:s4+s2] =	stream.indirect_vreg.scatter [tilespmem:s14], [sflag:$0x5], $0x80, v3, vm0, $0xb8;
	[tilespmem:$0x10100] =	vst v63  }
0x1fb: {  	s11 =	simm.s32 $0x5900  }
0x1fc: {  	[hbm4b:s5+s2] =	stream.indirect_vreg.scatter [tilespmem:s11], [sflag:$0x5], $0x80, v3, vm0, $0xb8;
	[tilespmem:$0x10100] =	vst v63  }
0x1fd: {  	v3 =	vld [tilespmem:$0x30];
	_ =	sdelay $0x4  }
0x1fe: {  	v59 =	vshll.u32 v3, $0x2  }
0x1ff: {  	v3 =	vand.u32 $0x7, v3;
	v4 =	vand.u32 $0xFFFFFFE0, v59  }
0x200: {  	v3 =	vor.u32 v3, v4  }
0x201: {  	v4 =	vperm.xlane v3, v0;
	_ =	sdelay $0x1  }
0x202: {  	v4 =	vadd.s32 v1, v4;
	_ =	sdelay $0x1  }
0x203: {  	v3 =	vperm.xlane v3, v2;
	_ =	sdelay $0x1  }
0x204: {  	s15 =	simm.s32 $0x6100;
	v3 =	vadd.s32 v1, v3  }
0x205: {  	[hbm4b:s4+s2] =	stream.indirect_vreg.scatter [tilespmem:s15], [sflag:$0x5], $0x80, v4, vm0, $0xb8;
	[tilespmem:$0x10100] =	vst v63  }
0x206: {  	s16 =	simm.s32 $0x6900  }
0x207: {  	[hbm4b:s5+s2] =	stream.indirect_vreg.scatter [tilespmem:s16], [sflag:$0x5], $0x80, v4, vm0, $0xb8;
	[tilespmem:$0x10100] =	vst v63  }
0x208: {  	s17 =	simm.s32 $0x7100  }
0x209: {  	[hbm4b:s4+s2] =	stream.indirect_vreg.scatter [tilespmem:s17], [sflag:$0x5], $0x80, v3, vm0, $0xb8;
	[tilespmem:$0x10100] =	vst v63  }
0x20a: {  	s18 =	simm.s32 $0x7900  }
0x20b: {  	[hbm4b:s5+s2] =	stream.indirect_vreg.scatter [tilespmem:s18], [sflag:$0x5], $0x80, v3, vm0, $0xb8;
	[tilespmem:$0x10100] =	vst v63  }
0x20c: {  	_ =	swait.ge [sflag:s21], $0x8000  }
0x20d: {  	[sflag:s21] =	ssyncset.done $0x0  }
0x20e: {  	s0 =	simm.s32 $0x80;
	s12 =	rddreg [dreg:$0x10];
	[sflag:s21] =	ssyncadd.s32 $0xFFFF8000  }
0x20f: {  	[tilespmem:s0], [sflag:$0x2] =	stream.linear.gather [hbm4b:s12+s2], $0x40, $0x38;
	[tilespmem:$0x10100] =	vst v63  }
0x210: {  	s13 =	rddreg [dreg:$0x11]  }
0x211: {  	[tilespmem:s26], [sflag:$0x4] =	stream.linear.gather [hbm4b:s13+s2], $0x8000, $0x38;
	[tilespmem:$0x10100] =	vst v63  }
0x212: {  	_ =	swait.ge [sflag:s28], $0x40  }
0x213: {  	[sflag:s28] =	ssyncset.done $0x0  }
0x214: {  	[sflag:s28] =	ssyncadd.s32 $0xFFFFFFC0  }
0x215: {  	_ =	swait.ge [sflag:s29], $0x8000  }
0x216: {  	[sflag:s29] =	ssyncset.done $0x0  }
0x217: {  	[sflag:s29] =	ssyncadd.s32 $0xFFFF8000  }
0x218: {  	v3 =	vld [tilespmem:$0x80];
	_ =	sdelay $0x4  }
0x219: {  	v60 =	vshll.u32 v3, $0x2  }
0x21a: {  	v3 =	vand.u32 $0x7, v3;
	v4 =	vand.u32 $0xFFFFFFE0, v60  }
0x21b: {  	v3 =	vor.u32 v3, v4  }
0x21c: {  	v4 =	vperm.xlane v3, v0;
	_ =	sdelay $0x1  }
0x21d: {  	v4 =	vadd.s32 v1, v4;
	_ =	sdelay $0x1  }
0x21e: {  	v3 =	vperm.xlane v3, v2;
	_ =	sdelay $0x1  }
0x21f: {  	v3 =	vadd.s32 v1, v3  }
0x220: {  	[hbm4b:s4+s2] =	stream.indirect_vreg.scatter [tilespmem:s26], [sflag:$0x6], $0x80, v4, vm0, $0xb8;
	[tilespmem:$0x10100] =	vst v63  }
0x221: {  	s14 =	simm.s32 $0x8900  }
0x222: {  	[hbm4b:s5+s2] =	stream.indirect_vreg.scatter [tilespmem:s14], [sflag:$0x6], $0x80, v4, vm0, $0xb8;
	[tilespmem:$0x10100] =	vst v63  }
0x223: {  	s24 =	simm.s32 $0x9100  }
0x224: {  	[hbm4b:s4+s2] =	stream.indirect_vreg.scatter [tilespmem:s24], [sflag:$0x6], $0x80, v3, vm0, $0xb8;
	[tilespmem:$0x10100] =	vst v63  }
0x225: {  	s15 =	simm.s32 $0x9900  }
0x226: {  	[hbm4b:s5+s2] =	stream.indirect_vreg.scatter [tilespmem:s15], [sflag:$0x6], $0x80, v3, vm0, $0xb8;
	[tilespmem:$0x10100] =	vst v63  }
0x227: {  	v3 =	vld [tilespmem:$0x90];
	_ =	sdelay $0x4  }
0x228: {  	v61 =	vshll.u32 v3, $0x2  }
0x229: {  	v3 =	vand.u32 $0x7, v3;
	v4 =	vand.u32 $0xFFFFFFE0, v61  }
0x22a: {  	v3 =	vor.u32 v3, v4  }
0x22b: {  	v4 =	vperm.xlane v3, v0;
	_ =	sdelay $0x1  }
0x22c: {  	v4 =	vadd.s32 v1, v4;
	_ =	sdelay $0x1  }
0x22d: {  	v3 =	vperm.xlane v3, v2;
	_ =	sdelay $0x1  }
0x22e: {  	s25 =	simm.s32 $0xA100;
	v3 =	vadd.s32 v1, v3  }
0x22f: {  	[hbm4b:s4+s2] =	stream.indirect_vreg.scatter [tilespmem:s25], [sflag:$0x6], $0x80, v4, vm0, $0xb8;
	[tilespmem:$0x10100] =	vst v63  }
0x230: {  	s30 =	simm.s32 $0xA900  }
0x231: {  	[hbm4b:s5+s2] =	stream.indirect_vreg.scatter [tilespmem:s30], [sflag:$0x6], $0x80, v4, vm0, $0xb8;
	[tilespmem:$0x10100] =	vst v63  }
0x232: {  	s31 =	simm.s32 $0xB100  }
0x233: {  	[hbm4b:s4+s2] =	stream.indirect_vreg.scatter [tilespmem:s31], [sflag:$0x6], $0x80, v3, vm0, $0xb8;
	[tilespmem:$0x10100] =	vst v63  }
0x234: {  	s16 =	simm.s32 $0xB900  }
0x235: {  	[hbm4b:s5+s2] =	stream.indirect_vreg.scatter [tilespmem:s16], [sflag:$0x6], $0x80, v3, vm0, $0xb8;
	[tilespmem:$0x10100] =	vst v63  }
0x236: {  	v3 =	vld [tilespmem:$0xA0];
	_ =	sdelay $0x4  }
0x237: {  	v62 =	vshll.u32 v3, $0x2  }
0x238: {  	v3 =	vand.u32 $0x7, v3;
	v4 =	vand.u32 $0xFFFFFFE0, v62  }
0x239: {  	v3 =	vor.u32 v3, v4  }
0x23a: {  	v4 =	vperm.xlane v3, v0;
	_ =	sdelay $0x1  }
0x23b: {  	v4 =	vadd.s32 v1, v4;
	_ =	sdelay $0x1  }
0x23c: {  	v3 =	vperm.xlane v3, v2;
	_ =	sdelay $0x1  }
0x23d: {  	s17 =	simm.s32 $0xC100;
	v3 =	vadd.s32 v1, v3  }
0x23e: {  	[hbm4b:s4+s2] =	stream.indirect_vreg.scatter [tilespmem:s17], [sflag:$0x6], $0x80, v4, vm0, $0xb8;
	[tilespmem:$0x10100] =	vst v63  }
0x23f: {  	s18 =	simm.s32 $0xC900  }
0x240: {  	[hbm4b:s5+s2] =	stream.indirect_vreg.scatter [tilespmem:s18], [sflag:$0x6], $0x80, v4, vm0, $0xb8;
	[tilespmem:$0x10100] =	vst v63  }
0x241: {  	s22 =	simm.s32 $0xD100  }
0x242: {  	[hbm4b:s4+s2] =	stream.indirect_vreg.scatter [tilespmem:s22], [sflag:$0x6], $0x80, v3, vm0, $0xb8;
	[tilespmem:$0x10100] =	vst v63  }
0x243: {  	s23 =	simm.s32 $0xD900  }
0x244: {  	[hbm4b:s5+s2] =	stream.indirect_vreg.scatter [tilespmem:s23], [sflag:$0x6], $0x80, v3, vm0, $0xb8;
	[tilespmem:$0x10100] =	vst v63  }
0x245: {  	v3 =	vld [tilespmem:$0xB0];
	_ =	sdelay $0x4  }
0x246: {  	v63 =	vshll.u32 v3, $0x2  }
0x247: {  	v3 =	vand.u32 $0x7, v3;
	v4 =	vand.u32 $0xFFFFFFE0, v63  }
0x248: {  	v3 =	vor.u32 v3, v4  }
0x249: {  	v4 =	vperm.xlane v3, v0;
	_ =	sdelay $0x1  }
0x24a: {  	v4 =	vadd.s32 v1, v4;
	_ =	sdelay $0x1  }
0x24b: {  	v3 =	vperm.xlane v3, v2;
	_ =	sdelay $0x1  }
0x24c: {  	s24 =	simm.s32 $0xE100;
	v3 =	vadd.s32 v1, v3  }
0x24d: {  	[hbm4b:s4+s2] =	stream.indirect_vreg.scatter [tilespmem:s24], [sflag:$0x6], $0x80, v4, vm0, $0xb8;
	[tilespmem:$0x10100] =	vst v63  }
0x24e: {  	s25 =	simm.s32 $0xE900  }
0x24f: {  	[hbm4b:s5+s2] =	stream.indirect_vreg.scatter [tilespmem:s25], [sflag:$0x6], $0x80, v4, vm0, $0xb8;
	[tilespmem:$0x10100] =	vst v63  }
0x250: {  	s30 =	simm.s32 $0xF100  }
0x251: {  	[hbm4b:s4+s2] =	stream.indirect_vreg.scatter [tilespmem:s30], [sflag:$0x6], $0x80, v3, vm0, $0xb8;
	[tilespmem:$0x10100] =	vst v63  }
0x252: {  	s31 =	simm.s32 $0xF900  }
0x253: {  	[hbm4b:s5+s2] =	stream.indirect_vreg.scatter [tilespmem:s31], [sflag:$0x6], $0x80, v3, vm0, $0xb8;
	[tilespmem:$0x10100] =	vst v63  }
0x254: {  	p0 =	sne.s32 s6, $0x1;
	_ =	swait.ge [sflag:s21], $0x8000  }
.Ltmp0:
0x255: {  	[sflag:s21] =	ssyncset.done $0x0;
	(pc) =	sbr.rel @p0 .LBB2_1-.Ltmp0, $4  }
0x256: {  	[sflag:s21] =	ssyncadd.s32 $0xFFFF8000  }
0x257: {  	_ =	swait.ge [sflag:s20], $0x8000  }
0x258: {  	[sflag:s20] =	ssyncset.done $0x0  }
0x259: {  	s6 =	sadd.s32 $0xFFFFFFFF, s6;
	[sflag:s20] =	ssyncadd.s32 $0xFFFF8000  }
0x25a: {  	_ =	sfence.sel $0x180000  }
0x25b: {  	[bflag:$0x0] =	sbarrier.arrive $0xFFFF  }
0x25c: {  	_ =	strace $0x90000047  }
0x25d: {  	s0 =	stileid.u32;
	[bflag:$0x2] =	sbarrier.arrive $0xFFFF  }
0x25e: {  	p0 =	sne.s32 s0, $0x0;
	s0 =	rddreg [dreg:$0x2]  }
0x25f: {  	s0 =	sadd.s32 @!p0 $0x100000, s0  }
0x260: {  	[sflag:s0] =	ssyncadd.tile.s32 @!p0 $0x1;
	_ =	shalt  }
.Lfunc_end2:
_tile_overlayer_lowered:
.L_overlay_start_2:
0x261: {  	(tag) =	ssettag $0x2  }
0x262: {  	s0 =	rddreg [dreg:$0x0];
	s2 =	stileid.u32  }
0x263: {  	s1 =	rddreg [dreg:$0x1];
	p0 =	sne.s32 s2, $0x0  }
0x264: {  	s3 =	rddreg [dreg:$0x2];
	[bflag:$0x3] =	sbarrier.arrive $0xFFFF;
	s2 =	simm.s32 @!p0 $0x1C07  }
0x265: {  	[timem:s3], [sflag:s2] =	dma.local @!p0 [hbm:s0], s1  }
0x266: {  	s0 =	simm.s32 @!p0 $0x7  }
0x267: {  	_ =	swait.ge @!p0 [sflag:s0], s1  }
0x268: {  	s1 =	ssub.s32 @!p0 $0x0, s1;
	[sflag:s0] =	ssyncset.done @!p0 $0x0  }
0x269: {  	[sflag:s0] =	ssyncadd.s32 @!p0 s1  }
0x26a: {  	[bflag:$0x3] =	sbarrier.arrive $0xFFFF  }
0x26b: {  	_ =	shalt  }

</sc_bundles>
